<compile_context>
chip_gen: v7x
topology: tpu7x:2x2x1
jax: 0.10.2.dev20260603
libtpu: 0.0.44.dev20260713+nightly
codegen_flags: <defaults>
</compile_context>

<pallas_src>
import functools

import jax
import jax.numpy as jnp
from jax import lax
from jax.experimental import pallas as pl
from jax.experimental.pallas import tpu as pltpu
from jax.experimental.pallas import tpu_sc as plsc

B, C, H, W = 64, 384, 32, 32
D = H * W
NC, NS, L = 2, 16, 16
NW = NC * NS
BPW = B // NW
RPW = BPW * C
K = 48
NCHUNK = RPW // K


def _sc_body(x_hbm, idx_hbm, out_hbm, idx_v, adj_v, buf0, buf1,
             gsem0, gsem1, wsem0, wsem1):
    wid = lax.axis_index("s") * NC + lax.axis_index("c")
    out_base = wid * RPW
    pltpu.sync_copy(idx_hbm, idx_v)
    for bi in range(BPW):
        row0 = (wid * BPW + bi) * C
        for t in range(C // L):
            sl_in = pl.ds(t * L, L)
            sl_out = pl.ds(bi * C + t * L, L)
            adj_v[sl_out] = idx_v[sl_in] + row0

    bufs = (buf0, buf1)
    gsems = (gsem0, gsem1)
    wsems = (wsem0, wsem1)

    def fire(j):
        return pltpu.async_copy(
            x_hbm.at[adj_v.at[pl.ds(j * K, K)]], bufs[j % 2], gsems[j % 2]
        )

    gc = [fire(0), None]
    wc = [None, None]
    for j in range(NCHUNK):
        p = j % 2
        q = p ^ 1
        if j + 1 < NCHUNK:
            if wc[q] is not None:
                wc[q].wait()
                wc[q] = None
            gc[q] = fire(j + 1)
        gc[p].wait()
        wc[p] = pltpu.async_copy(
            bufs[p], out_hbm.at[pl.ds(out_base + j * K, K)], wsems[p]
        )
    for p in range(2):
        if wc[p] is not None:
            wc[p].wait()


@jax.jit
def _sc_gather(x2, idx):
    mesh = plsc.VectorSubcoreMesh(core_axis_name="c", subcore_axis_name="s")
    return pl.kernel(
        _sc_body,
        mesh=mesh,
        out_type=jax.ShapeDtypeStruct((B * C, D), jnp.float32),
        scratch_types=[
            pltpu.VMEM((C,), jnp.int32),
            pltpu.VMEM((RPW,), jnp.int32),
            pltpu.VMEM((K, D), jnp.float32),
            pltpu.VMEM((K, D), jnp.float32),
            pltpu.SemaphoreType.DMA,
            pltpu.SemaphoreType.DMA,
            pltpu.SemaphoreType.DMA,
            pltpu.SemaphoreType.DMA,
        ],
    )(x2, idx)


def kernel(x, indices):
    idx = indices.astype(jnp.int32)
    out2 = _sc_gather(x.reshape(B * C, D), idx)
    return out2.reshape(B, C, H, W)

# --- scband reference (transcript-rebuilt; emitter-appended) ---
"""Pipeline reference for scband-feature-map-pruner-62560493634004 (READ-ONLY COPY).

The authoritative reference and input builder live on the scoring server;
editing this copy changes nothing except your own understanding.
"""

import jax, jax.numpy as jnp
import numpy as np

def setup_inputs(seed: int = 0) -> dict:
    key = jax.random.key(seed)
    k1, _ = jax.random.split(key)
    x = jax.random.normal(k1, (64, 384, 32, 32), dtype=jnp.float32)
    # buffer: indices defaults to arange(num_features)
    indices = jnp.arange(384, dtype=jnp.int64)
    return {"x": x, "indices": indices}

def reference(x, indices):
    # Faithful translation of FeatureMapPruner.forward: x[:, indices, :, :]
    return jnp.take(x, indices, axis=1)

if __name__ == "__main__":
    import jax
    _d = setup_inputs()
    print(jax.jit(kernel)(*tuple(_d.values())))

</pallas_src>

<mosaic_0001>
#map = affine_map<(d0, d1) -> (0, 0)>
#map1 = affine_map<(d0, d1) -> (0)>
module attributes {stable_mosaic.version = 14 : i64} {
  func.func @_sc_body(%arg0: i32, %arg1: i32, %arg2: memref<24576x1024xf32, #tpu.memory_space<hbm>>, %arg3: memref<384xi32, #tpu.memory_space<hbm>>, %arg4: memref<24576x1024xf32, #tpu.memory_space<hbm>>, %arg5: memref<384xi32, #tpu.memory_space<vmem>>, %arg6: memref<768xi32, #tpu.memory_space<vmem>>, %arg7: memref<48x1024xf32, #tpu.memory_space<vmem>>, %arg8: memref<48x1024xf32, #tpu.memory_space<vmem>>, %arg9: memref<!tpu.dma_semaphore, #tpu.memory_space<semaphore_mem>>, %arg10: memref<!tpu.dma_semaphore, #tpu.memory_space<semaphore_mem>>, %arg11: memref<!tpu.dma_semaphore, #tpu.memory_space<semaphore_mem>>, %arg12: memref<!tpu.dma_semaphore, #tpu.memory_space<semaphore_mem>>) attributes {dimension_semantics = [#tpu.dimension_semantics<core_parallel>, #tpu.dimension_semantics<subcore_parallel>], iteration_bounds = array<i64: 2, 16>, scalar_prefetch = 0 : i64, scratch_operands = 8 : i64, tpu.core_type = #tpu.core_type<sc_vector_subcore>, window_params = [{transform_indices = #map}, {transform_indices = #map1}, {transform_indices = #map}]} {
    %mul3A = arith.constant 2 : i32
    %mul3A_0 = arith.muli %arg1, %mul3A : i32
    %add3A = arith.addi %mul3A_0, %arg0 : i32
    %mul3A_1 = arith.constant 768 : i32
    %mul3A_2 = arith.muli %add3A, %mul3A_1 : i32
    "tpu.region"() ({
      %run_scoped3A = tpu.sem_alloc : memref<!tpu.dma_semaphore, #tpu.memory_space<semaphore_mem>>
      tpu.enqueue_dma source(%arg3 : memref<384xi32, #tpu.memory_space<hbm>>) target(%arg5 : memref<384xi32, #tpu.memory_space<vmem>>) target_semaphore(%run_scoped3A : memref<!tpu.dma_semaphore, #tpu.memory_space<semaphore_mem>>)
      tpu.wait_dma2 semaphore(%run_scoped3A : memref<!tpu.dma_semaphore, #tpu.memory_space<semaphore_mem>>) src(%arg3 : memref<384xi32, #tpu.memory_space<hbm>>) dst(%arg5 : memref<384xi32, #tpu.memory_space<vmem>>)
      tpu.yield
    }) : () -> ()
    %mul3A_3 = arith.constant 2 : i32
    %mul3A_4 = arith.muli %add3A, %mul3A_3 : i32
    %add3A_5 = arith.constant 0 : i32
    %add3A_6 = arith.addi %mul3A_4, %add3A_5 : i32
    %mul3A_7 = arith.constant 384 : i32
    %mul3A_8 = arith.muli %add3A_6, %mul3A_7 : i32
    %get3A = arith.constant 0 : index
    %get3A_9 = tpu.vector_load %arg5[%get3A] {strides = array<i32>} : memref<384xi32, #tpu.memory_space<vmem>>, vector<16xi32>,
    %get3A_10 = vector.shape_cast %get3A_9 : vector<16xi32> to vector<16xi32>
    %add3A_11 = vector.broadcast %mul3A_8 : i32 to vector<16xi32>
    %add3A_12 = arith.addi %get3A_10, %add3A_11 : vector<16xi32>
    %swap3A = arith.constant 0 : index
    %swap3A_13 = tpu.vector_load %arg6[%swap3A] {strides = array<i32>} : memref<768xi32, #tpu.memory_space<vmem>>, vector<16xi32>,
    %swap3A_14 = vector.shape_cast %swap3A_13 : vector<16xi32> to vector<16xi32>
    %swap3A_15 = vector.shape_cast %add3A_12 : vector<16xi32> to vector<16xi32>
    tpu.vector_store %arg6[%swap3A], %swap3A_15 {strides = array<i32>} : memref<768xi32, #tpu.memory_space<vmem>>, vector<16xi32>,
    %get3A_16 = arith.constant 16 : index
    %get3A_17 = tpu.vector_load %arg5[%get3A_16] {strides = array<i32>} : memref<384xi32, #tpu.memory_space<vmem>>, vector<16xi32>,
    %get3A_18 = vector.shape_cast %get3A_17 : vector<16xi32> to vector<16xi32>
    %add3A_19 = vector.broadcast %mul3A_8 : i32 to vector<16xi32>
    %add3A_20 = arith.addi %get3A_18, %add3A_19 : vector<16xi32>
    %swap3A_21 = arith.constant 16 : index
    %swap3A_22 = tpu.vector_load %arg6[%swap3A_21] {strides = array<i32>} : memref<768xi32, #tpu.memory_space<vmem>>, vector<16xi32>,
    %swap3A_23 = vector.shape_cast %swap3A_22 : vector<16xi32> to vector<16xi32>
    %swap3A_24 = vector.shape_cast %add3A_20 : vector<16xi32> to vector<16xi32>
    tpu.vector_store %arg6[%swap3A_21], %swap3A_24 {strides = array<i32>} : memref<768xi32, #tpu.memory_space<vmem>>, vector<16xi32>,
    %get3A_25 = arith.constant 32 : index
    %get3A_26 = tpu.vector_load %arg5[%get3A_25] {strides = array<i32>} : memref<384xi32, #tpu.memory_space<vmem>>, vector<16xi32>,
    %get3A_27 = vector.shape_cast %get3A_26 : vector<16xi32> to vector<16xi32>
    %add3A_28 = vector.broadcast %mul3A_8 : i32 to vector<16xi32>
    %add3A_29 = arith.addi %get3A_27, %add3A_28 : vector<16xi32>
    %swap3A_30 = arith.constant 32 : index
    %swap3A_31 = tpu.vector_load %arg6[%swap3A_30] {strides = array<i32>} : memref<768xi32, #tpu.memory_space<vmem>>, vector<16xi32>,
    %swap3A_32 = vector.shape_cast %swap3A_31 : vector<16xi32> to vector<16xi32>
    %swap3A_33 = vector.shape_cast %add3A_29 : vector<16xi32> to vector<16xi32>
    tpu.vector_store %arg6[%swap3A_30], %swap3A_33 {strides = array<i32>} : memref<768xi32, #tpu.memory_space<vmem>>, vector<16xi32>,
    %get3A_34 = arith.constant 48 : index
    %get3A_35 = tpu.vector_load %arg5[%get3A_34] {strides = array<i32>} : memref<384xi32, #tpu.memory_space<vmem>>, vector<16xi32>,
    %get3A_36 = vector.shape_cast %get3A_35 : vector<16xi32> to vector<16xi32>
    %add3A_37 = vector.broadcast %mul3A_8 : i32 to vector<16xi32>
    %add3A_38 = arith.addi %get3A_36, %add3A_37 : vector<16xi32>
    %swap3A_39 = arith.constant 48 : index
    %swap3A_40 = tpu.vector_load %arg6[%swap3A_39] {strides = array<i32>} : memref<768xi32, #tpu.memory_space<vmem>>, vector<16xi32>,
    %swap3A_41 = vector.shape_cast %swap3A_40 : vector<16xi32> to vector<16xi32>
    %swap3A_42 = vector.shape_cast %add3A_38 : vector<16xi32> to vector<16xi32>
    tpu.vector_store %arg6[%swap3A_39], %swap3A_42 {strides = array<i32>} : memref<768xi32, #tpu.memory_space<vmem>>, vector<16xi32>,
    %get3A_43 = arith.constant 64 : index
    %get3A_44 = tpu.vector_load %arg5[%get3A_43] {strides = array<i32>} : memref<384xi32, #tpu.memory_space<vmem>>, vector<16xi32>,
    %get3A_45 = vector.shape_cast %get3A_44 : vector<16xi32> to vector<16xi32>
    %add3A_46 = vector.broadcast %mul3A_8 : i32 to vector<16xi32>
    %add3A_47 = arith.addi %get3A_45, %add3A_46 : vector<16xi32>
    %swap3A_48 = arith.constant 64 : index
    %swap3A_49 = tpu.vector_load %arg6[%swap3A_48] {strides = array<i32>} : memref<768xi32, #tpu.memory_space<vmem>>, vector<16xi32>,
    %swap3A_50 = vector.shape_cast %swap3A_49 : vector<16xi32> to vector<16xi32>
    %swap3A_51 = vector.shape_cast %add3A_47 : vector<16xi32> to vector<16xi32>
    tpu.vector_store %arg6[%swap3A_48], %swap3A_51 {strides = array<i32>} : memref<768xi32, #tpu.memory_space<vmem>>, vector<16xi32>,
    %get3A_52 = arith.constant 80 : index
    %get3A_53 = tpu.vector_load %arg5[%get3A_52] {strides = array<i32>} : memref<384xi32, #tpu.memory_space<vmem>>, vector<16xi32>,
    %get3A_54 = vector.shape_cast %get3A_53 : vector<16xi32> to vector<16xi32>
    %add3A_55 = vector.broadcast %mul3A_8 : i32 to vector<16xi32>
    %add3A_56 = arith.addi %get3A_54, %add3A_55 : vector<16xi32>
    %swap3A_57 = arith.constant 80 : index
    %swap3A_58 = tpu.vector_load %arg6[%swap3A_57] {strides = array<i32>} : memref<768xi32, #tpu.memory_space<vmem>>, vector<16xi32>,
    %swap3A_59 = vector.shape_cast %swap3A_58 : vector<16xi32> to vector<16xi32>
    %swap3A_60 = vector.shape_cast %add3A_56 : vector<16xi32> to vector<16xi32>
    tpu.vector_store %arg6[%swap3A_57], %swap3A_60 {strides = array<i32>} : memref<768xi32, #tpu.memory_space<vmem>>, vector<16xi32>,
    %get3A_61 = arith.constant 96 : index
    %get3A_62 = tpu.vector_load %arg5[%get3A_61] {strides = array<i32>} : memref<384xi32, #tpu.memory_space<vmem>>, vector<16xi32>,
    %get3A_63 = vector.shape_cast %get3A_62 : vector<16xi32> to vector<16xi32>
    %add3A_64 = vector.broadcast %mul3A_8 : i32 to vector<16xi32>
    %add3A_65 = arith.addi %get3A_63, %add3A_64 : vector<16xi32>
    %swap3A_66 = arith.constant 96 : index
    %swap3A_67 = tpu.vector_load %arg6[%swap3A_66] {strides = array<i32>} : memref<768xi32, #tpu.memory_space<vmem>>, vector<16xi32>,
    %swap3A_68 = vector.shape_cast %swap3A_67 : vector<16xi32> to vector<16xi32>
    %swap3A_69 = vector.shape_cast %add3A_65 : vector<16xi32> to vector<16xi32>
    tpu.vector_store %arg6[%swap3A_66], %swap3A_69 {strides = array<i32>} : memref<768xi32, #tpu.memory_space<vmem>>, vector<16xi32>,
    %get3A_70 = arith.constant 112 : index
    %get3A_71 = tpu.vector_load %arg5[%get3A_70] {strides = array<i32>} : memref<384xi32, #tpu.memory_space<vmem>>, vector<16xi32>,
    %get3A_72 = vector.shape_cast %get3A_71 : vector<16xi32> to vector<16xi32>
    %add3A_73 = vector.broadcast %mul3A_8 : i32 to vector<16xi32>
    %add3A_74 = arith.addi %get3A_72, %add3A_73 : vector<16xi32>
    %swap3A_75 = arith.constant 112 : index
    %swap3A_76 = tpu.vector_load %arg6[%swap3A_75] {strides = array<i32>} : memref<768xi32, #tpu.memory_space<vmem>>, vector<16xi32>,
    %swap3A_77 = vector.shape_cast %swap3A_76 : vector<16xi32> to vector<16xi32>
    %swap3A_78 = vector.shape_cast %add3A_74 : vector<16xi32> to vector<16xi32>
    tpu.vector_store %arg6[%swap3A_75], %swap3A_78 {strides = array<i32>} : memref<768xi32, #tpu.memory_space<vmem>>, vector<16xi32>,
    %get3A_79 = arith.constant 128 : index
    %get3A_80 = tpu.vector_load %arg5[%get3A_79] {strides = array<i32>} : memref<384xi32, #tpu.memory_space<vmem>>, vector<16xi32>,
    %get3A_81 = vector.shape_cast %get3A_80 : vector<16xi32> to vector<16xi32>
    %add3A_82 = vector.broadcast %mul3A_8 : i32 to vector<16xi32>
    %add3A_83 = arith.addi %get3A_81, %add3A_82 : vector<16xi32>
    %swap3A_84 = arith.constant 128 : index
    %swap3A_85 = tpu.vector_load %arg6[%swap3A_84] {strides = array<i32>} : memref<768xi32, #tpu.memory_space<vmem>>, vector<16xi32>,
    %swap3A_86 = vector.shape_cast %swap3A_85 : vector<16xi32> to vector<16xi32>
    %swap3A_87 = vector.shape_cast %add3A_83 : vector<16xi32> to vector<16xi32>
    tpu.vector_store %arg6[%swap3A_84], %swap3A_87 {strides = array<i32>} : memref<768xi32, #tpu.memory_space<vmem>>, vector<16xi32>,
    %get3A_88 = arith.constant 144 : index
    %get3A_89 = tpu.vector_load %arg5[%get3A_88] {strides = array<i32>} : memref<384xi32, #tpu.memory_space<vmem>>, vector<16xi32>,
    %get3A_90 = vector.shape_cast %get3A_89 : vector<16xi32> to vector<16xi32>
    %add3A_91 = vector.broadcast %mul3A_8 : i32 to vector<16xi32>
    %add3A_92 = arith.addi %get3A_90, %add3A_91 : vector<16xi32>
    %swap3A_93 = arith.constant 144 : index
    %swap3A_94 = tpu.vector_load %arg6[%swap3A_93] {strides = array<i32>} : memref<768xi32, #tpu.memory_space<vmem>>, vector<16xi32>,
    %swap3A_95 = vector.shape_cast %swap3A_94 : vector<16xi32> to vector<16xi32>
    %swap3A_96 = vector.shape_cast %add3A_92 : vector<16xi32> to vector<16xi32>
    tpu.vector_store %arg6[%swap3A_93], %swap3A_96 {strides = array<i32>} : memref<768xi32, #tpu.memory_space<vmem>>, vector<16xi32>,
    %get3A_97 = arith.constant 160 : index
    %get3A_98 = tpu.vector_load %arg5[%get3A_97] {strides = array<i32>} : memref<384xi32, #tpu.memory_space<vmem>>, vector<16xi32>,
    %get3A_99 = vector.shape_cast %get3A_98 : vector<16xi32> to vector<16xi32>
    %add3A_100 = vector.broadcast %mul3A_8 : i32 to vector<16xi32>
    %add3A_101 = arith.addi %get3A_99, %add3A_100 : vector<16xi32>
    %swap3A_102 = arith.constant 160 : index
    %swap3A_103 = tpu.vector_load %arg6[%swap3A_102] {strides = array<i32>} : memref<768xi32, #tpu.memory_space<vmem>>, vector<16xi32>,
    %swap3A_104 = vector.shape_cast %swap3A_103 : vector<16xi32> to vector<16xi32>
    %swap3A_105 = vector.shape_cast %add3A_101 : vector<16xi32> to vector<16xi32>
    tpu.vector_store %arg6[%swap3A_102], %swap3A_105 {strides = array<i32>} : memref<768xi32, #tpu.memory_space<vmem>>, vector<16xi32>,
    %get3A_106 = arith.constant 176 : index
    %get3A_107 = tpu.vector_load %arg5[%get3A_106] {strides = array<i32>} : memref<384xi32, #tpu.memory_space<vmem>>, vector<16xi32>,
    %get3A_108 = vector.shape_cast %get3A_107 : vector<16xi32> to vector<16xi32>
    %add3A_109 = vector.broadcast %mul3A_8 : i32 to vector<16xi32>
    %add3A_110 = arith.addi %get3A_108, %add3A_109 : vector<16xi32>
    %swap3A_111 = arith.constant 176 : index
    %swap3A_112 = tpu.vector_load %arg6[%swap3A_111] {strides = array<i32>} : memref<768xi32, #tpu.memory_space<vmem>>, vector<16xi32>,
    %swap3A_113 = vector.shape_cast %swap3A_112 : vector<16xi32> to vector<16xi32>
    %swap3A_114 = vector.shape_cast %add3A_110 : vector<16xi32> to vector<16xi32>
    tpu.vector_store %arg6[%swap3A_111], %swap3A_114 {strides = array<i32>} : memref<768xi32, #tpu.memory_space<vmem>>, vector<16xi32>,
    %get3A_115 = arith.constant 192 : index
    %get3A_116 = tpu.vector_load %arg5[%get3A_115] {strides = array<i32>} : memref<384xi32, #tpu.memory_space<vmem>>, vector<16xi32>,
    %get3A_117 = vector.shape_cast %get3A_116 : vector<16xi32> to vector<16xi32>
    %add3A_118 = vector.broadcast %mul3A_8 : i32 to vector<16xi32>
    %add3A_119 = arith.addi %get3A_117, %add3A_118 : vector<16xi32>
    %swap3A_120 = arith.constant 192 : index
    %swap3A_121 = tpu.vector_load %arg6[%swap3A_120] {strides = array<i32>} : memref<768xi32, #tpu.memory_space<vmem>>, vector<16xi32>,
    %swap3A_122 = vector.shape_cast %swap3A_121 : vector<16xi32> to vector<16xi32>
    %swap3A_123 = vector.shape_cast %add3A_119 : vector<16xi32> to vector<16xi32>
    tpu.vector_store %arg6[%swap3A_120], %swap3A_123 {strides = array<i32>} : memref<768xi32, #tpu.memory_space<vmem>>, vector<16xi32>,
    %get3A_124 = arith.constant 208 : index
    %get3A_125 = tpu.vector_load %arg5[%get3A_124] {strides = array<i32>} : memref<384xi32, #tpu.memory_space<vmem>>, vector<16xi32>,
    %get3A_126 = vector.shape_cast %get3A_125 : vector<16xi32> to vector<16xi32>
    %add3A_127 = vector.broadcast %mul3A_8 : i32 to vector<16xi32>
    %add3A_128 = arith.addi %get3A_126, %add3A_127 : vector<16xi32>
    %swap3A_129 = arith.constant 208 : index
    %swap3A_130 = tpu.vector_load %arg6[%swap3A_129] {strides = array<i32>} : memref<768xi32, #tpu.memory_space<vmem>>, vector<16xi32>,
    %swap3A_131 = vector.shape_cast %swap3A_130 : vector<16xi32> to vector<16xi32>
    %swap3A_132 = vector.shape_cast %add3A_128 : vector<16xi32> to vector<16xi32>
    tpu.vector_store %arg6[%swap3A_129], %swap3A_132 {strides = array<i32>} : memref<768xi32, #tpu.memory_space<vmem>>, vector<16xi32>,
    %get3A_133 = arith.constant 224 : index
    %get3A_134 = tpu.vector_load %arg5[%get3A_133] {strides = array<i32>} : memref<384xi32, #tpu.memory_space<vmem>>, vector<16xi32>,
    %get3A_135 = vector.shape_cast %get3A_134 : vector<16xi32> to vector<16xi32>
    %add3A_136 = vector.broadcast %mul3A_8 : i32 to vector<16xi32>
    %add3A_137 = arith.addi %get3A_135, %add3A_136 : vector<16xi32>
    %swap3A_138 = arith.constant 224 : index
    %swap3A_139 = tpu.vector_load %arg6[%swap3A_138] {strides = array<i32>} : memref<768xi32, #tpu.memory_space<vmem>>, vector<16xi32>,
    %swap3A_140 = vector.shape_cast %swap3A_139 : vector<16xi32> to vector<16xi32>
    %swap3A_141 = vector.shape_cast %add3A_137 : vector<16xi32> to vector<16xi32>
    tpu.vector_store %arg6[%swap3A_138], %swap3A_141 {strides = array<i32>} : memref<768xi32, #tpu.memory_space<vmem>>, vector<16xi32>,
    %get3A_142 = arith.constant 240 : index
    %get3A_143 = tpu.vector_load %arg5[%get3A_142] {strides = array<i32>} : memref<384xi32, #tpu.memory_space<vmem>>, vector<16xi32>,
    %get3A_144 = vector.shape_cast %get3A_143 : vector<16xi32> to vector<16xi32>
    %add3A_145 = vector.broadcast %mul3A_8 : i32 to vector<16xi32>
    %add3A_146 = arith.addi %get3A_144, %add3A_145 : vector<16xi32>
    %swap3A_147 = arith.constant 240 : index
    %swap3A_148 = tpu.vector_load %arg6[%swap3A_147] {strides = array<i32>} : memref<768xi32, #tpu.memory_space<vmem>>, vector<16xi32>,
    %swap3A_149 = vector.shape_cast %swap3A_148 : vector<16xi32> to vector<16xi32>
    %swap3A_150 = vector.shape_cast %add3A_146 : vector<16xi32> to vector<16xi32>
    tpu.vector_store %arg6[%swap3A_147], %swap3A_150 {strides = array<i32>} : memref<768xi32, #tpu.memory_space<vmem>>, vector<16xi32>,
    %get3A_151 = arith.constant 256 : index
    %get3A_152 = tpu.vector_load %arg5[%get3A_151] {strides = array<i32>} : memref<384xi32, #tpu.memory_space<vmem>>, vector<16xi32>,
    %get3A_153 = vector.shape_cast %get3A_152 : vector<16xi32> to vector<16xi32>
    %add3A_154 = vector.broadcast %mul3A_8 : i32 to vector<16xi32>
    %add3A_155 = arith.addi %get3A_153, %add3A_154 : vector<16xi32>
    %swap3A_156 = arith.constant 256 : index
    %swap3A_157 = tpu.vector_load %arg6[%swap3A_156] {strides = array<i32>} : memref<768xi32, #tpu.memory_space<vmem>>, vector<16xi32>,
    %swap3A_158 = vector.shape_cast %swap3A_157 : vector<16xi32> to vector<16xi32>
    %swap3A_159 = vector.shape_cast %add3A_155 : vector<16xi32> to vector<16xi32>
    tpu.vector_store %arg6[%swap3A_156], %swap3A_159 {strides = array<i32>} : memref<768xi32, #tpu.memory_space<vmem>>, vector<16xi32>,
    %get3A_160 = arith.constant 272 : index
    %get3A_161 = tpu.vector_load %arg5[%get3A_160] {strides = array<i32>} : memref<384xi32, #tpu.memory_space<vmem>>, vector<16xi32>,
    %get3A_162 = vector.shape_cast %get3A_161 : vector<16xi32> to vector<16xi32>
    %add3A_163 = vector.broadcast %mul3A_8 : i32 to vector<16xi32>
    %add3A_164 = arith.addi %get3A_162, %add3A_163 : vector<16xi32>
    %swap3A_165 = arith.constant 272 : index
    %swap3A_166 = tpu.vector_load %arg6[%swap3A_165] {strides = array<i32>} : memref<768xi32, #tpu.memory_space<vmem>>, vector<16xi32>,
    %swap3A_167 = vector.shape_cast %swap3A_166 : vector<16xi32> to vector<16xi32>
    %swap3A_168 = vector.shape_cast %add3A_164 : vector<16xi32> to vector<16xi32>
    tpu.vector_store %arg6[%swap3A_165], %swap3A_168 {strides = array<i32>} : memref<768xi32, #tpu.memory_space<vmem>>, vector<16xi32>,
    %get3A_169 = arith.constant 288 : index
    %get3A_170 = tpu.vector_load %arg5[%get3A_169] {strides = array<i32>} : memref<384xi32, #tpu.memory_space<vmem>>, vector<16xi32>,
    %get3A_171 = vector.shape_cast %get3A_170 : vector<16xi32> to vector<16xi32>
    %add3A_172 = vector.broadcast %mul3A_8 : i32 to vector<16xi32>
    %add3A_173 = arith.addi %get3A_171, %add3A_172 : vector<16xi32>
    %swap3A_174 = arith.constant 288 : index
    %swap3A_175 = tpu.vector_load %arg6[%swap3A_174] {strides = array<i32>} : memref<768xi32, #tpu.memory_space<vmem>>, vector<16xi32>,
    %swap3A_176 = vector.shape_cast %swap3A_175 : vector<16xi32> to vector<16xi32>
    %swap3A_177 = vector.shape_cast %add3A_173 : vector<16xi32> to vector<16xi32>
    tpu.vector_store %arg6[%swap3A_174], %swap3A_177 {strides = array<i32>} : memref<768xi32, #tpu.memory_space<vmem>>, vector<16xi32>,
    %get3A_178 = arith.constant 304 : index
    %get3A_179 = tpu.vector_load %arg5[%get3A_178] {strides = array<i32>} : memref<384xi32, #tpu.memory_space<vmem>>, vector<16xi32>,
    %get3A_180 = vector.shape_cast %get3A_179 : vector<16xi32> to vector<16xi32>
    %add3A_181 = vector.broadcast %mul3A_8 : i32 to vector<16xi32>
    %add3A_182 = arith.addi %get3A_180, %add3A_181 : vector<16xi32>
    %swap3A_183 = arith.constant 304 : index
    %swap3A_184 = tpu.vector_load %arg6[%swap3A_183] {strides = array<i32>} : memref<768xi32, #tpu.memory_space<vmem>>, vector<16xi32>,
    %swap3A_185 = vector.shape_cast %swap3A_184 : vector<16xi32> to vector<16xi32>
    %swap3A_186 = vector.shape_cast %add3A_182 : vector<16xi32> to vector<16xi32>
    tpu.vector_store %arg6[%swap3A_183], %swap3A_186 {strides = array<i32>} : memref<768xi32, #tpu.memory_space<vmem>>, vector<16xi32>,
    %get3A_187 = arith.constant 320 : index
    %get3A_188 = tpu.vector_load %arg5[%get3A_187] {strides = array<i32>} : memref<384xi32, #tpu.memory_space<vmem>>, vector<16xi32>,
    %get3A_189 = vector.shape_cast %get3A_188 : vector<16xi32> to vector<16xi32>
    %add3A_190 = vector.broadcast %mul3A_8 : i32 to vector<16xi32>
    %add3A_191 = arith.addi %get3A_189, %add3A_190 : vector<16xi32>
    %swap3A_192 = arith.constant 320 : index
    %swap3A_193 = tpu.vector_load %arg6[%swap3A_192] {strides = array<i32>} : memref<768xi32, #tpu.memory_space<vmem>>, vector<16xi32>,
    %swap3A_194 = vector.shape_cast %swap3A_193 : vector<16xi32> to vector<16xi32>
    %swap3A_195 = vector.shape_cast %add3A_191 : vector<16xi32> to vector<16xi32>
    tpu.vector_store %arg6[%swap3A_192], %swap3A_195 {strides = array<i32>} : memref<768xi32, #tpu.memory_space<vmem>>, vector<16xi32>,
    %get3A_196 = arith.constant 336 : index
    %get3A_197 = tpu.vector_load %arg5[%get3A_196] {strides = array<i32>} : memref<384xi32, #tpu.memory_space<vmem>>, vector<16xi32>,
    %get3A_198 = vector.shape_cast %get3A_197 : vector<16xi32> to vector<16xi32>
    %add3A_199 = vector.broadcast %mul3A_8 : i32 to vector<16xi32>
    %add3A_200 = arith.addi %get3A_198, %add3A_199 : vector<16xi32>
    %swap3A_201 = arith.constant 336 : index
    %swap3A_202 = tpu.vector_load %arg6[%swap3A_201] {strides = array<i32>} : memref<768xi32, #tpu.memory_space<vmem>>, vector<16xi32>,
    %swap3A_203 = vector.shape_cast %swap3A_202 : vector<16xi32> to vector<16xi32>
    %swap3A_204 = vector.shape_cast %add3A_200 : vector<16xi32> to vector<16xi32>
    tpu.vector_store %arg6[%swap3A_201], %swap3A_204 {strides = array<i32>} : memref<768xi32, #tpu.memory_space<vmem>>, vector<16xi32>,
    %get3A_205 = arith.constant 352 : index
    %get3A_206 = tpu.vector_load %arg5[%get3A_205] {strides = array<i32>} : memref<384xi32, #tpu.memory_space<vmem>>, vector<16xi32>,
    %get3A_207 = vector.shape_cast %get3A_206 : vector<16xi32> to vector<16xi32>
    %add3A_208 = vector.broadcast %mul3A_8 : i32 to vector<16xi32>
    %add3A_209 = arith.addi %get3A_207, %add3A_208 : vector<16xi32>
    %swap3A_210 = arith.constant 352 : index
    %swap3A_211 = tpu.vector_load %arg6[%swap3A_210] {strides = array<i32>} : memref<768xi32, #tpu.memory_space<vmem>>, vector<16xi32>,
    %swap3A_212 = vector.shape_cast %swap3A_211 : vector<16xi32> to vector<16xi32>
    %swap3A_213 = vector.shape_cast %add3A_209 : vector<16xi32> to vector<16xi32>
    tpu.vector_store %arg6[%swap3A_210], %swap3A_213 {strides = array<i32>} : memref<768xi32, #tpu.memory_space<vmem>>, vector<16xi32>,
    %get3A_214 = arith.constant 368 : index
    %get3A_215 = tpu.vector_load %arg5[%get3A_214] {strides = array<i32>} : memref<384xi32, #tpu.memory_space<vmem>>, vector<16xi32>,
    %get3A_216 = vector.shape_cast %get3A_215 : vector<16xi32> to vector<16xi32>
    %add3A_217 = vector.broadcast %mul3A_8 : i32 to vector<16xi32>
    %add3A_218 = arith.addi %get3A_216, %add3A_217 : vector<16xi32>
    %swap3A_219 = arith.constant 368 : index
    %swap3A_220 = tpu.vector_load %arg6[%swap3A_219] {strides = array<i32>} : memref<768xi32, #tpu.memory_space<vmem>>, vector<16xi32>,
    %swap3A_221 = vector.shape_cast %swap3A_220 : vector<16xi32> to vector<16xi32>
    %swap3A_222 = vector.shape_cast %add3A_218 : vector<16xi32> to vector<16xi32>
    tpu.vector_store %arg6[%swap3A_219], %swap3A_222 {strides = array<i32>} : memref<768xi32, #tpu.memory_space<vmem>>, vector<16xi32>,
    %mul3A_223 = arith.constant 2 : i32
    %mul3A_224 = arith.muli %add3A, %mul3A_223 : i32
    %add3A_225 = arith.constant 1 : i32
    %add3A_226 = arith.addi %mul3A_224, %add3A_225 : i32
    %mul3A_227 = arith.constant 384 : i32
    %mul3A_228 = arith.muli %add3A_226, %mul3A_227 : i32
    %get3A_229 = arith.constant 0 : index
    %get3A_230 = tpu.vector_load %arg5[%get3A_229] {strides = array<i32>} : memref<384xi32, #tpu.memory_space<vmem>>, vector<16xi32>,
    %get3A_231 = vector.shape_cast %get3A_230 : vector<16xi32> to vector<16xi32>
    %add3A_232 = vector.broadcast %mul3A_228 : i32 to vector<16xi32>
    %add3A_233 = arith.addi %get3A_231, %add3A_232 : vector<16xi32>
    %swap3A_234 = arith.constant 384 : index
    %swap3A_235 = tpu.vector_load %arg6[%swap3A_234] {strides = array<i32>} : memref<768xi32, #tpu.memory_space<vmem>>, vector<16xi32>,
    %swap3A_236 = vector.shape_cast %swap3A_235 : vector<16xi32> to vector<16xi32>
    %swap3A_237 = vector.shape_cast %add3A_233 : vector<16xi32> to vector<16xi32>
    tpu.vector_store %arg6[%swap3A_234], %swap3A_237 {strides = array<i32>} : memref<768xi32, #tpu.memory_space<vmem>>, vector<16xi32>,
    %get3A_238 = arith.constant 16 : index
    %get3A_239 = tpu.vector_load %arg5[%get3A_238] {strides = array<i32>} : memref<384xi32, #tpu.memory_space<vmem>>, vector<16xi32>,
    %get3A_240 = vector.shape_cast %get3A_239 : vector<16xi32> to vector<16xi32>
    %add3A_241 = vector.broadcast %mul3A_228 : i32 to vector<16xi32>
    %add3A_242 = arith.addi %get3A_240, %add3A_241 : vector<16xi32>
    %swap3A_243 = arith.constant 400 : index
    %swap3A_244 = tpu.vector_load %arg6[%swap3A_243] {strides = array<i32>} : memref<768xi32, #tpu.memory_space<vmem>>, vector<16xi32>,
    %swap3A_245 = vector.shape_cast %swap3A_244 : vector<16xi32> to vector<16xi32>
    %swap3A_246 = vector.shape_cast %add3A_242 : vector<16xi32> to vector<16xi32>
    tpu.vector_store %arg6[%swap3A_243], %swap3A_246 {strides = array<i32>} : memref<768xi32, #tpu.memory_space<vmem>>, vector<16xi32>,
    %get3A_247 = arith.constant 32 : index
    %get3A_248 = tpu.vector_load %arg5[%get3A_247] {strides = array<i32>} : memref<384xi32, #tpu.memory_space<vmem>>, vector<16xi32>,
    %get3A_249 = vector.shape_cast %get3A_248 : vector<16xi32> to vector<16xi32>
    %add3A_250 = vector.broadcast %mul3A_228 : i32 to vector<16xi32>
    %add3A_251 = arith.addi %get3A_249, %add3A_250 : vector<16xi32>
    %swap3A_252 = arith.constant 416 : index
    %swap3A_253 = tpu.vector_load %arg6[%swap3A_252] {strides = array<i32>} : memref<768xi32, #tpu.memory_space<vmem>>, vector<16xi32>,
    %swap3A_254 = vector.shape_cast %swap3A_253 : vector<16xi32> to vector<16xi32>
    %swap3A_255 = vector.shape_cast %add3A_251 : vector<16xi32> to vector<16xi32>
    tpu.vector_store %arg6[%swap3A_252], %swap3A_255 {strides = array<i32>} : memref<768xi32, #tpu.memory_space<vmem>>, vector<16xi32>,
    %get3A_256 = arith.constant 48 : index
    %get3A_257 = tpu.vector_load %arg5[%get3A_256] {strides = array<i32>} : memref<384xi32, #tpu.memory_space<vmem>>, vector<16xi32>,
    %get3A_258 = vector.shape_cast %get3A_257 : vector<16xi32> to vector<16xi32>
    %add3A_259 = vector.broadcast %mul3A_228 : i32 to vector<16xi32>
    %add3A_260 = arith.addi %get3A_258, %add3A_259 : vector<16xi32>
    %swap3A_261 = arith.constant 432 : index
    %swap3A_262 = tpu.vector_load %arg6[%swap3A_261] {strides = array<i32>} : memref<768xi32, #tpu.memory_space<vmem>>, vector<16xi32>,
    %swap3A_263 = vector.shape_cast %swap3A_262 : vector<16xi32> to vector<16xi32>
    %swap3A_264 = vector.shape_cast %add3A_260 : vector<16xi32> to vector<16xi32>
    tpu.vector_store %arg6[%swap3A_261], %swap3A_264 {strides = array<i32>} : memref<768xi32, #tpu.memory_space<vmem>>, vector<16xi32>,
    %get3A_265 = arith.constant 64 : index
    %get3A_266 = tpu.vector_load %arg5[%get3A_265] {strides = array<i32>} : memref<384xi32, #tpu.memory_space<vmem>>, vector<16xi32>,
    %get3A_267 = vector.shape_cast %get3A_266 : vector<16xi32> to vector<16xi32>
    %add3A_268 = vector.broadcast %mul3A_228 : i32 to vector<16xi32>
    %add3A_269 = arith.addi %get3A_267, %add3A_268 : vector<16xi32>
    %swap3A_270 = arith.constant 448 : index
    %swap3A_271 = tpu.vector_load %arg6[%swap3A_270] {strides = array<i32>} : memref<768xi32, #tpu.memory_space<vmem>>, vector<16xi32>,
    %swap3A_272 = vector.shape_cast %swap3A_271 : vector<16xi32> to vector<16xi32>
    %swap3A_273 = vector.shape_cast %add3A_269 : vector<16xi32> to vector<16xi32>
    tpu.vector_store %arg6[%swap3A_270], %swap3A_273 {strides = array<i32>} : memref<768xi32, #tpu.memory_space<vmem>>, vector<16xi32>,
    %get3A_274 = arith.constant 80 : index
    %get3A_275 = tpu.vector_load %arg5[%get3A_274] {strides = array<i32>} : memref<384xi32, #tpu.memory_space<vmem>>, vector<16xi32>,
    %get3A_276 = vector.shape_cast %get3A_275 : vector<16xi32> to vector<16xi32>
    %add3A_277 = vector.broadcast %mul3A_228 : i32 to vector<16xi32>
    %add3A_278 = arith.addi %get3A_276, %add3A_277 : vector<16xi32>
    %swap3A_279 = arith.constant 464 : index
    %swap3A_280 = tpu.vector_load %arg6[%swap3A_279] {strides = array<i32>} : memref<768xi32, #tpu.memory_space<vmem>>, vector<16xi32>,
    %swap3A_281 = vector.shape_cast %swap3A_280 : vector<16xi32> to vector<16xi32>
    %swap3A_282 = vector.shape_cast %add3A_278 : vector<16xi32> to vector<16xi32>
    tpu.vector_store %arg6[%swap3A_279], %swap3A_282 {strides = array<i32>} : memref<768xi32, #tpu.memory_space<vmem>>, vector<16xi32>,
    %get3A_283 = arith.constant 96 : index
    %get3A_284 = tpu.vector_load %arg5[%get3A_283] {strides = array<i32>} : memref<384xi32, #tpu.memory_space<vmem>>, vector<16xi32>,
    %get3A_285 = vector.shape_cast %get3A_284 : vector<16xi32> to vector<16xi32>
    %add3A_286 = vector.broadcast %mul3A_228 : i32 to vector<16xi32>
    %add3A_287 = arith.addi %get3A_285, %add3A_286 : vector<16xi32>
    %swap3A_288 = arith.constant 480 : index
    %swap3A_289 = tpu.vector_load %arg6[%swap3A_288] {strides = array<i32>} : memref<768xi32, #tpu.memory_space<vmem>>, vector<16xi32>,
    %swap3A_290 = vector.shape_cast %swap3A_289 : vector<16xi32> to vector<16xi32>
    %swap3A_291 = vector.shape_cast %add3A_287 : vector<16xi32> to vector<16xi32>
    tpu.vector_store %arg6[%swap3A_288], %swap3A_291 {strides = array<i32>} : memref<768xi32, #tpu.memory_space<vmem>>, vector<16xi32>,
    %get3A_292 = arith.constant 112 : index
    %get3A_293 = tpu.vector_load %arg5[%get3A_292] {strides = array<i32>} : memref<384xi32, #tpu.memory_space<vmem>>, vector<16xi32>,
    %get3A_294 = vector.shape_cast %get3A_293 : vector<16xi32> to vector<16xi32>
    %add3A_295 = vector.broadcast %mul3A_228 : i32 to vector<16xi32>
    %add3A_296 = arith.addi %get3A_294, %add3A_295 : vector<16xi32>
    %swap3A_297 = arith.constant 496 : index
    %swap3A_298 = tpu.vector_load %arg6[%swap3A_297] {strides = array<i32>} : memref<768xi32, #tpu.memory_space<vmem>>, vector<16xi32>,
    %swap3A_299 = vector.shape_cast %swap3A_298 : vector<16xi32> to vector<16xi32>
    %swap3A_300 = vector.shape_cast %add3A_296 : vector<16xi32> to vector<16xi32>
    tpu.vector_store %arg6[%swap3A_297], %swap3A_300 {strides = array<i32>} : memref<768xi32, #tpu.memory_space<vmem>>, vector<16xi32>,
    %get3A_301 = arith.constant 128 : index
    %get3A_302 = tpu.vector_load %arg5[%get3A_301] {strides = array<i32>} : memref<384xi32, #tpu.memory_space<vmem>>, vector<16xi32>,
    %get3A_303 = vector.shape_cast %get3A_302 : vector<16xi32> to vector<16xi32>
    %add3A_304 = vector.broadcast %mul3A_228 : i32 to vector<16xi32>
    %add3A_305 = arith.addi %get3A_303, %add3A_304 : vector<16xi32>
    %swap3A_306 = arith.constant 512 : index
    %swap3A_307 = tpu.vector_load %arg6[%swap3A_306] {strides = array<i32>} : memref<768xi32, #tpu.memory_space<vmem>>, vector<16xi32>,
    %swap3A_308 = vector.shape_cast %swap3A_307 : vector<16xi32> to vector<16xi32>
    %swap3A_309 = vector.shape_cast %add3A_305 : vector<16xi32> to vector<16xi32>
    tpu.vector_store %arg6[%swap3A_306], %swap3A_309 {strides = array<i32>} : memref<768xi32, #tpu.memory_space<vmem>>, vector<16xi32>,
    %get3A_310 = arith.constant 144 : index
    %get3A_311 = tpu.vector_load %arg5[%get3A_310] {strides = array<i32>} : memref<384xi32, #tpu.memory_space<vmem>>, vector<16xi32>,
    %get3A_312 = vector.shape_cast %get3A_311 : vector<16xi32> to vector<16xi32>
    %add3A_313 = vector.broadcast %mul3A_228 : i32 to vector<16xi32>
    %add3A_314 = arith.addi %get3A_312, %add3A_313 : vector<16xi32>
    %swap3A_315 = arith.constant 528 : index
    %swap3A_316 = tpu.vector_load %arg6[%swap3A_315] {strides = array<i32>} : memref<768xi32, #tpu.memory_space<vmem>>, vector<16xi32>,
    %swap3A_317 = vector.shape_cast %swap3A_316 : vector<16xi32> to vector<16xi32>
    %swap3A_318 = vector.shape_cast %add3A_314 : vector<16xi32> to vector<16xi32>
    tpu.vector_store %arg6[%swap3A_315], %swap3A_318 {strides = array<i32>} : memref<768xi32, #tpu.memory_space<vmem>>, vector<16xi32>,
    %get3A_319 = arith.constant 160 : index
    %get3A_320 = tpu.vector_load %arg5[%get3A_319] {strides = array<i32>} : memref<384xi32, #tpu.memory_space<vmem>>, vector<16xi32>,
    %get3A_321 = vector.shape_cast %get3A_320 : vector<16xi32> to vector<16xi32>
    %add3A_322 = vector.broadcast %mul3A_228 : i32 to vector<16xi32>
    %add3A_323 = arith.addi %get3A_321, %add3A_322 : vector<16xi32>
    %swap3A_324 = arith.constant 544 : index
    %swap3A_325 = tpu.vector_load %arg6[%swap3A_324] {strides = array<i32>} : memref<768xi32, #tpu.memory_space<vmem>>, vector<16xi32>,
    %swap3A_326 = vector.shape_cast %swap3A_325 : vector<16xi32> to vector<16xi32>
    %swap3A_327 = vector.shape_cast %add3A_323 : vector<16xi32> to vector<16xi32>
    tpu.vector_store %arg6[%swap3A_324], %swap3A_327 {strides = array<i32>} : memref<768xi32, #tpu.memory_space<vmem>>, vector<16xi32>,
    %get3A_328 = arith.constant 176 : index
    %get3A_329 = tpu.vector_load %arg5[%get3A_328] {strides = array<i32>} : memref<384xi32, #tpu.memory_space<vmem>>, vector<16xi32>,
    %get3A_330 = vector.shape_cast %get3A_329 : vector<16xi32> to vector<16xi32>
    %add3A_331 = vector.broadcast %mul3A_228 : i32 to vector<16xi32>
    %add3A_332 = arith.addi %get3A_330, %add3A_331 : vector<16xi32>
    %swap3A_333 = arith.constant 560 : index
    %swap3A_334 = tpu.vector_load %arg6[%swap3A_333] {strides = array<i32>} : memref<768xi32, #tpu.memory_space<vmem>>, vector<16xi32>,
    %swap3A_335 = vector.shape_cast %swap3A_334 : vector<16xi32> to vector<16xi32>
    %swap3A_336 = vector.shape_cast %add3A_332 : vector<16xi32> to vector<16xi32>
    tpu.vector_store %arg6[%swap3A_333], %swap3A_336 {strides = array<i32>} : memref<768xi32, #tpu.memory_space<vmem>>, vector<16xi32>,
    %get3A_337 = arith.constant 192 : index
    %get3A_338 = tpu.vector_load %arg5[%get3A_337] {strides = array<i32>} : memref<384xi32, #tpu.memory_space<vmem>>, vector<16xi32>,
    %get3A_339 = vector.shape_cast %get3A_338 : vector<16xi32> to vector<16xi32>
    %add3A_340 = vector.broadcast %mul3A_228 : i32 to vector<16xi32>
    %add3A_341 = arith.addi %get3A_339, %add3A_340 : vector<16xi32>
    %swap3A_342 = arith.constant 576 : index
    %swap3A_343 = tpu.vector_load %arg6[%swap3A_342] {strides = array<i32>} : memref<768xi32, #tpu.memory_space<vmem>>, vector<16xi32>,
    %swap3A_344 = vector.shape_cast %swap3A_343 : vector<16xi32> to vector<16xi32>
    %swap3A_345 = vector.shape_cast %add3A_341 : vector<16xi32> to vector<16xi32>
    tpu.vector_store %arg6[%swap3A_342], %swap3A_345 {strides = array<i32>} : memref<768xi32, #tpu.memory_space<vmem>>, vector<16xi32>,
    %get3A_346 = arith.constant 208 : index
    %get3A_347 = tpu.vector_load %arg5[%get3A_346] {strides = array<i32>} : memref<384xi32, #tpu.memory_space<vmem>>, vector<16xi32>,
    %get3A_348 = vector.shape_cast %get3A_347 : vector<16xi32> to vector<16xi32>
    %add3A_349 = vector.broadcast %mul3A_228 : i32 to vector<16xi32>
    %add3A_350 = arith.addi %get3A_348, %add3A_349 : vector<16xi32>
    %swap3A_351 = arith.constant 592 : index
    %swap3A_352 = tpu.vector_load %arg6[%swap3A_351] {strides = array<i32>} : memref<768xi32, #tpu.memory_space<vmem>>, vector<16xi32>,
    %swap3A_353 = vector.shape_cast %swap3A_352 : vector<16xi32> to vector<16xi32>
    %swap3A_354 = vector.shape_cast %add3A_350 : vector<16xi32> to vector<16xi32>
    tpu.vector_store %arg6[%swap3A_351], %swap3A_354 {strides = array<i32>} : memref<768xi32, #tpu.memory_space<vmem>>, vector<16xi32>,
    %get3A_355 = arith.constant 224 : index
    %get3A_356 = tpu.vector_load %arg5[%get3A_355] {strides = array<i32>} : memref<384xi32, #tpu.memory_space<vmem>>, vector<16xi32>,
    %get3A_357 = vector.shape_cast %get3A_356 : vector<16xi32> to vector<16xi32>
    %add3A_358 = vector.broadcast %mul3A_228 : i32 to vector<16xi32>
    %add3A_359 = arith.addi %get3A_357, %add3A_358 : vector<16xi32>
    %swap3A_360 = arith.constant 608 : index
    %swap3A_361 = tpu.vector_load %arg6[%swap3A_360] {strides = array<i32>} : memref<768xi32, #tpu.memory_space<vmem>>, vector<16xi32>,
    %swap3A_362 = vector.shape_cast %swap3A_361 : vector<16xi32> to vector<16xi32>
    %swap3A_363 = vector.shape_cast %add3A_359 : vector<16xi32> to vector<16xi32>
    tpu.vector_store %arg6[%swap3A_360], %swap3A_363 {strides = array<i32>} : memref<768xi32, #tpu.memory_space<vmem>>, vector<16xi32>,
    %get3A_364 = arith.constant 240 : index
    %get3A_365 = tpu.vector_load %arg5[%get3A_364] {strides = array<i32>} : memref<384xi32, #tpu.memory_space<vmem>>, vector<16xi32>,
    %get3A_366 = vector.shape_cast %get3A_365 : vector<16xi32> to vector<16xi32>
    %add3A_367 = vector.broadcast %mul3A_228 : i32 to vector<16xi32>
    %add3A_368 = arith.addi %get3A_366, %add3A_367 : vector<16xi32>
    %swap3A_369 = arith.constant 624 : index
    %swap3A_370 = tpu.vector_load %arg6[%swap3A_369] {strides = array<i32>} : memref<768xi32, #tpu.memory_space<vmem>>, vector<16xi32>,
    %swap3A_371 = vector.shape_cast %swap3A_370 : vector<16xi32> to vector<16xi32>
    %swap3A_372 = vector.shape_cast %add3A_368 : vector<16xi32> to vector<16xi32>
    tpu.vector_store %arg6[%swap3A_369], %swap3A_372 {strides = array<i32>} : memref<768xi32, #tpu.memory_space<vmem>>, vector<16xi32>,
    %get3A_373 = arith.constant 256 : index
    %get3A_374 = tpu.vector_load %arg5[%get3A_373] {strides = array<i32>} : memref<384xi32, #tpu.memory_space<vmem>>, vector<16xi32>,
    %get3A_375 = vector.shape_cast %get3A_374 : vector<16xi32> to vector<16xi32>
    %add3A_376 = vector.broadcast %mul3A_228 : i32 to vector<16xi32>
    %add3A_377 = arith.addi %get3A_375, %add3A_376 : vector<16xi32>
    %swap3A_378 = arith.constant 640 : index
    %swap3A_379 = tpu.vector_load %arg6[%swap3A_378] {strides = array<i32>} : memref<768xi32, #tpu.memory_space<vmem>>, vector<16xi32>,
    %swap3A_380 = vector.shape_cast %swap3A_379 : vector<16xi32> to vector<16xi32>
    %swap3A_381 = vector.shape_cast %add3A_377 : vector<16xi32> to vector<16xi32>
    tpu.vector_store %arg6[%swap3A_378], %swap3A_381 {strides = array<i32>} : memref<768xi32, #tpu.memory_space<vmem>>, vector<16xi32>,
    %get3A_382 = arith.constant 272 : index
    %get3A_383 = tpu.vector_load %arg5[%get3A_382] {strides = array<i32>} : memref<384xi32, #tpu.memory_space<vmem>>, vector<16xi32>,
    %get3A_384 = vector.shape_cast %get3A_383 : vector<16xi32> to vector<16xi32>
    %add3A_385 = vector.broadcast %mul3A_228 : i32 to vector<16xi32>
    %add3A_386 = arith.addi %get3A_384, %add3A_385 : vector<16xi32>
    %swap3A_387 = arith.constant 656 : index
    %swap3A_388 = tpu.vector_load %arg6[%swap3A_387] {strides = array<i32>} : memref<768xi32, #tpu.memory_space<vmem>>, vector<16xi32>,
    %swap3A_389 = vector.shape_cast %swap3A_388 : vector<16xi32> to vector<16xi32>
    %swap3A_390 = vector.shape_cast %add3A_386 : vector<16xi32> to vector<16xi32>
    tpu.vector_store %arg6[%swap3A_387], %swap3A_390 {strides = array<i32>} : memref<768xi32, #tpu.memory_space<vmem>>, vector<16xi32>,
    %get3A_391 = arith.constant 288 : index
    %get3A_392 = tpu.vector_load %arg5[%get3A_391] {strides = array<i32>} : memref<384xi32, #tpu.memory_space<vmem>>, vector<16xi32>,
    %get3A_393 = vector.shape_cast %get3A_392 : vector<16xi32> to vector<16xi32>
    %add3A_394 = vector.broadcast %mul3A_228 : i32 to vector<16xi32>
    %add3A_395 = arith.addi %get3A_393, %add3A_394 : vector<16xi32>
    %swap3A_396 = arith.constant 672 : index
    %swap3A_397 = tpu.vector_load %arg6[%swap3A_396] {strides = array<i32>} : memref<768xi32, #tpu.memory_space<vmem>>, vector<16xi32>,
    %swap3A_398 = vector.shape_cast %swap3A_397 : vector<16xi32> to vector<16xi32>
    %swap3A_399 = vector.shape_cast %add3A_395 : vector<16xi32> to vector<16xi32>
    tpu.vector_store %arg6[%swap3A_396], %swap3A_399 {strides = array<i32>} : memref<768xi32, #tpu.memory_space<vmem>>, vector<16xi32>,
    %get3A_400 = arith.constant 304 : index
    %get3A_401 = tpu.vector_load %arg5[%get3A_400] {strides = array<i32>} : memref<384xi32, #tpu.memory_space<vmem>>, vector<16xi32>,
    %get3A_402 = vector.shape_cast %get3A_401 : vector<16xi32> to vector<16xi32>
    %add3A_403 = vector.broadcast %mul3A_228 : i32 to vector<16xi32>
    %add3A_404 = arith.addi %get3A_402, %add3A_403 : vector<16xi32>
    %swap3A_405 = arith.constant 688 : index
    %swap3A_406 = tpu.vector_load %arg6[%swap3A_405] {strides = array<i32>} : memref<768xi32, #tpu.memory_space<vmem>>, vector<16xi32>,
    %swap3A_407 = vector.shape_cast %swap3A_406 : vector<16xi32> to vector<16xi32>
    %swap3A_408 = vector.shape_cast %add3A_404 : vector<16xi32> to vector<16xi32>
    tpu.vector_store %arg6[%swap3A_405], %swap3A_408 {strides = array<i32>} : memref<768xi32, #tpu.memory_space<vmem>>, vector<16xi32>,
    %get3A_409 = arith.constant 320 : index
    %get3A_410 = tpu.vector_load %arg5[%get3A_409] {strides = array<i32>} : memref<384xi32, #tpu.memory_space<vmem>>, vector<16xi32>,
    %get3A_411 = vector.shape_cast %get3A_410 : vector<16xi32> to vector<16xi32>
    %add3A_412 = vector.broadcast %mul3A_228 : i32 to vector<16xi32>
    %add3A_413 = arith.addi %get3A_411, %add3A_412 : vector<16xi32>
    %swap3A_414 = arith.constant 704 : index
    %swap3A_415 = tpu.vector_load %arg6[%swap3A_414] {strides = array<i32>} : memref<768xi32, #tpu.memory_space<vmem>>, vector<16xi32>,
    %swap3A_416 = vector.shape_cast %swap3A_415 : vector<16xi32> to vector<16xi32>
    %swap3A_417 = vector.shape_cast %add3A_413 : vector<16xi32> to vector<16xi32>
    tpu.vector_store %arg6[%swap3A_414], %swap3A_417 {strides = array<i32>} : memref<768xi32, #tpu.memory_space<vmem>>, vector<16xi32>,
    %get3A_418 = arith.constant 336 : index
    %get3A_419 = tpu.vector_load %arg5[%get3A_418] {strides = array<i32>} : memref<384xi32, #tpu.memory_space<vmem>>, vector<16xi32>,
    %get3A_420 = vector.shape_cast %get3A_419 : vector<16xi32> to vector<16xi32>
    %add3A_421 = vector.broadcast %mul3A_228 : i32 to vector<16xi32>
    %add3A_422 = arith.addi %get3A_420, %add3A_421 : vector<16xi32>
    %swap3A_423 = arith.constant 720 : index
    %swap3A_424 = tpu.vector_load %arg6[%swap3A_423] {strides = array<i32>} : memref<768xi32, #tpu.memory_space<vmem>>, vector<16xi32>,
    %swap3A_425 = vector.shape_cast %swap3A_424 : vector<16xi32> to vector<16xi32>
    %swap3A_426 = vector.shape_cast %add3A_422 : vector<16xi32> to vector<16xi32>
    tpu.vector_store %arg6[%swap3A_423], %swap3A_426 {strides = array<i32>} : memref<768xi32, #tpu.memory_space<vmem>>, vector<16xi32>,
    %get3A_427 = arith.constant 352 : index
    %get3A_428 = tpu.vector_load %arg5[%get3A_427] {strides = array<i32>} : memref<384xi32, #tpu.memory_space<vmem>>, vector<16xi32>,
    %get3A_429 = vector.shape_cast %get3A_428 : vector<16xi32> to vector<16xi32>
    %add3A_430 = vector.broadcast %mul3A_228 : i32 to vector<16xi32>
    %add3A_431 = arith.addi %get3A_429, %add3A_430 : vector<16xi32>
    %swap3A_432 = arith.constant 736 : index
    %swap3A_433 = tpu.vector_load %arg6[%swap3A_432] {strides = array<i32>} : memref<768xi32, #tpu.memory_space<vmem>>, vector<16xi32>,
    %swap3A_434 = vector.shape_cast %swap3A_433 : vector<16xi32> to vector<16xi32>
    %swap3A_435 = vector.shape_cast %add3A_431 : vector<16xi32> to vector<16xi32>
    tpu.vector_store %arg6[%swap3A_432], %swap3A_435 {strides = array<i32>} : memref<768xi32, #tpu.memory_space<vmem>>, vector<16xi32>,
    %get3A_436 = arith.constant 368 : index
    %get3A_437 = tpu.vector_load %arg5[%get3A_436] {strides = array<i32>} : memref<384xi32, #tpu.memory_space<vmem>>, vector<16xi32>,
    %get3A_438 = vector.shape_cast %get3A_437 : vector<16xi32> to vector<16xi32>
    %add3A_439 = vector.broadcast %mul3A_228 : i32 to vector<16xi32>
    %add3A_440 = arith.addi %get3A_438, %add3A_439 : vector<16xi32>
    %swap3A_441 = arith.constant 752 : index
    %swap3A_442 = tpu.vector_load %arg6[%swap3A_441] {strides = array<i32>} : memref<768xi32, #tpu.memory_space<vmem>>, vector<16xi32>,
    %swap3A_443 = vector.shape_cast %swap3A_442 : vector<16xi32> to vector<16xi32>
    %swap3A_444 = vector.shape_cast %add3A_440 : vector<16xi32> to vector<16xi32>
    tpu.vector_store %arg6[%swap3A_441], %swap3A_444 {strides = array<i32>} : memref<768xi32, #tpu.memory_space<vmem>>, vector<16xi32>,
    %dma_start3A = arith.constant 0 : i32
    %dma_start3A_445 = tpu.memref_slice %arg6[%dma_start3A] : memref<768xi32, #tpu.memory_space<vmem>> -> memref<48xi32, #tpu.memory_space<vmem>>
    %dma_start3A_446 = arith.constant 0 : i32
    %dma_start3A_447 = arith.constant 0 : i32
    %dma_start3A_448 = tpu.memref_slice %arg2[%dma_start3A_446, %dma_start3A_447] : memref<24576x1024xf32, #tpu.memory_space<hbm>> -> memref<24576x1024xf32, #tpu.memory_space<hbm>>
    tpu.enqueue_indirect_dma source(%dma_start3A_448 : memref<24576x1024xf32, #tpu.memory_space<hbm>>) target(%arg7 : memref<48x1024xf32, #tpu.memory_space<vmem>>) offsets(%dma_start3A_445 : memref<48xi32, #tpu.memory_space<vmem>>) semaphore(%arg9 : memref<!tpu.dma_semaphore, #tpu.memory_space<semaphore_mem>>)
    %dma_start3A_449 = arith.constant 48 : i32
    %dma_start3A_450 = tpu.memref_slice %arg6[%dma_start3A_449] : memref<768xi32, #tpu.memory_space<vmem>> -> memref<48xi32, #tpu.memory_space<vmem>>
    %dma_start3A_451 = arith.constant 0 : i32
    %dma_start3A_452 = arith.constant 0 : i32
    %dma_start3A_453 = tpu.memref_slice %arg2[%dma_start3A_451, %dma_start3A_452] : memref<24576x1024xf32, #tpu.memory_space<hbm>> -> memref<24576x1024xf32, #tpu.memory_space<hbm>>
    tpu.enqueue_indirect_dma source(%dma_start3A_453 : memref<24576x1024xf32, #tpu.memory_space<hbm>>) target(%arg8 : memref<48x1024xf32, #tpu.memory_space<vmem>>) offsets(%dma_start3A_450 : memref<48xi32, #tpu.memory_space<vmem>>) semaphore(%arg10 : memref<!tpu.dma_semaphore, #tpu.memory_space<semaphore_mem>>)
    %dma_wait3A = arith.constant 0 : i32
    %dma_wait3A_454 = tpu.memref_slice %arg6[%dma_wait3A] : memref<768xi32, #tpu.memory_space<vmem>> -> memref<48xi32, #tpu.memory_space<vmem>>
    %dma_wait3A_455 = arith.constant 0 : i32
    %dma_wait3A_456 = arith.constant 0 : i32
    %dma_wait3A_457 = tpu.memref_slice %arg2[%dma_wait3A_455, %dma_wait3A_456] : memref<24576x1024xf32, #tpu.memory_space<hbm>> -> memref<24576x1024xf32, #tpu.memory_space<hbm>>
    tpu.wait_indirect_dma semaphore(%arg9 : memref<!tpu.dma_semaphore, #tpu.memory_space<semaphore_mem>>) src(%dma_wait3A_457 : memref<24576x1024xf32, #tpu.memory_space<hbm>>) dst(%arg7 : memref<48x1024xf32, #tpu.memory_space<vmem>>)
    %add3A_458 = arith.constant 0 : i32
    %add3A_459 = arith.addi %mul3A_2, %add3A_458 : i32
    %dma_start3A_460 = arith.constant 0 : i32
    %dma_start3A_461 = tpu.memref_slice %arg4[%add3A_459, %dma_start3A_460] : memref<24576x1024xf32, #tpu.memory_space<hbm>> -> memref<48x1024xf32, #tpu.memory_space<hbm>>
    %dma_start3A_462 = arith.constant 0 : i32
    %dma_start3A_463 = tpu.memref_slice %arg4[%add3A_459, %dma_start3A_462] : memref<24576x1024xf32, #tpu.memory_space<hbm>> -> memref<48x1024xf32, #tpu.memory_space<hbm>>
    tpu.enqueue_dma source(%arg7 : memref<48x1024xf32, #tpu.memory_space<vmem>>) target(%dma_start3A_463 : memref<48x1024xf32, #tpu.memory_space<hbm>>) target_semaphore(%arg11 : memref<!tpu.dma_semaphore, #tpu.memory_space<semaphore_mem>>)
    %dma_wait3A_464 = arith.constant 0 : i32
    %dma_wait3A_465 = tpu.memref_slice %arg4[%add3A_459, %dma_wait3A_464] : memref<24576x1024xf32, #tpu.memory_space<hbm>> -> memref<48x1024xf32, #tpu.memory_space<hbm>>
    %dma_wait3A_466 = arith.constant 0 : i32
    %dma_wait3A_467 = tpu.memref_slice %arg4[%add3A_459, %dma_wait3A_466] : memref<24576x1024xf32, #tpu.memory_space<hbm>> -> memref<48x1024xf32, #tpu.memory_space<hbm>>
    tpu.wait_dma2 semaphore(%arg11 : memref<!tpu.dma_semaphore, #tpu.memory_space<semaphore_mem>>) src(%arg7 : memref<48x1024xf32, #tpu.memory_space<vmem>>) dst(%dma_wait3A_467 : memref<48x1024xf32, #tpu.memory_space<hbm>>)
    %dma_start3A_468 = arith.constant 96 : i32
    %dma_start3A_469 = tpu.memref_slice %arg6[%dma_start3A_468] : memref<768xi32, #tpu.memory_space<vmem>> -> memref<48xi32, #tpu.memory_space<vmem>>
    %dma_start3A_470 = arith.constant 0 : i32
    %dma_start3A_471 = arith.constant 0 : i32
    %dma_start3A_472 = tpu.memref_slice %arg2[%dma_start3A_470, %dma_start3A_471] : memref<24576x1024xf32, #tpu.memory_space<hbm>> -> memref<24576x1024xf32, #tpu.memory_space<hbm>>
    tpu.enqueue_indirect_dma source(%dma_start3A_472 : memref<24576x1024xf32, #tpu.memory_space<hbm>>) target(%arg7 : memref<48x1024xf32, #tpu.memory_space<vmem>>) offsets(%dma_start3A_469 : memref<48xi32, #tpu.memory_space<vmem>>) semaphore(%arg9 : memref<!tpu.dma_semaphore, #tpu.memory_space<semaphore_mem>>)
    %dma_wait3A_473 = arith.constant 48 : i32
    %dma_wait3A_474 = tpu.memref_slice %arg6[%dma_wait3A_473] : memref<768xi32, #tpu.memory_space<vmem>> -> memref<48xi32, #tpu.memory_space<vmem>>
    %dma_wait3A_475 = arith.constant 0 : i32
    %dma_wait3A_476 = arith.constant 0 : i32
    %dma_wait3A_477 = tpu.memref_slice %arg2[%dma_wait3A_475, %dma_wait3A_476] : memref<24576x1024xf32, #tpu.memory_space<hbm>> -> memref<24576x1024xf32, #tpu.memory_space<hbm>>
    tpu.wait_indirect_dma semaphore(%arg10 : memref<!tpu.dma_semaphore, #tpu.memory_space<semaphore_mem>>) src(%dma_wait3A_477 : memref<24576x1024xf32, #tpu.memory_space<hbm>>) dst(%arg8 : memref<48x1024xf32, #tpu.memory_space<vmem>>)
    %add3A_478 = arith.constant 48 : i32
    %add3A_479 = arith.addi %mul3A_2, %add3A_478 : i32
    %dma_start3A_480 = arith.constant 0 : i32
    %dma_start3A_481 = tpu.memref_slice %arg4[%add3A_479, %dma_start3A_480] : memref<24576x1024xf32, #tpu.memory_space<hbm>> -> memref<48x1024xf32, #tpu.memory_space<hbm>>
    %dma_start3A_482 = arith.constant 0 : i32
    %dma_start3A_483 = tpu.memref_slice %arg4[%add3A_479, %dma_start3A_482] : memref<24576x1024xf32, #tpu.memory_space<hbm>> -> memref<48x1024xf32, #tpu.memory_space<hbm>>
    tpu.enqueue_dma source(%arg8 : memref<48x1024xf32, #tpu.memory_space<vmem>>) target(%dma_start3A_483 : memref<48x1024xf32, #tpu.memory_space<hbm>>) target_semaphore(%arg12 : memref<!tpu.dma_semaphore, #tpu.memory_space<semaphore_mem>>)
    %dma_wait3A_484 = arith.constant 0 : i32
    %dma_wait3A_485 = tpu.memref_slice %arg4[%add3A_479, %dma_wait3A_484] : memref<24576x1024xf32, #tpu.memory_space<hbm>> -> memref<48x1024xf32, #tpu.memory_space<hbm>>
    %dma_wait3A_486 = arith.constant 0 : i32
    %dma_wait3A_487 = tpu.memref_slice %arg4[%add3A_479, %dma_wait3A_486] : memref<24576x1024xf32, #tpu.memory_space<hbm>> -> memref<48x1024xf32, #tpu.memory_space<hbm>>
    tpu.wait_dma2 semaphore(%arg12 : memref<!tpu.dma_semaphore, #tpu.memory_space<semaphore_mem>>) src(%arg8 : memref<48x1024xf32, #tpu.memory_space<vmem>>) dst(%dma_wait3A_487 : memref<48x1024xf32, #tpu.memory_space<hbm>>)
    %dma_start3A_488 = arith.constant 144 : i32
    %dma_start3A_489 = tpu.memref_slice %arg6[%dma_start3A_488] : memref<768xi32, #tpu.memory_space<vmem>> -> memref<48xi32, #tpu.memory_space<vmem>>
    %dma_start3A_490 = arith.constant 0 : i32
    %dma_start3A_491 = arith.constant 0 : i32
    %dma_start3A_492 = tpu.memref_slice %arg2[%dma_start3A_490, %dma_start3A_491] : memref<24576x1024xf32, #tpu.memory_space<hbm>> -> memref<24576x1024xf32, #tpu.memory_space<hbm>>
    tpu.enqueue_indirect_dma source(%dma_start3A_492 : memref<24576x1024xf32, #tpu.memory_space<hbm>>) target(%arg8 : memref<48x1024xf32, #tpu.memory_space<vmem>>) offsets(%dma_start3A_489 : memref<48xi32, #tpu.memory_space<vmem>>) semaphore(%arg10 : memref<!tpu.dma_semaphore, #tpu.memory_space<semaphore_mem>>)
    %dma_wait3A_493 = arith.constant 96 : i32
    %dma_wait3A_494 = tpu.memref_slice %arg6[%dma_wait3A_493] : memref<768xi32, #tpu.memory_space<vmem>> -> memref<48xi32, #tpu.memory_space<vmem>>
    %dma_wait3A_495 = arith.constant 0 : i32
    %dma_wait3A_496 = arith.constant 0 : i32
    %dma_wait3A_497 = tpu.memref_slice %arg2[%dma_wait3A_495, %dma_wait3A_496] : memref<24576x1024xf32, #tpu.memory_space<hbm>> -> memref<24576x1024xf32, #tpu.memory_space<hbm>>
    tpu.wait_indirect_dma semaphore(%arg9 : memref<!tpu.dma_semaphore, #tpu.memory_space<semaphore_mem>>) src(%dma_wait3A_497 : memref<24576x1024xf32, #tpu.memory_space<hbm>>) dst(%arg7 : memref<48x1024xf32, #tpu.memory_space<vmem>>)
    %add3A_498 = arith.constant 96 : i32
    %add3A_499 = arith.addi %mul3A_2, %add3A_498 : i32
    %dma_start3A_500 = arith.constant 0 : i32
    %dma_start3A_501 = tpu.memref_slice %arg4[%add3A_499, %dma_start3A_500] : memref<24576x1024xf32, #tpu.memory_space<hbm>> -> memref<48x1024xf32, #tpu.memory_space<hbm>>
    %dma_start3A_502 = arith.constant 0 : i32
    %dma_start3A_503 = tpu.memref_slice %arg4[%add3A_499, %dma_start3A_502] : memref<24576x1024xf32, #tpu.memory_space<hbm>> -> memref<48x1024xf32, #tpu.memory_space<hbm>>
    tpu.enqueue_dma source(%arg7 : memref<48x1024xf32, #tpu.memory_space<vmem>>) target(%dma_start3A_503 : memref<48x1024xf32, #tpu.memory_space<hbm>>) target_semaphore(%arg11 : memref<!tpu.dma_semaphore, #tpu.memory_space<semaphore_mem>>)
    %dma_wait3A_504 = arith.constant 0 : i32
    %dma_wait3A_505 = tpu.memref_slice %arg4[%add3A_499, %dma_wait3A_504] : memref<24576x1024xf32, #tpu.memory_space<hbm>> -> memref<48x1024xf32, #tpu.memory_space<hbm>>
    %dma_wait3A_506 = arith.constant 0 : i32
    %dma_wait3A_507 = tpu.memref_slice %arg4[%add3A_499, %dma_wait3A_506] : memref<24576x1024xf32, #tpu.memory_space<hbm>> -> memref<48x1024xf32, #tpu.memory_space<hbm>>
    tpu.wait_dma2 semaphore(%arg11 : memref<!tpu.dma_semaphore, #tpu.memory_space<semaphore_mem>>) src(%arg7 : memref<48x1024xf32, #tpu.memory_space<vmem>>) dst(%dma_wait3A_507 : memref<48x1024xf32, #tpu.memory_space<hbm>>)
    %dma_start3A_508 = arith.constant 192 : i32
    %dma_start3A_509 = tpu.memref_slice %arg6[%dma_start3A_508] : memref<768xi32, #tpu.memory_space<vmem>> -> memref<48xi32, #tpu.memory_space<vmem>>
    %dma_start3A_510 = arith.constant 0 : i32
    %dma_start3A_511 = arith.constant 0 : i32
    %dma_start3A_512 = tpu.memref_slice %arg2[%dma_start3A_510, %dma_start3A_511] : memref<24576x1024xf32, #tpu.memory_space<hbm>> -> memref<24576x1024xf32, #tpu.memory_space<hbm>>
    tpu.enqueue_indirect_dma source(%dma_start3A_512 : memref<24576x1024xf32, #tpu.memory_space<hbm>>) target(%arg7 : memref<48x1024xf32, #tpu.memory_space<vmem>>) offsets(%dma_start3A_509 : memref<48xi32, #tpu.memory_space<vmem>>) semaphore(%arg9 : memref<!tpu.dma_semaphore, #tpu.memory_space<semaphore_mem>>)
    %dma_wait3A_513 = arith.constant 144 : i32
    %dma_wait3A_514 = tpu.memref_slice %arg6[%dma_wait3A_513] : memref<768xi32, #tpu.memory_space<vmem>> -> memref<48xi32, #tpu.memory_space<vmem>>
    %dma_wait3A_515 = arith.constant 0 : i32
    %dma_wait3A_516 = arith.constant 0 : i32
    %dma_wait3A_517 = tpu.memref_slice %arg2[%dma_wait3A_515, %dma_wait3A_516] : memref<24576x1024xf32, #tpu.memory_space<hbm>> -> memref<24576x1024xf32, #tpu.memory_space<hbm>>
    tpu.wait_indirect_dma semaphore(%arg10 : memref<!tpu.dma_semaphore, #tpu.memory_space<semaphore_mem>>) src(%dma_wait3A_517 : memref<24576x1024xf32, #tpu.memory_space<hbm>>) dst(%arg8 : memref<48x1024xf32, #tpu.memory_space<vmem>>)
    %add3A_518 = arith.constant 144 : i32
    %add3A_519 = arith.addi %mul3A_2, %add3A_518 : i32
    %dma_start3A_520 = arith.constant 0 : i32
    %dma_start3A_521 = tpu.memref_slice %arg4[%add3A_519, %dma_start3A_520] : memref<24576x1024xf32, #tpu.memory_space<hbm>> -> memref<48x1024xf32, #tpu.memory_space<hbm>>
    %dma_start3A_522 = arith.constant 0 : i32
    %dma_start3A_523 = tpu.memref_slice %arg4[%add3A_519, %dma_start3A_522] : memref<24576x1024xf32, #tpu.memory_space<hbm>> -> memref<48x1024xf32, #tpu.memory_space<hbm>>
    tpu.enqueue_dma source(%arg8 : memref<48x1024xf32, #tpu.memory_space<vmem>>) target(%dma_start3A_523 : memref<48x1024xf32, #tpu.memory_space<hbm>>) target_semaphore(%arg12 : memref<!tpu.dma_semaphore, #tpu.memory_space<semaphore_mem>>)
    %dma_wait3A_524 = arith.constant 0 : i32
    %dma_wait3A_525 = tpu.memref_slice %arg4[%add3A_519, %dma_wait3A_524] : memref<24576x1024xf32, #tpu.memory_space<hbm>> -> memref<48x1024xf32, #tpu.memory_space<hbm>>
    %dma_wait3A_526 = arith.constant 0 : i32
    %dma_wait3A_527 = tpu.memref_slice %arg4[%add3A_519, %dma_wait3A_526] : memref<24576x1024xf32, #tpu.memory_space<hbm>> -> memref<48x1024xf32, #tpu.memory_space<hbm>>
    tpu.wait_dma2 semaphore(%arg12 : memref<!tpu.dma_semaphore, #tpu.memory_space<semaphore_mem>>) src(%arg8 : memref<48x1024xf32, #tpu.memory_space<vmem>>) dst(%dma_wait3A_527 : memref<48x1024xf32, #tpu.memory_space<hbm>>)
    %dma_start3A_528 = arith.constant 240 : i32
    %dma_start3A_529 = tpu.memref_slice %arg6[%dma_start3A_528] : memref<768xi32, #tpu.memory_space<vmem>> -> memref<48xi32, #tpu.memory_space<vmem>>
    %dma_start3A_530 = arith.constant 0 : i32
    %dma_start3A_531 = arith.constant 0 : i32
    %dma_start3A_532 = tpu.memref_slice %arg2[%dma_start3A_530, %dma_start3A_531] : memref<24576x1024xf32, #tpu.memory_space<hbm>> -> memref<24576x1024xf32, #tpu.memory_space<hbm>>
    tpu.enqueue_indirect_dma source(%dma_start3A_532 : memref<24576x1024xf32, #tpu.memory_space<hbm>>) target(%arg8 : memref<48x1024xf32, #tpu.memory_space<vmem>>) offsets(%dma_start3A_529 : memref<48xi32, #tpu.memory_space<vmem>>) semaphore(%arg10 : memref<!tpu.dma_semaphore, #tpu.memory_space<semaphore_mem>>)
    %dma_wait3A_533 = arith.constant 192 : i32
    %dma_wait3A_534 = tpu.memref_slice %arg6[%dma_wait3A_533] : memref<768xi32, #tpu.memory_space<vmem>> -> memref<48xi32, #tpu.memory_space<vmem>>
    %dma_wait3A_535 = arith.constant 0 : i32
    %dma_wait3A_536 = arith.constant 0 : i32
    %dma_wait3A_537 = tpu.memref_slice %arg2[%dma_wait3A_535, %dma_wait3A_536] : memref<24576x1024xf32, #tpu.memory_space<hbm>> -> memref<24576x1024xf32, #tpu.memory_space<hbm>>
    tpu.wait_indirect_dma semaphore(%arg9 : memref<!tpu.dma_semaphore, #tpu.memory_space<semaphore_mem>>) src(%dma_wait3A_537 : memref<24576x1024xf32, #tpu.memory_space<hbm>>) dst(%arg7 : memref<48x1024xf32, #tpu.memory_space<vmem>>)
    %add3A_538 = arith.constant 192 : i32
    %add3A_539 = arith.addi %mul3A_2, %add3A_538 : i32
    %dma_start3A_540 = arith.constant 0 : i32
    %dma_start3A_541 = tpu.memref_slice %arg4[%add3A_539, %dma_start3A_540] : memref<24576x1024xf32, #tpu.memory_space<hbm>> -> memref<48x1024xf32, #tpu.memory_space<hbm>>
    %dma_start3A_542 = arith.constant 0 : i32
    %dma_start3A_543 = tpu.memref_slice %arg4[%add3A_539, %dma_start3A_542] : memref<24576x1024xf32, #tpu.memory_space<hbm>> -> memref<48x1024xf32, #tpu.memory_space<hbm>>
    tpu.enqueue_dma source(%arg7 : memref<48x1024xf32, #tpu.memory_space<vmem>>) target(%dma_start3A_543 : memref<48x1024xf32, #tpu.memory_space<hbm>>) target_semaphore(%arg11 : memref<!tpu.dma_semaphore, #tpu.memory_space<semaphore_mem>>)
    %dma_wait3A_544 = arith.constant 0 : i32
    %dma_wait3A_545 = tpu.memref_slice %arg4[%add3A_539, %dma_wait3A_544] : memref<24576x1024xf32, #tpu.memory_space<hbm>> -> memref<48x1024xf32, #tpu.memory_space<hbm>>
    %dma_wait3A_546 = arith.constant 0 : i32
    %dma_wait3A_547 = tpu.memref_slice %arg4[%add3A_539, %dma_wait3A_546] : memref<24576x1024xf32, #tpu.memory_space<hbm>> -> memref<48x1024xf32, #tpu.memory_space<hbm>>
    tpu.wait_dma2 semaphore(%arg11 : memref<!tpu.dma_semaphore, #tpu.memory_space<semaphore_mem>>) src(%arg7 : memref<48x1024xf32, #tpu.memory_space<vmem>>) dst(%dma_wait3A_547 : memref<48x1024xf32, #tpu.memory_space<hbm>>)
    %dma_start3A_548 = arith.constant 288 : i32
    %dma_start3A_549 = tpu.memref_slice %arg6[%dma_start3A_548] : memref<768xi32, #tpu.memory_space<vmem>> -> memref<48xi32, #tpu.memory_space<vmem>>
    %dma_start3A_550 = arith.constant 0 : i32
    %dma_start3A_551 = arith.constant 0 : i32
    %dma_start3A_552 = tpu.memref_slice %arg2[%dma_start3A_550, %dma_start3A_551] : memref<24576x1024xf32, #tpu.memory_space<hbm>> -> memref<24576x1024xf32, #tpu.memory_space<hbm>>
    tpu.enqueue_indirect_dma source(%dma_start3A_552 : memref<24576x1024xf32, #tpu.memory_space<hbm>>) target(%arg7 : memref<48x1024xf32, #tpu.memory_space<vmem>>) offsets(%dma_start3A_549 : memref<48xi32, #tpu.memory_space<vmem>>) semaphore(%arg9 : memref<!tpu.dma_semaphore, #tpu.memory_space<semaphore_mem>>)
    %dma_wait3A_553 = arith.constant 240 : i32
    %dma_wait3A_554 = tpu.memref_slice %arg6[%dma_wait3A_553] : memref<768xi32, #tpu.memory_space<vmem>> -> memref<48xi32, #tpu.memory_space<vmem>>
    %dma_wait3A_555 = arith.constant 0 : i32
    %dma_wait3A_556 = arith.constant 0 : i32
    %dma_wait3A_557 = tpu.memref_slice %arg2[%dma_wait3A_555, %dma_wait3A_556] : memref<24576x1024xf32, #tpu.memory_space<hbm>> -> memref<24576x1024xf32, #tpu.memory_space<hbm>>
    tpu.wait_indirect_dma semaphore(%arg10 : memref<!tpu.dma_semaphore, #tpu.memory_space<semaphore_mem>>) src(%dma_wait3A_557 : memref<24576x1024xf32, #tpu.memory_space<hbm>>) dst(%arg8 : memref<48x1024xf32, #tpu.memory_space<vmem>>)
    %add3A_558 = arith.constant 240 : i32
    %add3A_559 = arith.addi %mul3A_2, %add3A_558 : i32
    %dma_start3A_560 = arith.constant 0 : i32
    %dma_start3A_561 = tpu.memref_slice %arg4[%add3A_559, %dma_start3A_560] : memref<24576x1024xf32, #tpu.memory_space<hbm>> -> memref<48x1024xf32, #tpu.memory_space<hbm>>
    %dma_start3A_562 = arith.constant 0 : i32
    %dma_start3A_563 = tpu.memref_slice %arg4[%add3A_559, %dma_start3A_562] : memref<24576x1024xf32, #tpu.memory_space<hbm>> -> memref<48x1024xf32, #tpu.memory_space<hbm>>
    tpu.enqueue_dma source(%arg8 : memref<48x1024xf32, #tpu.memory_space<vmem>>) target(%dma_start3A_563 : memref<48x1024xf32, #tpu.memory_space<hbm>>) target_semaphore(%arg12 : memref<!tpu.dma_semaphore, #tpu.memory_space<semaphore_mem>>)
    %dma_wait3A_564 = arith.constant 0 : i32
    %dma_wait3A_565 = tpu.memref_slice %arg4[%add3A_559, %dma_wait3A_564] : memref<24576x1024xf32, #tpu.memory_space<hbm>> -> memref<48x1024xf32, #tpu.memory_space<hbm>>
    %dma_wait3A_566 = arith.constant 0 : i32
    %dma_wait3A_567 = tpu.memref_slice %arg4[%add3A_559, %dma_wait3A_566] : memref<24576x1024xf32, #tpu.memory_space<hbm>> -> memref<48x1024xf32, #tpu.memory_space<hbm>>
    tpu.wait_dma2 semaphore(%arg12 : memref<!tpu.dma_semaphore, #tpu.memory_space<semaphore_mem>>) src(%arg8 : memref<48x1024xf32, #tpu.memory_space<vmem>>) dst(%dma_wait3A_567 : memref<48x1024xf32, #tpu.memory_space<hbm>>)
    %dma_start3A_568 = arith.constant 336 : i32
    %dma_start3A_569 = tpu.memref_slice %arg6[%dma_start3A_568] : memref<768xi32, #tpu.memory_space<vmem>> -> memref<48xi32, #tpu.memory_space<vmem>>
    %dma_start3A_570 = arith.constant 0 : i32
    %dma_start3A_571 = arith.constant 0 : i32
    %dma_start3A_572 = tpu.memref_slice %arg2[%dma_start3A_570, %dma_start3A_571] : memref<24576x1024xf32, #tpu.memory_space<hbm>> -> memref<24576x1024xf32, #tpu.memory_space<hbm>>
    tpu.enqueue_indirect_dma source(%dma_start3A_572 : memref<24576x1024xf32, #tpu.memory_space<hbm>>) target(%arg8 : memref<48x1024xf32, #tpu.memory_space<vmem>>) offsets(%dma_start3A_569 : memref<48xi32, #tpu.memory_space<vmem>>) semaphore(%arg10 : memref<!tpu.dma_semaphore, #tpu.memory_space<semaphore_mem>>)
    %dma_wait3A_573 = arith.constant 288 : i32
    %dma_wait3A_574 = tpu.memref_slice %arg6[%dma_wait3A_573] : memref<768xi32, #tpu.memory_space<vmem>> -> memref<48xi32, #tpu.memory_space<vmem>>
    %dma_wait3A_575 = arith.constant 0 : i32
    %dma_wait3A_576 = arith.constant 0 : i32
    %dma_wait3A_577 = tpu.memref_slice %arg2[%dma_wait3A_575, %dma_wait3A_576] : memref<24576x1024xf32, #tpu.memory_space<hbm>> -> memref<24576x1024xf32, #tpu.memory_space<hbm>>
    tpu.wait_indirect_dma semaphore(%arg9 : memref<!tpu.dma_semaphore, #tpu.memory_space<semaphore_mem>>) src(%dma_wait3A_577 : memref<24576x1024xf32, #tpu.memory_space<hbm>>) dst(%arg7 : memref<48x1024xf32, #tpu.memory_space<vmem>>)
    %add3A_578 = arith.constant 288 : i32
    %add3A_579 = arith.addi %mul3A_2, %add3A_578 : i32
    %dma_start3A_580 = arith.constant 0 : i32
    %dma_start3A_581 = tpu.memref_slice %arg4[%add3A_579, %dma_start3A_580] : memref<24576x1024xf32, #tpu.memory_space<hbm>> -> memref<48x1024xf32, #tpu.memory_space<hbm>>
    %dma_start3A_582 = arith.constant 0 : i32
    %dma_start3A_583 = tpu.memref_slice %arg4[%add3A_579, %dma_start3A_582] : memref<24576x1024xf32, #tpu.memory_space<hbm>> -> memref<48x1024xf32, #tpu.memory_space<hbm>>
    tpu.enqueue_dma source(%arg7 : memref<48x1024xf32, #tpu.memory_space<vmem>>) target(%dma_start3A_583 : memref<48x1024xf32, #tpu.memory_space<hbm>>) target_semaphore(%arg11 : memref<!tpu.dma_semaphore, #tpu.memory_space<semaphore_mem>>)
    %dma_wait3A_584 = arith.constant 0 : i32
    %dma_wait3A_585 = tpu.memref_slice %arg4[%add3A_579, %dma_wait3A_584] : memref<24576x1024xf32, #tpu.memory_space<hbm>> -> memref<48x1024xf32, #tpu.memory_space<hbm>>
    %dma_wait3A_586 = arith.constant 0 : i32
    %dma_wait3A_587 = tpu.memref_slice %arg4[%add3A_579, %dma_wait3A_586] : memref<24576x1024xf32, #tpu.memory_space<hbm>> -> memref<48x1024xf32, #tpu.memory_space<hbm>>
    tpu.wait_dma2 semaphore(%arg11 : memref<!tpu.dma_semaphore, #tpu.memory_space<semaphore_mem>>) src(%arg7 : memref<48x1024xf32, #tpu.memory_space<vmem>>) dst(%dma_wait3A_587 : memref<48x1024xf32, #tpu.memory_space<hbm>>)
    %dma_start3A_588 = arith.constant 384 : i32
    %dma_start3A_589 = tpu.memref_slice %arg6[%dma_start3A_588] : memref<768xi32, #tpu.memory_space<vmem>> -> memref<48xi32, #tpu.memory_space<vmem>>
    %dma_start3A_590 = arith.constant 0 : i32
    %dma_start3A_591 = arith.constant 0 : i32
    %dma_start3A_592 = tpu.memref_slice %arg2[%dma_start3A_590, %dma_start3A_591] : memref<24576x1024xf32, #tpu.memory_space<hbm>> -> memref<24576x1024xf32, #tpu.memory_space<hbm>>
    tpu.enqueue_indirect_dma source(%dma_start3A_592 : memref<24576x1024xf32, #tpu.memory_space<hbm>>) target(%arg7 : memref<48x1024xf32, #tpu.memory_space<vmem>>) offsets(%dma_start3A_589 : memref<48xi32, #tpu.memory_space<vmem>>) semaphore(%arg9 : memref<!tpu.dma_semaphore, #tpu.memory_space<semaphore_mem>>)
    %dma_wait3A_593 = arith.constant 336 : i32
    %dma_wait3A_594 = tpu.memref_slice %arg6[%dma_wait3A_593] : memref<768xi32, #tpu.memory_space<vmem>> -> memref<48xi32, #tpu.memory_space<vmem>>
    %dma_wait3A_595 = arith.constant 0 : i32
    %dma_wait3A_596 = arith.constant 0 : i32
    %dma_wait3A_597 = tpu.memref_slice %arg2[%dma_wait3A_595, %dma_wait3A_596] : memref<24576x1024xf32, #tpu.memory_space<hbm>> -> memref<24576x1024xf32, #tpu.memory_space<hbm>>
    tpu.wait_indirect_dma semaphore(%arg10 : memref<!tpu.dma_semaphore, #tpu.memory_space<semaphore_mem>>) src(%dma_wait3A_597 : memref<24576x1024xf32, #tpu.memory_space<hbm>>) dst(%arg8 : memref<48x1024xf32, #tpu.memory_space<vmem>>)
    %add3A_598 = arith.constant 336 : i32
    %add3A_599 = arith.addi %mul3A_2, %add3A_598 : i32
    %dma_start3A_600 = arith.constant 0 : i32
    %dma_start3A_601 = tpu.memref_slice %arg4[%add3A_599, %dma_start3A_600] : memref<24576x1024xf32, #tpu.memory_space<hbm>> -> memref<48x1024xf32, #tpu.memory_space<hbm>>
    %dma_start3A_602 = arith.constant 0 : i32
    %dma_start3A_603 = tpu.memref_slice %arg4[%add3A_599, %dma_start3A_602] : memref<24576x1024xf32, #tpu.memory_space<hbm>> -> memref<48x1024xf32, #tpu.memory_space<hbm>>
    tpu.enqueue_dma source(%arg8 : memref<48x1024xf32, #tpu.memory_space<vmem>>) target(%dma_start3A_603 : memref<48x1024xf32, #tpu.memory_space<hbm>>) target_semaphore(%arg12 : memref<!tpu.dma_semaphore, #tpu.memory_space<semaphore_mem>>)
    %dma_wait3A_604 = arith.constant 0 : i32
    %dma_wait3A_605 = tpu.memref_slice %arg4[%add3A_599, %dma_wait3A_604] : memref<24576x1024xf32, #tpu.memory_space<hbm>> -> memref<48x1024xf32, #tpu.memory_space<hbm>>
    %dma_wait3A_606 = arith.constant 0 : i32
    %dma_wait3A_607 = tpu.memref_slice %arg4[%add3A_599, %dma_wait3A_606] : memref<24576x1024xf32, #tpu.memory_space<hbm>> -> memref<48x1024xf32, #tpu.memory_space<hbm>>
    tpu.wait_dma2 semaphore(%arg12 : memref<!tpu.dma_semaphore, #tpu.memory_space<semaphore_mem>>) src(%arg8 : memref<48x1024xf32, #tpu.memory_space<vmem>>) dst(%dma_wait3A_607 : memref<48x1024xf32, #tpu.memory_space<hbm>>)
    %dma_start3A_608 = arith.constant 432 : i32
    %dma_start3A_609 = tpu.memref_slice %arg6[%dma_start3A_608] : memref<768xi32, #tpu.memory_space<vmem>> -> memref<48xi32, #tpu.memory_space<vmem>>
    %dma_start3A_610 = arith.constant 0 : i32
    %dma_start3A_611 = arith.constant 0 : i32
    %dma_start3A_612 = tpu.memref_slice %arg2[%dma_start3A_610, %dma_start3A_611] : memref<24576x1024xf32, #tpu.memory_space<hbm>> -> memref<24576x1024xf32, #tpu.memory_space<hbm>>
    tpu.enqueue_indirect_dma source(%dma_start3A_612 : memref<24576x1024xf32, #tpu.memory_space<hbm>>) target(%arg8 : memref<48x1024xf32, #tpu.memory_space<vmem>>) offsets(%dma_start3A_609 : memref<48xi32, #tpu.memory_space<vmem>>) semaphore(%arg10 : memref<!tpu.dma_semaphore, #tpu.memory_space<semaphore_mem>>)
    %dma_wait3A_613 = arith.constant 384 : i32
    %dma_wait3A_614 = tpu.memref_slice %arg6[%dma_wait3A_613] : memref<768xi32, #tpu.memory_space<vmem>> -> memref<48xi32, #tpu.memory_space<vmem>>
    %dma_wait3A_615 = arith.constant 0 : i32
    %dma_wait3A_616 = arith.constant 0 : i32
    %dma_wait3A_617 = tpu.memref_slice %arg2[%dma_wait3A_615, %dma_wait3A_616] : memref<24576x1024xf32, #tpu.memory_space<hbm>> -> memref<24576x1024xf32, #tpu.memory_space<hbm>>
    tpu.wait_indirect_dma semaphore(%arg9 : memref<!tpu.dma_semaphore, #tpu.memory_space<semaphore_mem>>) src(%dma_wait3A_617 : memref<24576x1024xf32, #tpu.memory_space<hbm>>) dst(%arg7 : memref<48x1024xf32, #tpu.memory_space<vmem>>)
    %add3A_618 = arith.constant 384 : i32
    %add3A_619 = arith.addi %mul3A_2, %add3A_618 : i32
    %dma_start3A_620 = arith.constant 0 : i32
    %dma_start3A_621 = tpu.memref_slice %arg4[%add3A_619, %dma_start3A_620] : memref<24576x1024xf32, #tpu.memory_space<hbm>> -> memref<48x1024xf32, #tpu.memory_space<hbm>>
    %dma_start3A_622 = arith.constant 0 : i32
    %dma_start3A_623 = tpu.memref_slice %arg4[%add3A_619, %dma_start3A_622] : memref<24576x1024xf32, #tpu.memory_space<hbm>> -> memref<48x1024xf32, #tpu.memory_space<hbm>>
    tpu.enqueue_dma source(%arg7 : memref<48x1024xf32, #tpu.memory_space<vmem>>) target(%dma_start3A_623 : memref<48x1024xf32, #tpu.memory_space<hbm>>) target_semaphore(%arg11 : memref<!tpu.dma_semaphore, #tpu.memory_space<semaphore_mem>>)
    %dma_wait3A_624 = arith.constant 0 : i32
    %dma_wait3A_625 = tpu.memref_slice %arg4[%add3A_619, %dma_wait3A_624] : memref<24576x1024xf32, #tpu.memory_space<hbm>> -> memref<48x1024xf32, #tpu.memory_space<hbm>>
    %dma_wait3A_626 = arith.constant 0 : i32
    %dma_wait3A_627 = tpu.memref_slice %arg4[%add3A_619, %dma_wait3A_626] : memref<24576x1024xf32, #tpu.memory_space<hbm>> -> memref<48x1024xf32, #tpu.memory_space<hbm>>
    tpu.wait_dma2 semaphore(%arg11 : memref<!tpu.dma_semaphore, #tpu.memory_space<semaphore_mem>>) src(%arg7 : memref<48x1024xf32, #tpu.memory_space<vmem>>) dst(%dma_wait3A_627 : memref<48x1024xf32, #tpu.memory_space<hbm>>)
    %dma_start3A_628 = arith.constant 480 : i32
    %dma_start3A_629 = tpu.memref_slice %arg6[%dma_start3A_628] : memref<768xi32, #tpu.memory_space<vmem>> -> memref<48xi32, #tpu.memory_space<vmem>>
    %dma_start3A_630 = arith.constant 0 : i32
    %dma_start3A_631 = arith.constant 0 : i32
    %dma_start3A_632 = tpu.memref_slice %arg2[%dma_start3A_630, %dma_start3A_631] : memref<24576x1024xf32, #tpu.memory_space<hbm>> -> memref<24576x1024xf32, #tpu.memory_space<hbm>>
    tpu.enqueue_indirect_dma source(%dma_start3A_632 : memref<24576x1024xf32, #tpu.memory_space<hbm>>) target(%arg7 : memref<48x1024xf32, #tpu.memory_space<vmem>>) offsets(%dma_start3A_629 : memref<48xi32, #tpu.memory_space<vmem>>) semaphore(%arg9 : memref<!tpu.dma_semaphore, #tpu.memory_space<semaphore_mem>>)
    %dma_wait3A_633 = arith.constant 432 : i32
    %dma_wait3A_634 = tpu.memref_slice %arg6[%dma_wait3A_633] : memref<768xi32, #tpu.memory_space<vmem>> -> memref<48xi32, #tpu.memory_space<vmem>>
    %dma_wait3A_635 = arith.constant 0 : i32
    %dma_wait3A_636 = arith.constant 0 : i32
    %dma_wait3A_637 = tpu.memref_slice %arg2[%dma_wait3A_635, %dma_wait3A_636] : memref<24576x1024xf32, #tpu.memory_space<hbm>> -> memref<24576x1024xf32, #tpu.memory_space<hbm>>
    tpu.wait_indirect_dma semaphore(%arg10 : memref<!tpu.dma_semaphore, #tpu.memory_space<semaphore_mem>>) src(%dma_wait3A_637 : memref<24576x1024xf32, #tpu.memory_space<hbm>>) dst(%arg8 : memref<48x1024xf32, #tpu.memory_space<vmem>>)
    %add3A_638 = arith.constant 432 : i32
    %add3A_639 = arith.addi %mul3A_2, %add3A_638 : i32
    %dma_start3A_640 = arith.constant 0 : i32
    %dma_start3A_641 = tpu.memref_slice %arg4[%add3A_639, %dma_start3A_640] : memref<24576x1024xf32, #tpu.memory_space<hbm>> -> memref<48x1024xf32, #tpu.memory_space<hbm>>
    %dma_start3A_642 = arith.constant 0 : i32
    %dma_start3A_643 = tpu.memref_slice %arg4[%add3A_639, %dma_start3A_642] : memref<24576x1024xf32, #tpu.memory_space<hbm>> -> memref<48x1024xf32, #tpu.memory_space<hbm>>
    tpu.enqueue_dma source(%arg8 : memref<48x1024xf32, #tpu.memory_space<vmem>>) target(%dma_start3A_643 : memref<48x1024xf32, #tpu.memory_space<hbm>>) target_semaphore(%arg12 : memref<!tpu.dma_semaphore, #tpu.memory_space<semaphore_mem>>)
    %dma_wait3A_644 = arith.constant 0 : i32
    %dma_wait3A_645 = tpu.memref_slice %arg4[%add3A_639, %dma_wait3A_644] : memref<24576x1024xf32, #tpu.memory_space<hbm>> -> memref<48x1024xf32, #tpu.memory_space<hbm>>
    %dma_wait3A_646 = arith.constant 0 : i32
    %dma_wait3A_647 = tpu.memref_slice %arg4[%add3A_639, %dma_wait3A_646] : memref<24576x1024xf32, #tpu.memory_space<hbm>> -> memref<48x1024xf32, #tpu.memory_space<hbm>>
    tpu.wait_dma2 semaphore(%arg12 : memref<!tpu.dma_semaphore, #tpu.memory_space<semaphore_mem>>) src(%arg8 : memref<48x1024xf32, #tpu.memory_space<vmem>>) dst(%dma_wait3A_647 : memref<48x1024xf32, #tpu.memory_space<hbm>>)
    %dma_start3A_648 = arith.constant 528 : i32
    %dma_start3A_649 = tpu.memref_slice %arg6[%dma_start3A_648] : memref<768xi32, #tpu.memory_space<vmem>> -> memref<48xi32, #tpu.memory_space<vmem>>
    %dma_start3A_650 = arith.constant 0 : i32
    %dma_start3A_651 = arith.constant 0 : i32
    %dma_start3A_652 = tpu.memref_slice %arg2[%dma_start3A_650, %dma_start3A_651] : memref<24576x1024xf32, #tpu.memory_space<hbm>> -> memref<24576x1024xf32, #tpu.memory_space<hbm>>
    tpu.enqueue_indirect_dma source(%dma_start3A_652 : memref<24576x1024xf32, #tpu.memory_space<hbm>>) target(%arg8 : memref<48x1024xf32, #tpu.memory_space<vmem>>) offsets(%dma_start3A_649 : memref<48xi32, #tpu.memory_space<vmem>>) semaphore(%arg10 : memref<!tpu.dma_semaphore, #tpu.memory_space<semaphore_mem>>)
    %dma_wait3A_653 = arith.constant 480 : i32
    %dma_wait3A_654 = tpu.memref_slice %arg6[%dma_wait3A_653] : memref<768xi32, #tpu.memory_space<vmem>> -> memref<48xi32, #tpu.memory_space<vmem>>
    %dma_wait3A_655 = arith.constant 0 : i32
    %dma_wait3A_656 = arith.constant 0 : i32
    %dma_wait3A_657 = tpu.memref_slice %arg2[%dma_wait3A_655, %dma_wait3A_656] : memref<24576x1024xf32, #tpu.memory_space<hbm>> -> memref<24576x1024xf32, #tpu.memory_space<hbm>>
    tpu.wait_indirect_dma semaphore(%arg9 : memref<!tpu.dma_semaphore, #tpu.memory_space<semaphore_mem>>) src(%dma_wait3A_657 : memref<24576x1024xf32, #tpu.memory_space<hbm>>) dst(%arg7 : memref<48x1024xf32, #tpu.memory_space<vmem>>)
    %add3A_658 = arith.constant 480 : i32
    %add3A_659 = arith.addi %mul3A_2, %add3A_658 : i32
    %dma_start3A_660 = arith.constant 0 : i32
    %dma_start3A_661 = tpu.memref_slice %arg4[%add3A_659, %dma_start3A_660] : memref<24576x1024xf32, #tpu.memory_space<hbm>> -> memref<48x1024xf32, #tpu.memory_space<hbm>>
    %dma_start3A_662 = arith.constant 0 : i32
    %dma_start3A_663 = tpu.memref_slice %arg4[%add3A_659, %dma_start3A_662] : memref<24576x1024xf32, #tpu.memory_space<hbm>> -> memref<48x1024xf32, #tpu.memory_space<hbm>>
    tpu.enqueue_dma source(%arg7 : memref<48x1024xf32, #tpu.memory_space<vmem>>) target(%dma_start3A_663 : memref<48x1024xf32, #tpu.memory_space<hbm>>) target_semaphore(%arg11 : memref<!tpu.dma_semaphore, #tpu.memory_space<semaphore_mem>>)
    %dma_wait3A_664 = arith.constant 0 : i32
    %dma_wait3A_665 = tpu.memref_slice %arg4[%add3A_659, %dma_wait3A_664] : memref<24576x1024xf32, #tpu.memory_space<hbm>> -> memref<48x1024xf32, #tpu.memory_space<hbm>>
    %dma_wait3A_666 = arith.constant 0 : i32
    %dma_wait3A_667 = tpu.memref_slice %arg4[%add3A_659, %dma_wait3A_666] : memref<24576x1024xf32, #tpu.memory_space<hbm>> -> memref<48x1024xf32, #tpu.memory_space<hbm>>
    tpu.wait_dma2 semaphore(%arg11 : memref<!tpu.dma_semaphore, #tpu.memory_space<semaphore_mem>>) src(%arg7 : memref<48x1024xf32, #tpu.memory_space<vmem>>) dst(%dma_wait3A_667 : memref<48x1024xf32, #tpu.memory_space<hbm>>)
    %dma_start3A_668 = arith.constant 576 : i32
    %dma_start3A_669 = tpu.memref_slice %arg6[%dma_start3A_668] : memref<768xi32, #tpu.memory_space<vmem>> -> memref<48xi32, #tpu.memory_space<vmem>>
    %dma_start3A_670 = arith.constant 0 : i32
    %dma_start3A_671 = arith.constant 0 : i32
    %dma_start3A_672 = tpu.memref_slice %arg2[%dma_start3A_670, %dma_start3A_671] : memref<24576x1024xf32, #tpu.memory_space<hbm>> -> memref<24576x1024xf32, #tpu.memory_space<hbm>>
    tpu.enqueue_indirect_dma source(%dma_start3A_672 : memref<24576x1024xf32, #tpu.memory_space<hbm>>) target(%arg7 : memref<48x1024xf32, #tpu.memory_space<vmem>>) offsets(%dma_start3A_669 : memref<48xi32, #tpu.memory_space<vmem>>) semaphore(%arg9 : memref<!tpu.dma_semaphore, #tpu.memory_space<semaphore_mem>>)
    %dma_wait3A_673 = arith.constant 528 : i32
    %dma_wait3A_674 = tpu.memref_slice %arg6[%dma_wait3A_673] : memref<768xi32, #tpu.memory_space<vmem>> -> memref<48xi32, #tpu.memory_space<vmem>>
    %dma_wait3A_675 = arith.constant 0 : i32
    %dma_wait3A_676 = arith.constant 0 : i32
    %dma_wait3A_677 = tpu.memref_slice %arg2[%dma_wait3A_675, %dma_wait3A_676] : memref<24576x1024xf32, #tpu.memory_space<hbm>> -> memref<24576x1024xf32, #tpu.memory_space<hbm>>
    tpu.wait_indirect_dma semaphore(%arg10 : memref<!tpu.dma_semaphore, #tpu.memory_space<semaphore_mem>>) src(%dma_wait3A_677 : memref<24576x1024xf32, #tpu.memory_space<hbm>>) dst(%arg8 : memref<48x1024xf32, #tpu.memory_space<vmem>>)
    %add3A_678 = arith.constant 528 : i32
    %add3A_679 = arith.addi %mul3A_2, %add3A_678 : i32
    %dma_start3A_680 = arith.constant 0 : i32
    %dma_start3A_681 = tpu.memref_slice %arg4[%add3A_679, %dma_start3A_680] : memref<24576x1024xf32, #tpu.memory_space<hbm>> -> memref<48x1024xf32, #tpu.memory_space<hbm>>
    %dma_start3A_682 = arith.constant 0 : i32
    %dma_start3A_683 = tpu.memref_slice %arg4[%add3A_679, %dma_start3A_682] : memref<24576x1024xf32, #tpu.memory_space<hbm>> -> memref<48x1024xf32, #tpu.memory_space<hbm>>
    tpu.enqueue_dma source(%arg8 : memref<48x1024xf32, #tpu.memory_space<vmem>>) target(%dma_start3A_683 : memref<48x1024xf32, #tpu.memory_space<hbm>>) target_semaphore(%arg12 : memref<!tpu.dma_semaphore, #tpu.memory_space<semaphore_mem>>)
    %dma_wait3A_684 = arith.constant 0 : i32
    %dma_wait3A_685 = tpu.memref_slice %arg4[%add3A_679, %dma_wait3A_684] : memref<24576x1024xf32, #tpu.memory_space<hbm>> -> memref<48x1024xf32, #tpu.memory_space<hbm>>
    %dma_wait3A_686 = arith.constant 0 : i32
    %dma_wait3A_687 = tpu.memref_slice %arg4[%add3A_679, %dma_wait3A_686] : memref<24576x1024xf32, #tpu.memory_space<hbm>> -> memref<48x1024xf32, #tpu.memory_space<hbm>>
    tpu.wait_dma2 semaphore(%arg12 : memref<!tpu.dma_semaphore, #tpu.memory_space<semaphore_mem>>) src(%arg8 : memref<48x1024xf32, #tpu.memory_space<vmem>>) dst(%dma_wait3A_687 : memref<48x1024xf32, #tpu.memory_space<hbm>>)
    %dma_start3A_688 = arith.constant 624 : i32
    %dma_start3A_689 = tpu.memref_slice %arg6[%dma_start3A_688] : memref<768xi32, #tpu.memory_space<vmem>> -> memref<48xi32, #tpu.memory_space<vmem>>
    %dma_start3A_690 = arith.constant 0 : i32
    %dma_start3A_691 = arith.constant 0 : i32
    %dma_start3A_692 = tpu.memref_slice %arg2[%dma_start3A_690, %dma_start3A_691] : memref<24576x1024xf32, #tpu.memory_space<hbm>> -> memref<24576x1024xf32, #tpu.memory_space<hbm>>
    tpu.enqueue_indirect_dma source(%dma_start3A_692 : memref<24576x1024xf32, #tpu.memory_space<hbm>>) target(%arg8 : memref<48x1024xf32, #tpu.memory_space<vmem>>) offsets(%dma_start3A_689 : memref<48xi32, #tpu.memory_space<vmem>>) semaphore(%arg10 : memref<!tpu.dma_semaphore, #tpu.memory_space<semaphore_mem>>)
    %dma_wait3A_693 = arith.constant 576 : i32
    %dma_wait3A_694 = tpu.memref_slice %arg6[%dma_wait3A_693] : memref<768xi32, #tpu.memory_space<vmem>> -> memref<48xi32, #tpu.memory_space<vmem>>
    %dma_wait3A_695 = arith.constant 0 : i32
    %dma_wait3A_696 = arith.constant 0 : i32
    %dma_wait3A_697 = tpu.memref_slice %arg2[%dma_wait3A_695, %dma_wait3A_696] : memref<24576x1024xf32, #tpu.memory_space<hbm>> -> memref<24576x1024xf32, #tpu.memory_space<hbm>>
    tpu.wait_indirect_dma semaphore(%arg9 : memref<!tpu.dma_semaphore, #tpu.memory_space<semaphore_mem>>) src(%dma_wait3A_697 : memref<24576x1024xf32, #tpu.memory_space<hbm>>) dst(%arg7 : memref<48x1024xf32, #tpu.memory_space<vmem>>)
    %add3A_698 = arith.constant 576 : i32
    %add3A_699 = arith.addi %mul3A_2, %add3A_698 : i32
    %dma_start3A_700 = arith.constant 0 : i32
    %dma_start3A_701 = tpu.memref_slice %arg4[%add3A_699, %dma_start3A_700] : memref<24576x1024xf32, #tpu.memory_space<hbm>> -> memref<48x1024xf32, #tpu.memory_space<hbm>>
    %dma_start3A_702 = arith.constant 0 : i32
    %dma_start3A_703 = tpu.memref_slice %arg4[%add3A_699, %dma_start3A_702] : memref<24576x1024xf32, #tpu.memory_space<hbm>> -> memref<48x1024xf32, #tpu.memory_space<hbm>>
    tpu.enqueue_dma source(%arg7 : memref<48x1024xf32, #tpu.memory_space<vmem>>) target(%dma_start3A_703 : memref<48x1024xf32, #tpu.memory_space<hbm>>) target_semaphore(%arg11 : memref<!tpu.dma_semaphore, #tpu.memory_space<semaphore_mem>>)
    %dma_wait3A_704 = arith.constant 0 : i32
    %dma_wait3A_705 = tpu.memref_slice %arg4[%add3A_699, %dma_wait3A_704] : memref<24576x1024xf32, #tpu.memory_space<hbm>> -> memref<48x1024xf32, #tpu.memory_space<hbm>>
    %dma_wait3A_706 = arith.constant 0 : i32
    %dma_wait3A_707 = tpu.memref_slice %arg4[%add3A_699, %dma_wait3A_706] : memref<24576x1024xf32, #tpu.memory_space<hbm>> -> memref<48x1024xf32, #tpu.memory_space<hbm>>
    tpu.wait_dma2 semaphore(%arg11 : memref<!tpu.dma_semaphore, #tpu.memory_space<semaphore_mem>>) src(%arg7 : memref<48x1024xf32, #tpu.memory_space<vmem>>) dst(%dma_wait3A_707 : memref<48x1024xf32, #tpu.memory_space<hbm>>)
    %dma_start3A_708 = arith.constant 672 : i32
    %dma_start3A_709 = tpu.memref_slice %arg6[%dma_start3A_708] : memref<768xi32, #tpu.memory_space<vmem>> -> memref<48xi32, #tpu.memory_space<vmem>>
    %dma_start3A_710 = arith.constant 0 : i32
    %dma_start3A_711 = arith.constant 0 : i32
    %dma_start3A_712 = tpu.memref_slice %arg2[%dma_start3A_710, %dma_start3A_711] : memref<24576x1024xf32, #tpu.memory_space<hbm>> -> memref<24576x1024xf32, #tpu.memory_space<hbm>>
    tpu.enqueue_indirect_dma source(%dma_start3A_712 : memref<24576x1024xf32, #tpu.memory_space<hbm>>) target(%arg7 : memref<48x1024xf32, #tpu.memory_space<vmem>>) offsets(%dma_start3A_709 : memref<48xi32, #tpu.memory_space<vmem>>) semaphore(%arg9 : memref<!tpu.dma_semaphore, #tpu.memory_space<semaphore_mem>>)
    %dma_wait3A_713 = arith.constant 624 : i32
    %dma_wait3A_714 = tpu.memref_slice %arg6[%dma_wait3A_713] : memref<768xi32, #tpu.memory_space<vmem>> -> memref<48xi32, #tpu.memory_space<vmem>>
    %dma_wait3A_715 = arith.constant 0 : i32
    %dma_wait3A_716 = arith.constant 0 : i32
    %dma_wait3A_717 = tpu.memref_slice %arg2[%dma_wait3A_715, %dma_wait3A_716] : memref<24576x1024xf32, #tpu.memory_space<hbm>> -> memref<24576x1024xf32, #tpu.memory_space<hbm>>
    tpu.wait_indirect_dma semaphore(%arg10 : memref<!tpu.dma_semaphore, #tpu.memory_space<semaphore_mem>>) src(%dma_wait3A_717 : memref<24576x1024xf32, #tpu.memory_space<hbm>>) dst(%arg8 : memref<48x1024xf32, #tpu.memory_space<vmem>>)
    %add3A_718 = arith.constant 624 : i32
    %add3A_719 = arith.addi %mul3A_2, %add3A_718 : i32
    %dma_start3A_720 = arith.constant 0 : i32
    %dma_start3A_721 = tpu.memref_slice %arg4[%add3A_719, %dma_start3A_720] : memref<24576x1024xf32, #tpu.memory_space<hbm>> -> memref<48x1024xf32, #tpu.memory_space<hbm>>
    %dma_start3A_722 = arith.constant 0 : i32
    %dma_start3A_723 = tpu.memref_slice %arg4[%add3A_719, %dma_start3A_722] : memref<24576x1024xf32, #tpu.memory_space<hbm>> -> memref<48x1024xf32, #tpu.memory_space<hbm>>
    tpu.enqueue_dma source(%arg8 : memref<48x1024xf32, #tpu.memory_space<vmem>>) target(%dma_start3A_723 : memref<48x1024xf32, #tpu.memory_space<hbm>>) target_semaphore(%arg12 : memref<!tpu.dma_semaphore, #tpu.memory_space<semaphore_mem>>)
    %dma_wait3A_724 = arith.constant 0 : i32
    %dma_wait3A_725 = tpu.memref_slice %arg4[%add3A_719, %dma_wait3A_724] : memref<24576x1024xf32, #tpu.memory_space<hbm>> -> memref<48x1024xf32, #tpu.memory_space<hbm>>
    %dma_wait3A_726 = arith.constant 0 : i32
    %dma_wait3A_727 = tpu.memref_slice %arg4[%add3A_719, %dma_wait3A_726] : memref<24576x1024xf32, #tpu.memory_space<hbm>> -> memref<48x1024xf32, #tpu.memory_space<hbm>>
    tpu.wait_dma2 semaphore(%arg12 : memref<!tpu.dma_semaphore, #tpu.memory_space<semaphore_mem>>) src(%arg8 : memref<48x1024xf32, #tpu.memory_space<vmem>>) dst(%dma_wait3A_727 : memref<48x1024xf32, #tpu.memory_space<hbm>>)
    %dma_start3A_728 = arith.constant 720 : i32
    %dma_start3A_729 = tpu.memref_slice %arg6[%dma_start3A_728] : memref<768xi32, #tpu.memory_space<vmem>> -> memref<48xi32, #tpu.memory_space<vmem>>
    %dma_start3A_730 = arith.constant 0 : i32
    %dma_start3A_731 = arith.constant 0 : i32
    %dma_start3A_732 = tpu.memref_slice %arg2[%dma_start3A_730, %dma_start3A_731] : memref<24576x1024xf32, #tpu.memory_space<hbm>> -> memref<24576x1024xf32, #tpu.memory_space<hbm>>
    tpu.enqueue_indirect_dma source(%dma_start3A_732 : memref<24576x1024xf32, #tpu.memory_space<hbm>>) target(%arg8 : memref<48x1024xf32, #tpu.memory_space<vmem>>) offsets(%dma_start3A_729 : memref<48xi32, #tpu.memory_space<vmem>>) semaphore(%arg10 : memref<!tpu.dma_semaphore, #tpu.memory_space<semaphore_mem>>)
    %dma_wait3A_733 = arith.constant 672 : i32
    %dma_wait3A_734 = tpu.memref_slice %arg6[%dma_wait3A_733] : memref<768xi32, #tpu.memory_space<vmem>> -> memref<48xi32, #tpu.memory_space<vmem>>
    %dma_wait3A_735 = arith.constant 0 : i32
    %dma_wait3A_736 = arith.constant 0 : i32
    %dma_wait3A_737 = tpu.memref_slice %arg2[%dma_wait3A_735, %dma_wait3A_736] : memref<24576x1024xf32, #tpu.memory_space<hbm>> -> memref<24576x1024xf32, #tpu.memory_space<hbm>>
    tpu.wait_indirect_dma semaphore(%arg9 : memref<!tpu.dma_semaphore, #tpu.memory_space<semaphore_mem>>) src(%dma_wait3A_737 : memref<24576x1024xf32, #tpu.memory_space<hbm>>) dst(%arg7 : memref<48x1024xf32, #tpu.memory_space<vmem>>)
    %add3A_738 = arith.constant 672 : i32
    %add3A_739 = arith.addi %mul3A_2, %add3A_738 : i32
    %dma_start3A_740 = arith.constant 0 : i32
    %dma_start3A_741 = tpu.memref_slice %arg4[%add3A_739, %dma_start3A_740] : memref<24576x1024xf32, #tpu.memory_space<hbm>> -> memref<48x1024xf32, #tpu.memory_space<hbm>>
    %dma_start3A_742 = arith.constant 0 : i32
    %dma_start3A_743 = tpu.memref_slice %arg4[%add3A_739, %dma_start3A_742] : memref<24576x1024xf32, #tpu.memory_space<hbm>> -> memref<48x1024xf32, #tpu.memory_space<hbm>>
    tpu.enqueue_dma source(%arg7 : memref<48x1024xf32, #tpu.memory_space<vmem>>) target(%dma_start3A_743 : memref<48x1024xf32, #tpu.memory_space<hbm>>) target_semaphore(%arg11 : memref<!tpu.dma_semaphore, #tpu.memory_space<semaphore_mem>>)
    %dma_wait3A_744 = arith.constant 720 : i32
    %dma_wait3A_745 = tpu.memref_slice %arg6[%dma_wait3A_744] : memref<768xi32, #tpu.memory_space<vmem>> -> memref<48xi32, #tpu.memory_space<vmem>>
    %dma_wait3A_746 = arith.constant 0 : i32
    %dma_wait3A_747 = arith.constant 0 : i32
    %dma_wait3A_748 = tpu.memref_slice %arg2[%dma_wait3A_746, %dma_wait3A_747] : memref<24576x1024xf32, #tpu.memory_space<hbm>> -> memref<24576x1024xf32, #tpu.memory_space<hbm>>
    tpu.wait_indirect_dma semaphore(%arg10 : memref<!tpu.dma_semaphore, #tpu.memory_space<semaphore_mem>>) src(%dma_wait3A_748 : memref<24576x1024xf32, #tpu.memory_space<hbm>>) dst(%arg8 : memref<48x1024xf32, #tpu.memory_space<vmem>>)
    %add3A_749 = arith.constant 720 : i32
    %add3A_750 = arith.addi %mul3A_2, %add3A_749 : i32
    %dma_start3A_751 = arith.constant 0 : i32
    %dma_start3A_752 = tpu.memref_slice %arg4[%add3A_750, %dma_start3A_751] : memref<24576x1024xf32, #tpu.memory_space<hbm>> -> memref<48x1024xf32, #tpu.memory_space<hbm>>
    %dma_start3A_753 = arith.constant 0 : i32
    %dma_start3A_754 = tpu.memref_slice %arg4[%add3A_750, %dma_start3A_753] : memref<24576x1024xf32, #tpu.memory_space<hbm>> -> memref<48x1024xf32, #tpu.memory_space<hbm>>
    tpu.enqueue_dma source(%arg8 : memref<48x1024xf32, #tpu.memory_space<vmem>>) target(%dma_start3A_754 : memref<48x1024xf32, #tpu.memory_space<hbm>>) target_semaphore(%arg12 : memref<!tpu.dma_semaphore, #tpu.memory_space<semaphore_mem>>)
    %dma_wait3A_755 = arith.constant 0 : i32
    %dma_wait3A_756 = tpu.memref_slice %arg4[%add3A_739, %dma_wait3A_755] : memref<24576x1024xf32, #tpu.memory_space<hbm>> -> memref<48x1024xf32, #tpu.memory_space<hbm>>
    %dma_wait3A_757 = arith.constant 0 : i32
    %dma_wait3A_758 = tpu.memref_slice %arg4[%add3A_739, %dma_wait3A_757] : memref<24576x1024xf32, #tpu.memory_space<hbm>> -> memref<48x1024xf32, #tpu.memory_space<hbm>>
    tpu.wait_dma2 semaphore(%arg11 : memref<!tpu.dma_semaphore, #tpu.memory_space<semaphore_mem>>) src(%arg7 : memref<48x1024xf32, #tpu.memory_space<vmem>>) dst(%dma_wait3A_758 : memref<48x1024xf32, #tpu.memory_space<hbm>>)
    %dma_wait3A_759 = arith.constant 0 : i32
    %dma_wait3A_760 = tpu.memref_slice %arg4[%add3A_750, %dma_wait3A_759] : memref<24576x1024xf32, #tpu.memory_space<hbm>> -> memref<48x1024xf32, #tpu.memory_space<hbm>>
    %dma_wait3A_761 = arith.constant 0 : i32
    %dma_wait3A_762 = tpu.memref_slice %arg4[%add3A_750, %dma_wait3A_761] : memref<24576x1024xf32, #tpu.memory_space<hbm>> -> memref<48x1024xf32, #tpu.memory_space<hbm>>
    tpu.wait_dma2 semaphore(%arg12 : memref<!tpu.dma_semaphore, #tpu.memory_space<semaphore_mem>>) src(%arg8 : memref<48x1024xf32, #tpu.memory_space<vmem>>) dst(%dma_wait3A_762 : memref<48x1024xf32, #tpu.memory_space<hbm>>)
    return
  }
}

</mosaic_0001>

<sc_bundles>
// kernel: _sc_gather.3.cloned.1.call-start
scs
__scs_entry_jumppad:
0x0: {  	(pc) =	sbr.rel $0x88, $3  }
0x1: {  	(tag) =	ssettag $0x0;
	lr =	simm.s32 $0x1  }
0x2: {  	[smem:$0x3F9F] =	sst lr;
	_ =	strace $0xD0000000  }
0x3: {  	_ = 	snop  }
0x4: {  	_ = 	snop  }
0x5: {  	_ = 	snop  }
0x6: {  	_ = 	snop  }
0x7: {  	_ = 	snop  }
__scs_overlays_trampoline_lowered:
0x8: {  	[smem:$0x3FAE] =	sst s0  }
0x9: {  	[smem:$0x3FAF] =	sst s1  }
0xa: {  	[smem:$0x3FB0] =	sst s2  }
0xb: {  	[smem:$0x3FB1] =	sst s3  }
0xc: {  	[smem:$0x3FB2] =	sst s4  }
0xd: {  	[smem:$0x3FB3] =	sst s5  }
0xe: {  	[smem:$0x3FB4] =	sst s6  }
0xf: {  	[smem:$0x3FB5] =	sst s7  }
0x10: {  	[smem:$0x3FB6] =	sst s8  }
0x11: {  	[smem:$0x3FB7] =	sst s9;
	s0 =	simm.s32 @!p0 $0x0  }
0x12: {  	s1 =	sld [smem:$0x3F9D];
	s0 =	simm.s32 @p0 $0x1  }
0x13: {  	[smem:$0x3FB8] =	sst s0;
	s0 =	simm.s32 @!p1 $0x0  }
0x14: {  	s2 =	sld [smem:$0x3F9C];
	s0 =	simm.s32 @p1 $0x1  }
0x15: {  	[smem:$0x3FB9] =	sst s0;
	s0 =	simm.s32 @!p2 $0x0  }
0x16: {  	s3 =	sld [smem:$0x3FDB];
	s0 =	simm.s32 @p2 $0x1  }
0x17: {  	s4 =	simm.s32 $0x1BF5;
	[smem:$0x3FBB] =	sst s0  }
0x18: {  	s0 =	sld [smem:$0x3F9E];
	_ =	swait.ge [sflag:s4], $0x0  }
0x19: {  	s7 =	sld [smem:$0x3F9F]  }
0x1a: {  	s8 =	sadd.s32 $0xFFFFE003, lr  }
0x1b: {  	s9 =	sadd.s32 $0xFFFFFEF7, lr;
	s5 =	simm.s32 $0xFFFFFFFF;
	p2 =	slt.u32 s8, $0xFFFFF086  }
0x1c: {  	p1 =	slt.u32 s9, $0xF7A;
	s5 =	simm.s32 @!p2 $0x0  }
0x1d: {  	s5 =	simm.s32 @p1 $0x1;
	p0 =	seq.s32 s7, s2  }
0x1e: {  	s7 =	smul.u32 @!p0 $0xF7A, s2;
	p2 =	seq.s32 @!p0 s5, $0x0  }
0x1f: {  	s9 =	smul.u32 $0xF7A, s1;
	s8 =	simm.s32 @!p0 $0x1BF5;
	p2 =	por !p2, p0  }
0x20: {  	[sflag:s8] =	ssyncset.s32 @!p0 $0xFFFFF086;
	s6 =	sadd.s32 @!p0 s3, s7;
	s7 =	simm.s32 @!p0 $0x108  }
0x21: {  	s3 =	sadd.s32 s3, s9;
	s6 =	sadd.s32 @!p0 $0x88, s6;
	s7 =	simm.s32 @p2 $0x1082  }
0x22: {  	[simem:s7], [sflag:s8] =	dma.local @!p0 [hbm:s6], $0xF7A  }
0x23: {  	s9 =	sor.u32 $0xD0000000, s2;
	s6 =	simm.s32 $0x108;
	_ =	swait.ge @!p0 [sflag:s8], $0x0  }
0x24: {  	s3 =	sadd.s32 $0x88, s3;
	s6 =	simm.s32 @!p1 $0x1082;
	[sflag:s4] =	ssyncset.s32 $0xFFFFF086  }
0x25: {  	[simem:s6], [sflag:s4] =	dma.local [hbm:s3], $0xF7A  }
0x26: {  	[smem:$0x3F9F] =	sst s1;
	(tag) =	ssettag s2;
	_ =	strace s9  }
0x27: {  	s1 =	sld [smem:$0x3FAF]  }
0x28: {  	s2 =	sld [smem:$0x3FB0]  }
0x29: {  	s4 =	sld [smem:$0x3FB2]  }
0x2a: {  	p0 =	seq.s32 s5, $0x0;
	s5 =	sld [smem:$0x3FB3]  }
0x2b: {  	s6 =	sld [smem:$0x3FB4]  }
0x2c: {  	s7 =	sld [smem:$0x3FB5]  }
0x2d: {  	s3 =	simm.s32 $0x108;
	s8 =	sld [smem:$0x3FB6]  }
0x2e: {  	s3 =	simm.s32 @!p0 $0x1082;
	s9 =	sld [smem:$0x3FB7]  }
0x2f: {  	lr =	sadd.s32 s0, s3;
	s0 =	sld [smem:$0x3FAE]  }
0x30: {  	s3 =	sld [smem:$0x3FB1]  }
0x31: {  	[smem:$0x3FBA] =	sst s10  }
0x32: {  	s10 =	sld [smem:$0x3FB8];
	_ =	sdelay $0x3  }
0x33: {  	p0 =	seq.s32 s10, $0x1;
	s10 =	sld [smem:$0x3FBA];
	_ =	sdelay $0x3  }
0x34: {  	[smem:$0x3FBA] =	sst s10  }
0x35: {  	s10 =	sld [smem:$0x3FB9];
	_ =	sdelay $0x3  }
0x36: {  	p1 =	seq.s32 s10, $0x1;
	s10 =	sld [smem:$0x3FBA];
	_ =	sdelay $0x3  }
0x37: {  	[smem:$0x3FBA] =	sst s10  }
0x38: {  	s10 =	sld [smem:$0x3FBB]  }
0x39: {  	_ = 	snop;
	(pc) =	sbr.ind lr, $3  }
0x3a: {  	_ = 	snop  }
0x3b: {  	_ = 	snop  }
0x3c: {  	p2 =	seq.s32 s10, $0x1;
	s10 =	sld [smem:$0x3FBA]  }
0x3d: {  	_ =	shalt  }
0x3e: {  	_ =	shalt  }
0x3f: {  	_ =	shalt  }
0x40: {  	_ =	shalt  }
0x41: {  	_ =	shalt  }
0x42: {  	_ =	shalt  }
0x43: {  	_ =	shalt  }
0x44: {  	_ =	shalt  }
0x45: {  	_ =	shalt  }
0x46: {  	_ =	shalt  }
0x47: {  	_ =	shalt  }
0x48: {  	_ =	shalt  }
0x49: {  	_ =	shalt  }
0x4a: {  	_ =	shalt  }
0x4b: {  	_ =	shalt  }
0x4c: {  	_ =	shalt  }
0x4d: {  	_ =	shalt  }
0x4e: {  	_ =	shalt  }
0x4f: {  	_ =	shalt  }
0x50: {  	_ =	shalt  }
0x51: {  	_ =	shalt  }
0x52: {  	_ =	shalt  }
0x53: {  	_ =	shalt  }
0x54: {  	_ =	shalt  }
0x55: {  	_ =	shalt  }
0x56: {  	_ =	shalt  }
0x57: {  	_ =	shalt  }
0x58: {  	_ =	shalt  }
0x59: {  	_ =	shalt  }
0x5a: {  	_ =	shalt  }
0x5b: {  	_ =	shalt  }
0x5c: {  	_ =	shalt  }
0x5d: {  	_ =	shalt  }
0x5e: {  	_ =	shalt  }
0x5f: {  	_ =	shalt  }
0x60: {  	_ =	shalt  }
0x61: {  	_ =	shalt  }
0x62: {  	_ =	shalt  }
0x63: {  	_ =	shalt  }
0x64: {  	_ =	shalt  }
0x65: {  	_ =	shalt  }
0x66: {  	_ =	shalt  }
0x67: {  	_ =	shalt  }
0x68: {  	_ =	shalt  }
0x69: {  	_ =	shalt  }
0x6a: {  	_ =	shalt  }
0x6b: {  	_ =	shalt  }
0x6c: {  	_ =	shalt  }
0x6d: {  	_ =	shalt  }
0x6e: {  	_ =	shalt  }
0x6f: {  	_ =	shalt  }
0x70: {  	_ =	shalt  }
0x71: {  	_ =	shalt  }
0x72: {  	_ =	shalt  }
0x73: {  	_ =	shalt  }
0x74: {  	_ =	shalt  }
0x75: {  	_ =	shalt  }
0x76: {  	_ =	shalt  }
0x77: {  	_ =	shalt  }
0x78: {  	_ =	shalt  }
0x79: {  	_ =	shalt  }
0x7a: {  	_ =	shalt  }
0x7b: {  	_ =	shalt  }
0x7c: {  	_ =	shalt  }
0x7d: {  	_ =	shalt  }
0x7e: {  	_ =	shalt  }
0x7f: {  	_ =	shalt  }
0x80: {  	_ =	shalt  }
0x81: {  	_ =	shalt  }
0x82: {  	_ =	shalt  }
0x83: {  	_ =	shalt  }
0x84: {  	_ =	shalt  }
0x85: {  	_ =	shalt  }
0x86: {  	_ =	shalt  }
0x87: {  	_ =	shalt  }
.Lfunc_end0:
.L_simem_size_0:
called_computation_lowered:
.L_overlay_start_0:
0x88: {  	s2 =	sld [smem:$0x3FD9]  }
0x89: {  	s3 =	sld [smem:$0x3FFE];
	_ =	sdelay $0x1  }
0x8a: {  	s1 =	srdreg.scid  }
0x8b: {  	s0 =	sand.u32 $0x1, s1  }
0x8c: {  	s18 =	sshll.u32 s0, $0xA;
	s2 =	sadd.s32 s3, s2  }
0x8d: {  	s2 =	sadd.s32 s2, s18  }
0x8e: {  	[smem:$0x3FC6] =	sst s2  }
0x8f: {  	_ = 	snop  }
0x90: {  	s2 =	sld [smem:$0x3FC9]  }
0x91: {  	s19 =	sld [smem:$0x3FC8]  }
0x92: {  	s4 =	sld [smem:$0x3FD0];
	(tm) =	ssettm $0x1  }
0x93: {  	s5 =	sld [smem:$0x3FFB];
	_ =	sdelay $0x3  }
0x94: {  	_ =	strace s5  }
0x95: {  	s5 =	sld [smem:$0x3FFC];
	_ =	sdelay $0x3  }
0x96: {  	_ =	strace s5  }
0x97: {  	s5 =	sld [smem:$0x3FFD];
	_ =	sdelay $0x3  }
0x98: {  	_ =	strace s5  }
0x99: {  	_ =	strace $0x8FFFFFFF  }
0x9a: {  	s20 =	sld [smem:$0x3FDB];
	_ =	sdelay $0x1  }
0x9b: {  	s6 =	simm.s32 $_scs_section_size  }
0x9c: {  	s7 =	simm.s32 $_size__tile_overlayer_lowered;
	s8 =	simm.s32 $_tile_overlayer_lowered  }
0x9d: {  	s23 =	simm.s32 $0x1BFF;
	s22 =	sshll.u32 s8, $0x1;
	s5 =	sadd.s32 s6, s20  }
0x9e: {  	s9 =	simm.s32 $0x0;
	s21 =	sshll.u32 s7, $0x1;
	s7 =	sadd.s32 s22, s5  }
0x9f: {  	[timem:s9], [sflag:s23] =	dma.local [hbm:s7], s21  }
0xa0: {  	_ =	swait.ge [sflag:s23], s21  }
0xa1: {  	s6 =	ssub.s32 $0x0, s21;
	[sflag:s23] =	ssyncset.done $0x0  }
0xa2: {  	[sflag:s23] =	ssyncadd.s32 s6;
	_ =	sdelay $0x1  }
0xa3: {  	s24 =	simm.s32 $0x1B8B  }
0xa4: {  	_ =	swait.ge [sflag:s24], $0x1  }
0xa5: {  	[sflag:s24] =	ssyncset.done $0x0  }
0xa6: {  	s25 =	simm.s32 $0x1B8E;
	[sflag:s24] =	ssyncadd.s32 $0xFFFFFFFF  }
0xa7: {  	s26 =	simm.s32 $execute0_lowered;
	[smem:$0x3FD2] =	sst s25  }
0xa8: {  	s6 =	sshll.u32 s26, $0x1;
	_ =	strace $0x80000046;
	[dreg:$0x1] =	wrdreg $0xFFFFFFFF  }
0xa9: {  	s28 =	simm.s32 $_size_execute0_lowered;
	s5 =	sadd.s32 s5, s6;
	[dreg:$0x0] =	wrdreg $0x0  }
0xaa: {  	s6 =	sshll.u32 s28, $0x1;
	[dreg:$0x2] =	wrdreg s5  }
0xab: {  	[dreg:$0x3] =	wrdreg s6  }
0xac: {  	[dreg:$0x4] =	wrdreg $0xC0  }
0xad: {  	_ =	task [dreg:s9], $0x5FFFF  }
0xae: {  	[dreg:$0x1] =	wrdreg $0xFFFFFFFF  }
0xaf: {  	[dreg:$0x0] =	wrdreg $0x60  }
0xb0: {  	[dreg:$0x2] =	wrdreg s2  }
0xb1: {  	[dreg:$0x3] =	wrdreg s19  }
0xb2: {  	[dreg:$0x4] =	wrdreg s4  }
0xb3: {  	[dreg:$0x5] =	wrdreg $0x9  }
0xb4: {  	_ =	task.clear_ibuf [dreg:s9], $0x6FFFF;
	_ =	strace $0x90000046  }
0xb5: {  	s29 =	simm.s32 $0x9;
	_ =	strace $0x80000048  }
0xb6: {  	_ =	swait.ge [sflag:s29], $0x1  }
0xb7: {  	[sflag:s29] =	ssyncadd.s32 $0xFFFFFFFF  }
0xb8: {  	_ =	strace $0x90000048  }
0xb9: {  	_ =	sfence  }
0xba: {  	s30 =	sld [smem:$0x0];
	_ =	sdelay $0x2  }
0xbb: {  	s31 =	sshll.u32 s1, $0xD;
	s1 =	sshrl.u32 s1, $0x2  }
0xbc: {  	s3 =	sand.u32 $0x4000, s31;
	s1 =	sadd.s32 s1, s30  }
0xbd: {  	s0 =	sor.u32 s3, s0;
	s1 =	sshll.u32 s1, $0x11  }
0xbe: {  	s0 =	sor.u32 s1, s0  }
0xbf: {  	s0 =	sadd.s32 $0x8F2B, s0  }
0xc0: {  	[sflag:s0] =	ssyncadd.remote.s32 $0x1  }
0xc1: {  	_ =	sfence.sel $0xFFFF  }
0xc2: {  	[dreg:$0x0] =	wrdreg $0xFFFFFFFF;
	(pc) =	sbr.abs _section_cstart, $3  }
0xc3: {  	[dreg:$0x1] =	wrdreg $0xFFFFFFFF  }
0xc4: {  	_ =	task.clear_ibuf [dreg:s9], $0x2FFFF;
	_ =	strace $0x9FFFFFFF  }
0xc5: {  	(tm) =	ssettm $0x7FFFFFFF  }
tec
execute0_lowered:
.L_overlay_start_1:
0x0: {  	(tag) =	ssettag $0x1  }
0x1: {  	s0 =	srdreg.scid;
	s3 =	stileid.u32  }
0x2: {  	s1 =	rddreg [dreg:$0x0];
	s0 =	sand.u32 $0x1, s0;
	s3 =	sshll.u32 s3, $0x1  }
0x3: {  	s2 =	rddreg [dreg:$0x1];
	s16 =	sor.u32 s0, s3  }
0x4: {  	s4 =	rddreg [dreg:$0x2];
	s5 =	smul.u32 $0x18000, s16  }
0x5: {  	s12 =	simm.s32 $0x3;
	[dreg:$0x4] =	wrdreg s2;
	s3 =	simm.s32 $0x0  }
0x6: {  	s13 =	simm.s32 $0x2;
	[smem:$0x7FF] =	sst s3;
	s7 =	sadd.s32 s4, s5  }
0x7: {  	_ =	strace $0x80000047;
	s5 =	sadd.s32 $0x1800, s7;
	[dreg:$0x14] =	wrdreg s7  }
0x8: {  	s6 =	smul.u32 $0xC0000, s16;
	s17 =	sadd.s32 $0x3000, s7;
	[dreg:$0x5] =	wrdreg s5  }
0x9: {  	s14 =	simm.s32 $0x4;
	s18 =	sadd.s32 $0x4800, s7;
	[dreg:$0x6] =	wrdreg s17  }
0xa: {  	s6 =	sshrl.u32 s6, $0x3;
	s19 =	sadd.s32 $0x6000, s7;
	[dreg:$0x7] =	wrdreg s18  }
0xb: {  	s20 =	sadd.s32 $0x7800, s7;
	s4 =	sadd.s32 s4, s6;
	[dreg:$0x8] =	wrdreg s19  }
0xc: {  	s0 =	ssub.s32 $0x2, s0;
	[dreg:$0x9] =	wrdreg s20;
	s21 =	sadd.s32 $0x9000, s4  }
0xd: {  	s26 =	sshrl.u32 s0, $0x1;
	s22 =	sadd.s32 $0xA800, s4;
	[dreg:$0xa] =	wrdreg s21  }
0xe: {  	s2 =	smul.u32 $0x300, s16;
	s23 =	sadd.s32 $0xC000, s4;
	[dreg:$0xb] =	wrdreg s22  }
0xf: {  	s0 =	ssub.s32 s0, s26;
	s24 =	sadd.s32 $0xD800, s4;
	[dreg:$0xc] =	wrdreg s23  }
0x10: {  	s26 =	simm.s32 $0x480;
	s25 =	sadd.s32 $0xF000, s4;
	[dreg:$0xd] =	wrdreg s24  }
0x11: {  	s11 =	sadd.s32 $0x180, s2;
	s28 =	sadd.s32 $0x10800, s4;
	[dreg:$0xe] =	wrdreg s25  }
0x12: {  	s0 =	smax.u32 s0, $0x1;
	s29 =	sadd.s32 $0x12000, s4;
	[dreg:$0xf] =	wrdreg s28  }
0x13: {  	s6 =	sadd.s32 $0x200, s1;
	s30 =	sadd.s32 $0x13800, s4;
	[dreg:$0x10] =	wrdreg s29  }
0x14: {  	v4 =	vlaneseq.u32;
	vm0 =	vmmov $0xffff;
	s7 =	sadd.s32 $0x300, s1;
	s31 =	sadd.s32 $0x15000, s4;
	[dreg:$0x11] =	wrdreg s30  }
0x15: {  	v2 =	vand.u32 $0x7, v4;
	v3 =	vshrl.u32 v4, $0x3;
	v1 =	vmov s11;
	s11 =	simm.s32 $0x1;
	s4 =	sadd.s32 $0x16800, s4;
	[dreg:$0x12] =	wrdreg s31  }
0x16: {  	v4 =	vor.u32 $0x8, v4;
	v3 =	vmul.u32 $0x8, v3;
	v0 =	vmov s2;
	s5 =	sadd.s32 $0x100, s1;
	[dreg:$0x13] =	wrdreg s4;
	s25 =	simm.s32 $0xC480  }
.LBB2_1:
0x17: {  	[dreg:$0x15] =	wrdreg s0  }
0x18: {  	s15 =	rddreg [dreg:$0x4];
	s22 =	simm.s32 $0x5  }
0x19: {  	[tilespmem:s3], [sflag:$0x5] =	stream.linear.gather [hbm4b:s15+s3], $0x180, $0x38;
	[tilespmem:$0x18480] =	vst v63  }
0x1a: {  	_ =	swait.ge [sflag:s22], $0x180  }
0x1b: {  	[sflag:s22] =	ssyncset.done $0x0  }
0x1c: {  	[sflag:s22] =	ssyncadd.s32 $0xFFFFFE80  }
0x1d: {  	v5 =	vld [tilespmem:$0x0]  }
0x1e: {  	v6 =	vld [tilespmem:$0x10]  }
0x1f: {  	v7 =	vld [tilespmem:$0x20]  }
0x20: {  	v8 =	vld [tilespmem:$0x30]  }
0x21: {  	v9 =	vld [tilespmem:$0x40]  }
0x22: {  	v11 =	vld [tilespmem:$0x50];
	v10 =	vadd.s32 v0, v5  }
0x23: {  	v12 =	vld [tilespmem:$0x60];
	v6 =	vadd.s32 v0, v6;
	[tilespmem:$0x180] =	vst v10  }
0x24: {  	[tilespmem:$0x190] =	vst v6;
	v6 =	vadd.s32 v0, v7;
	v7 =	vld [tilespmem:$0x70]  }
0x25: {  	v31 =	vld [tilespmem:$0x80];
	[tilespmem:$0x1A0] =	vst v6;
	v6 =	vadd.s32 v0, v8  }
0x26: {  	v32 =	vld [tilespmem:$0x90];
	[tilespmem:$0x1B0] =	vst v6;
	v6 =	vadd.s32 v0, v9  }
0x27: {  	v33 =	vld [tilespmem:$0xA0];
	[tilespmem:$0x1C0] =	vst v6;
	v6 =	vadd.s32 v0, v11  }
0x28: {  	v34 =	vld [tilespmem:$0xB0];
	[tilespmem:$0x1D0] =	vst v6;
	v6 =	vadd.s32 v0, v12  }
0x29: {  	[tilespmem:$0x1E0] =	vst v6;
	v6 =	vadd.s32 v0, v7;
	v7 =	vld [tilespmem:$0xC0]  }
0x2a: {  	v35 =	vld [tilespmem:$0xD0];
	[tilespmem:$0x1F0] =	vst v6;
	v6 =	vadd.s32 v0, v31  }
0x2b: {  	v36 =	vld [tilespmem:$0xE0];
	[tilespmem:$0x200] =	vst v6;
	v6 =	vadd.s32 v0, v32  }
0x2c: {  	v37 =	vld [tilespmem:$0xF0];
	[tilespmem:$0x210] =	vst v6;
	v6 =	vadd.s32 v0, v33  }
0x2d: {  	v38 =	vld [tilespmem:$0x100];
	[tilespmem:$0x220] =	vst v6;
	v6 =	vadd.s32 v0, v34  }
0x2e: {  	[tilespmem:$0x230] =	vst v6;
	v6 =	vadd.s32 v0, v7;
	v7 =	vld [tilespmem:$0x110]  }
0x2f: {  	v39 =	vld [tilespmem:$0x120];
	[tilespmem:$0x240] =	vst v6;
	v6 =	vadd.s32 v0, v35  }
0x30: {  	v40 =	vld [tilespmem:$0x130];
	[tilespmem:$0x250] =	vst v6;
	v6 =	vadd.s32 v0, v36  }
0x31: {  	v41 =	vld [tilespmem:$0x140];
	[tilespmem:$0x260] =	vst v6;
	v6 =	vadd.s32 v0, v37  }
0x32: {  	v42 =	vld [tilespmem:$0x150];
	[tilespmem:$0x270] =	vst v6;
	v6 =	vadd.s32 v0, v38  }
0x33: {  	[tilespmem:$0x280] =	vst v6;
	v6 =	vadd.s32 v0, v7;
	v7 =	vld [tilespmem:$0x160]  }
0x34: {  	v43 =	vld [tilespmem:$0x170];
	[tilespmem:$0x290] =	vst v6;
	v6 =	vadd.s32 v0, v39  }
0x35: {  	v44 =	vld [tilespmem:$0x0];
	[tilespmem:$0x2A0] =	vst v6;
	v6 =	vadd.s32 v0, v40  }
0x36: {  	v45 =	vld [tilespmem:$0x10];
	[tilespmem:$0x2B0] =	vst v6;
	v6 =	vadd.s32 v0, v41  }
0x37: {  	v46 =	vld [tilespmem:$0x20];
	[tilespmem:$0x2C0] =	vst v6;
	v6 =	vadd.s32 v0, v42  }
0x38: {  	[tilespmem:$0x2D0] =	vst v6;
	v6 =	vadd.s32 v0, v7;
	v7 =	vld [tilespmem:$0x30]  }
0x39: {  	v47 =	vld [tilespmem:$0x40];
	[tilespmem:$0x2E0] =	vst v6;
	v6 =	vadd.s32 v0, v43  }
0x3a: {  	v48 =	vld [tilespmem:$0x50];
	[tilespmem:$0x2F0] =	vst v6;
	v6 =	vadd.s32 v1, v44  }
0x3b: {  	v49 =	vld [tilespmem:$0x60];
	[tilespmem:$0x300] =	vst v6;
	v6 =	vadd.s32 v1, v45  }
0x3c: {  	v50 =	vld [tilespmem:$0x70];
	[tilespmem:$0x310] =	vst v6;
	v6 =	vadd.s32 v1, v46  }
0x3d: {  	[tilespmem:$0x320] =	vst v6;
	v6 =	vadd.s32 v1, v7;
	v7 =	vld [tilespmem:$0x80]  }
0x3e: {  	v51 =	vld [tilespmem:$0x90];
	[tilespmem:$0x330] =	vst v6;
	v6 =	vadd.s32 v1, v47  }
0x3f: {  	v52 =	vld [tilespmem:$0xA0];
	[tilespmem:$0x340] =	vst v6;
	v6 =	vadd.s32 v1, v48  }
0x40: {  	v53 =	vld [tilespmem:$0xB0];
	[tilespmem:$0x350] =	vst v6;
	v6 =	vadd.s32 v1, v49  }
0x41: {  	v54 =	vld [tilespmem:$0xC0];
	[tilespmem:$0x360] =	vst v6;
	v6 =	vadd.s32 v1, v50  }
0x42: {  	[tilespmem:$0x370] =	vst v6;
	v6 =	vadd.s32 v1, v7;
	v7 =	vld [tilespmem:$0xD0]  }
0x43: {  	v55 =	vld [tilespmem:$0xE0];
	[tilespmem:$0x380] =	vst v6;
	v6 =	vadd.s32 v1, v51  }
0x44: {  	v56 =	vld [tilespmem:$0xF0];
	[tilespmem:$0x390] =	vst v6;
	v6 =	vadd.s32 v1, v52  }
0x45: {  	v57 =	vld [tilespmem:$0x100];
	[tilespmem:$0x3A0] =	vst v6;
	v6 =	vadd.s32 v1, v53  }
0x46: {  	v58 =	vld [tilespmem:$0x110];
	[tilespmem:$0x3B0] =	vst v6;
	v6 =	vadd.s32 v1, v54  }
0x47: {  	[tilespmem:$0x3C0] =	vst v6;
	v6 =	vadd.s32 v1, v7;
	v7 =	vld [tilespmem:$0x120]  }
0x48: {  	v59 =	vld [tilespmem:$0x130];
	[tilespmem:$0x3D0] =	vst v6;
	v6 =	vadd.s32 v1, v55  }
0x49: {  	v60 =	vld [tilespmem:$0x140];
	v10 =	vshll.u32 v10, $0x3;
	[tilespmem:$0x3E0] =	vst v6;
	v6 =	vadd.s32 v1, v56  }
0x4a: {  	v61 =	vld [tilespmem:$0x150];
	v5 =	vand.u32 $0x7, v5;
	v10 =	vand.u32 $0xFFFFFFC0, v10;
	[tilespmem:$0x3F0] =	vst v6;
	v6 =	vadd.s32 v1, v57  }
0x4b: {  	v62 =	vld [tilespmem:$0x160];
	v5 =	vor.u32 v5, v10;
	[tilespmem:$0x400] =	vst v6;
	v6 =	vadd.s32 v1, v58  }
0x4c: {  	v10 =	vperm.xlane v5, v2;
	[tilespmem:$0x410] =	vst v6;
	v6 =	vadd.s32 v1, v7;
	v7 =	vld [tilespmem:$0x170]  }
0x4d: {  	[tilespmem:$0x420] =	vst v6;
	v6 =	vadd.s32 v1, v59  }
0x4e: {  	v63 =	vadd.s32 v3, v10;
	[tilespmem:$0x430] =	vst v6;
	v6 =	vadd.s32 v1, v60  }
0x4f: {  	[tilespmem:$0x440] =	vst v6;
	v6 =	vadd.s32 v1, v61  }
0x50: {  	[tilespmem:$0x450] =	vst v6;
	v6 =	vadd.s32 v1, v62  }
0x51: {  	[tilespmem:$0x460] =	vst v6;
	v6 =	vadd.s32 v1, v7  }
0x52: {  	[tilespmem:$0x470] =	vst v6  }
0x53: {  	[tilespmem:s26], [sflag:$0x1] =	stream.indirect_vreg.gather [hbm4b:s1+s3], $0x80, v63, vm0, $0xb8;
	[tilespmem:$0x18480] =	vst v63  }
0x54: {  	s23 =	simm.s32 $0xC80;
	v5 =	vperm.xlane v5, v4  }
0x55: {  	[tilespmem:s23], [sflag:$0x1] =	stream.indirect_vreg.gather [hbm4b:s5+s3], $0x80, v63, vm0, $0xb8;
	[tilespmem:$0x18480] =	vst v63  }
0x56: {  	s24 =	simm.s32 $0x1480;
	v5 =	vadd.s32 v3, v5  }
0x57: {  	[tilespmem:s24], [sflag:$0x1] =	stream.indirect_vreg.gather [hbm4b:s6+s3], $0x80, v63, vm0, $0xb8;
	[tilespmem:$0x18480] =	vst v63  }
0x58: {  	s28 =	simm.s32 $0x1C80  }
0x59: {  	[tilespmem:s28], [sflag:$0x1] =	stream.indirect_vreg.gather [hbm4b:s7+s3], $0x80, v63, vm0, $0xb8;
	[tilespmem:$0x18480] =	vst v63  }
0x5a: {  	s29 =	simm.s32 $0x2480  }
0x5b: {  	[tilespmem:s29], [sflag:$0x1] =	stream.indirect_vreg.gather [hbm4b:s1+s3], $0x80, v5, vm0, $0xb8;
	[tilespmem:$0x18480] =	vst v63  }
0x5c: {  	s30 =	simm.s32 $0x2C80  }
0x5d: {  	[tilespmem:s30], [sflag:$0x1] =	stream.indirect_vreg.gather [hbm4b:s5+s3], $0x80, v5, vm0, $0xb8;
	[tilespmem:$0x18480] =	vst v63  }
0x5e: {  	s31 =	simm.s32 $0x3480  }
0x5f: {  	[tilespmem:s31], [sflag:$0x1] =	stream.indirect_vreg.gather [hbm4b:s6+s3], $0x80, v5, vm0, $0xb8;
	[tilespmem:$0x18480] =	vst v63  }
0x60: {  	s4 =	simm.s32 $0x3C80  }
0x61: {  	[tilespmem:s4], [sflag:$0x1] =	stream.indirect_vreg.gather [hbm4b:s7+s3], $0x80, v5, vm0, $0xb8;
	[tilespmem:$0x18480] =	vst v63  }
0x62: {  	v5 =	vld [tilespmem:$0x190];
	_ =	sdelay $0x4  }
0x63: {  	v6 =	vshll.u32 v5, $0x3  }
0x64: {  	v5 =	vand.u32 $0x7, v5;
	v6 =	vand.u32 $0xFFFFFFC0, v6  }
0x65: {  	v5 =	vor.u32 v5, v6  }
0x66: {  	v6 =	vperm.xlane v5, v2;
	_ =	sdelay $0x1  }
0x67: {  	v6 =	vadd.s32 v3, v6;
	_ =	sdelay $0x3  }
0x68: {  	s8 =	simm.s32 $0x4480  }
0x69: {  	[tilespmem:s8], [sflag:$0x1] =	stream.indirect_vreg.gather [hbm4b:s1+s3], $0x80, v6, vm0, $0xb8;
	[tilespmem:$0x18480] =	vst v63  }
0x6a: {  	s9 =	simm.s32 $0x4C80;
	v5 =	vperm.xlane v5, v4  }
0x6b: {  	[tilespmem:s9], [sflag:$0x1] =	stream.indirect_vreg.gather [hbm4b:s5+s3], $0x80, v6, vm0, $0xb8;
	[tilespmem:$0x18480] =	vst v63  }
0x6c: {  	s15 =	simm.s32 $0x5480;
	v5 =	vadd.s32 v3, v5  }
0x6d: {  	[tilespmem:s15], [sflag:$0x1] =	stream.indirect_vreg.gather [hbm4b:s6+s3], $0x80, v6, vm0, $0xb8;
	[tilespmem:$0x18480] =	vst v63  }
0x6e: {  	s18 =	simm.s32 $0x5C80  }
0x6f: {  	[tilespmem:s18], [sflag:$0x1] =	stream.indirect_vreg.gather [hbm4b:s7+s3], $0x80, v6, vm0, $0xb8;
	[tilespmem:$0x18480] =	vst v63  }
0x70: {  	s19 =	simm.s32 $0x6480  }
0x71: {  	[tilespmem:s19], [sflag:$0x1] =	stream.indirect_vreg.gather [hbm4b:s1+s3], $0x80, v5, vm0, $0xb8;
	[tilespmem:$0x18480] =	vst v63  }
0x72: {  	s20 =	simm.s32 $0x6C80  }
0x73: {  	[tilespmem:s20], [sflag:$0x1] =	stream.indirect_vreg.gather [hbm4b:s5+s3], $0x80, v5, vm0, $0xb8;
	[tilespmem:$0x18480] =	vst v63  }
0x74: {  	s21 =	simm.s32 $0x7480  }
0x75: {  	[tilespmem:s21], [sflag:$0x1] =	stream.indirect_vreg.gather [hbm4b:s6+s3], $0x80, v5, vm0, $0xb8;
	[tilespmem:$0x18480] =	vst v63  }
0x76: {  	s22 =	simm.s32 $0x7C80  }
0x77: {  	[tilespmem:s22], [sflag:$0x1] =	stream.indirect_vreg.gather [hbm4b:s7+s3], $0x80, v5, vm0, $0xb8;
	[tilespmem:$0x18480] =	vst v63  }
0x78: {  	v5 =	vld [tilespmem:$0x1A0];
	_ =	sdelay $0x4  }
0x79: {  	v6 =	vshll.u32 v5, $0x3  }
0x7a: {  	v5 =	vand.u32 $0x7, v5;
	v6 =	vand.u32 $0xFFFFFFC0, v6  }
0x7b: {  	v5 =	vor.u32 v5, v6  }
0x7c: {  	v6 =	vperm.xlane v5, v2;
	_ =	sdelay $0x1  }
0x7d: {  	v6 =	vadd.s32 v3, v6;
	_ =	sdelay $0x3  }
0x7e: {  	s23 =	simm.s32 $0x8480  }
0x7f: {  	[tilespmem:s23], [sflag:$0x1] =	stream.indirect_vreg.gather [hbm4b:s1+s3], $0x80, v6, vm0, $0xb8;
	[tilespmem:$0x18480] =	vst v63  }
0x80: {  	s24 =	simm.s32 $0x8C80;
	v5 =	vperm.xlane v5, v4  }
0x81: {  	[tilespmem:s24], [sflag:$0x1] =	stream.indirect_vreg.gather [hbm4b:s5+s3], $0x80, v6, vm0, $0xb8;
	[tilespmem:$0x18480] =	vst v63  }
0x82: {  	s28 =	simm.s32 $0x9480;
	v5 =	vadd.s32 v3, v5  }
0x83: {  	[tilespmem:s28], [sflag:$0x1] =	stream.indirect_vreg.gather [hbm4b:s6+s3], $0x80, v6, vm0, $0xb8;
	[tilespmem:$0x18480] =	vst v63  }
0x84: {  	s29 =	simm.s32 $0x9C80  }
0x85: {  	[tilespmem:s29], [sflag:$0x1] =	stream.indirect_vreg.gather [hbm4b:s7+s3], $0x80, v6, vm0, $0xb8;
	[tilespmem:$0x18480] =	vst v63  }
0x86: {  	s30 =	simm.s32 $0xA480  }
0x87: {  	[tilespmem:s30], [sflag:$0x1] =	stream.indirect_vreg.gather [hbm4b:s1+s3], $0x80, v5, vm0, $0xb8;
	[tilespmem:$0x18480] =	vst v63  }
0x88: {  	s31 =	simm.s32 $0xAC80  }
0x89: {  	[tilespmem:s31], [sflag:$0x1] =	stream.indirect_vreg.gather [hbm4b:s5+s3], $0x80, v5, vm0, $0xb8;
	[tilespmem:$0x18480] =	vst v63  }
0x8a: {  	s4 =	simm.s32 $0xB480  }
0x8b: {  	[tilespmem:s4], [sflag:$0x1] =	stream.indirect_vreg.gather [hbm4b:s6+s3], $0x80, v5, vm0, $0xb8;
	[tilespmem:$0x18480] =	vst v63  }
0x8c: {  	s8 =	simm.s32 $0xBC80  }
0x8d: {  	[tilespmem:s8], [sflag:$0x1] =	stream.indirect_vreg.gather [hbm4b:s7+s3], $0x80, v5, vm0, $0xb8;
	[tilespmem:$0x18480] =	vst v63  }
0x8e: {  	v5 =	vld [tilespmem:$0x1B0];
	_ =	sdelay $0x4  }
0x8f: {  	v6 =	vshll.u32 v5, $0x3  }
0x90: {  	v5 =	vand.u32 $0x7, v5;
	v6 =	vand.u32 $0xFFFFFFC0, v6  }
0x91: {  	v5 =	vor.u32 v5, v6  }
0x92: {  	v6 =	vperm.xlane v5, v2;
	_ =	sdelay $0x1  }
0x93: {  	v6 =	vadd.s32 v3, v6;
	_ =	sdelay $0x4  }
0x94: {  	[tilespmem:s25], [sflag:$0x2] =	stream.indirect_vreg.gather [hbm4b:s1+s3], $0x80, v6, vm0, $0xb8;
	[tilespmem:$0x18480] =	vst v63  }
0x95: {  	s9 =	simm.s32 $0xCC80;
	v5 =	vperm.xlane v5, v4  }
0x96: {  	[tilespmem:s9], [sflag:$0x2] =	stream.indirect_vreg.gather [hbm4b:s5+s3], $0x80, v6, vm0, $0xb8;
	[tilespmem:$0x18480] =	vst v63  }
0x97: {  	s18 =	simm.s32 $0xD480;
	v5 =	vadd.s32 v3, v5  }
0x98: {  	[tilespmem:s18], [sflag:$0x2] =	stream.indirect_vreg.gather [hbm4b:s6+s3], $0x80, v6, vm0, $0xb8;
	[tilespmem:$0x18480] =	vst v63  }
0x99: {  	s19 =	simm.s32 $0xDC80  }
0x9a: {  	[tilespmem:s19], [sflag:$0x2] =	stream.indirect_vreg.gather [hbm4b:s7+s3], $0x80, v6, vm0, $0xb8;
	[tilespmem:$0x18480] =	vst v63  }
0x9b: {  	s23 =	simm.s32 $0xE480  }
0x9c: {  	[tilespmem:s23], [sflag:$0x2] =	stream.indirect_vreg.gather [hbm4b:s1+s3], $0x80, v5, vm0, $0xb8;
	[tilespmem:$0x18480] =	vst v63  }
0x9d: {  	s24 =	simm.s32 $0xEC80  }
0x9e: {  	[tilespmem:s24], [sflag:$0x2] =	stream.indirect_vreg.gather [hbm4b:s5+s3], $0x80, v5, vm0, $0xb8;
	[tilespmem:$0x18480] =	vst v63  }
0x9f: {  	s29 =	simm.s32 $0xF480  }
0xa0: {  	[tilespmem:s29], [sflag:$0x2] =	stream.indirect_vreg.gather [hbm4b:s6+s3], $0x80, v5, vm0, $0xb8;
	[tilespmem:$0x18480] =	vst v63  }
0xa1: {  	s30 =	simm.s32 $0xFC80  }
0xa2: {  	[tilespmem:s30], [sflag:$0x2] =	stream.indirect_vreg.gather [hbm4b:s7+s3], $0x80, v5, vm0, $0xb8;
	[tilespmem:$0x18480] =	vst v63  }
0xa3: {  	v5 =	vld [tilespmem:$0x1C0];
	_ =	sdelay $0x4  }
0xa4: {  	v6 =	vshll.u32 v5, $0x3  }
0xa5: {  	v5 =	vand.u32 $0x7, v5;
	v6 =	vand.u32 $0xFFFFFFC0, v6  }
0xa6: {  	v5 =	vor.u32 v5, v6  }
0xa7: {  	v6 =	vperm.xlane v5, v2;
	_ =	sdelay $0x1  }
0xa8: {  	v6 =	vadd.s32 v3, v6;
	_ =	sdelay $0x3  }
0xa9: {  	s31 =	simm.s32 $0x10480  }
0xaa: {  	[tilespmem:s31], [sflag:$0x2] =	stream.indirect_vreg.gather [hbm4b:s1+s3], $0x80, v6, vm0, $0xb8;
	[tilespmem:$0x18480] =	vst v63  }
0xab: {  	s0 =	simm.s32 $0x10C80;
	v5 =	vperm.xlane v5, v4  }
0xac: {  	[tilespmem:s0], [sflag:$0x2] =	stream.indirect_vreg.gather [hbm4b:s5+s3], $0x80, v6, vm0, $0xb8;
	[tilespmem:$0x18480] =	vst v63  }
0xad: {  	s4 =	simm.s32 $0x11480;
	v5 =	vadd.s32 v3, v5  }
0xae: {  	[tilespmem:s4], [sflag:$0x2] =	stream.indirect_vreg.gather [hbm4b:s6+s3], $0x80, v6, vm0, $0xb8;
	[tilespmem:$0x18480] =	vst v63  }
0xaf: {  	s8 =	simm.s32 $0x11C80  }
0xb0: {  	[tilespmem:s8], [sflag:$0x2] =	stream.indirect_vreg.gather [hbm4b:s7+s3], $0x80, v6, vm0, $0xb8;
	[tilespmem:$0x18480] =	vst v63  }
0xb1: {  	s9 =	simm.s32 $0x12480  }
0xb2: {  	[tilespmem:s9], [sflag:$0x2] =	stream.indirect_vreg.gather [hbm4b:s1+s3], $0x80, v5, vm0, $0xb8;
	[tilespmem:$0x18480] =	vst v63  }
0xb3: {  	s18 =	simm.s32 $0x12C80  }
0xb4: {  	[tilespmem:s18], [sflag:$0x2] =	stream.indirect_vreg.gather [hbm4b:s5+s3], $0x80, v5, vm0, $0xb8;
	[tilespmem:$0x18480] =	vst v63  }
0xb5: {  	s19 =	simm.s32 $0x13480  }
0xb6: {  	[tilespmem:s19], [sflag:$0x2] =	stream.indirect_vreg.gather [hbm4b:s6+s3], $0x80, v5, vm0, $0xb8;
	[tilespmem:$0x18480] =	vst v63  }
0xb7: {  	s23 =	simm.s32 $0x13C80  }
0xb8: {  	[tilespmem:s23], [sflag:$0x2] =	stream.indirect_vreg.gather [hbm4b:s7+s3], $0x80, v5, vm0, $0xb8;
	[tilespmem:$0x18480] =	vst v63  }
0xb9: {  	v5 =	vld [tilespmem:$0x1D0];
	_ =	sdelay $0x4  }
0xba: {  	v6 =	vshll.u32 v5, $0x3  }
0xbb: {  	v5 =	vand.u32 $0x7, v5;
	v6 =	vand.u32 $0xFFFFFFC0, v6  }
0xbc: {  	v5 =	vor.u32 v5, v6  }
0xbd: {  	v6 =	vperm.xlane v5, v2;
	_ =	sdelay $0x1  }
0xbe: {  	v6 =	vadd.s32 v3, v6;
	_ =	sdelay $0x3  }
0xbf: {  	s24 =	simm.s32 $0x14480  }
0xc0: {  	[tilespmem:s24], [sflag:$0x2] =	stream.indirect_vreg.gather [hbm4b:s1+s3], $0x80, v6, vm0, $0xb8;
	[tilespmem:$0x18480] =	vst v63  }
0xc1: {  	s0 =	simm.s32 $0x14C80;
	v5 =	vperm.xlane v5, v4  }
0xc2: {  	[tilespmem:s0], [sflag:$0x2] =	stream.indirect_vreg.gather [hbm4b:s5+s3], $0x80, v6, vm0, $0xb8;
	[tilespmem:$0x18480] =	vst v63  }
0xc3: {  	s4 =	simm.s32 $0x15480;
	v5 =	vadd.s32 v3, v5  }
0xc4: {  	[tilespmem:s4], [sflag:$0x2] =	stream.indirect_vreg.gather [hbm4b:s6+s3], $0x80, v6, vm0, $0xb8;
	[tilespmem:$0x18480] =	vst v63  }
0xc5: {  	s8 =	simm.s32 $0x15C80  }
0xc6: {  	[tilespmem:s8], [sflag:$0x2] =	stream.indirect_vreg.gather [hbm4b:s7+s3], $0x80, v6, vm0, $0xb8;
	[tilespmem:$0x18480] =	vst v63  }
0xc7: {  	s9 =	simm.s32 $0x16480  }
0xc8: {  	[tilespmem:s9], [sflag:$0x2] =	stream.indirect_vreg.gather [hbm4b:s1+s3], $0x80, v5, vm0, $0xb8;
	[tilespmem:$0x18480] =	vst v63  }
0xc9: {  	s18 =	simm.s32 $0x16C80  }
0xca: {  	[tilespmem:s18], [sflag:$0x2] =	stream.indirect_vreg.gather [hbm4b:s5+s3], $0x80, v5, vm0, $0xb8;
	[tilespmem:$0x18480] =	vst v63  }
0xcb: {  	s19 =	simm.s32 $0x17480  }
0xcc: {  	[tilespmem:s19], [sflag:$0x2] =	stream.indirect_vreg.gather [hbm4b:s6+s3], $0x80, v5, vm0, $0xb8;
	[tilespmem:$0x18480] =	vst v63  }
0xcd: {  	s23 =	simm.s32 $0x17C80  }
0xce: {  	[tilespmem:s23], [sflag:$0x2] =	stream.indirect_vreg.gather [hbm4b:s7+s3], $0x80, v5, vm0, $0xb8;
	[tilespmem:$0x18480] =	vst v63  }
0xcf: {  	_ =	swait.ge [sflag:s11], $0xC000  }
0xd0: {  	[sflag:s11] =	ssyncset.done $0x0  }
0xd1: {  	s24 =	rddreg [dreg:$0x14];
	[sflag:s11] =	ssyncadd.s32 $0xFFFF4000  }
0xd2: {  	[hbm4b:s24+s3] =	stream.linear.scatter [tilespmem:s26], [sflag:$0x3], $0xC000, $0x38;
	[tilespmem:$0x18480] =	vst v63  }
0xd3: {  	_ =	swait.ge [sflag:s12], $0xC000  }
0xd4: {  	[sflag:s12] =	ssyncset.done $0x0  }
0xd5: {  	[sflag:s12] =	ssyncadd.s32 $0xFFFF4000  }
0xd6: {  	v5 =	vld [tilespmem:$0x1E0];
	_ =	sdelay $0x4  }
0xd7: {  	v6 =	vshll.u32 v5, $0x3  }
0xd8: {  	v5 =	vand.u32 $0x7, v5;
	v6 =	vand.u32 $0xFFFFFFC0, v6  }
0xd9: {  	v5 =	vor.u32 v5, v6  }
0xda: {  	v6 =	vperm.xlane v5, v2;
	_ =	sdelay $0x1  }
0xdb: {  	v6 =	vadd.s32 v3, v6;
	_ =	sdelay $0x4  }
0xdc: {  	[tilespmem:s26], [sflag:$0x1] =	stream.indirect_vreg.gather [hbm4b:s1+s3], $0x80, v6, vm0, $0xb8;
	[tilespmem:$0x18480] =	vst v63  }
0xdd: {  	s2 =	simm.s32 $0xC80;
	v5 =	vperm.xlane v5, v4  }
0xde: {  	[tilespmem:s2], [sflag:$0x1] =	stream.indirect_vreg.gather [hbm4b:s5+s3], $0x80, v6, vm0, $0xb8;
	[tilespmem:$0x18480] =	vst v63  }
0xdf: {  	s0 =	simm.s32 $0x1480;
	v5 =	vadd.s32 v3, v5  }
0xe0: {  	[tilespmem:s0], [sflag:$0x1] =	stream.indirect_vreg.gather [hbm4b:s6+s3], $0x80, v6, vm0, $0xb8;
	[tilespmem:$0x18480] =	vst v63  }
0xe1: {  	s2 =	simm.s32 $0x1C80  }
0xe2: {  	[tilespmem:s2], [sflag:$0x1] =	stream.indirect_vreg.gather [hbm4b:s7+s3], $0x80, v6, vm0, $0xb8;
	[tilespmem:$0x18480] =	vst v63  }
0xe3: {  	s4 =	simm.s32 $0x2480  }
0xe4: {  	[tilespmem:s4], [sflag:$0x1] =	stream.indirect_vreg.gather [hbm4b:s1+s3], $0x80, v5, vm0, $0xb8;
	[tilespmem:$0x18480] =	vst v63  }
0xe5: {  	s8 =	simm.s32 $0x2C80  }
0xe6: {  	[tilespmem:s8], [sflag:$0x1] =	stream.indirect_vreg.gather [hbm4b:s5+s3], $0x80, v5, vm0, $0xb8;
	[tilespmem:$0x18480] =	vst v63  }
0xe7: {  	s9 =	simm.s32 $0x3480  }
0xe8: {  	[tilespmem:s9], [sflag:$0x1] =	stream.indirect_vreg.gather [hbm4b:s6+s3], $0x80, v5, vm0, $0xb8;
	[tilespmem:$0x18480] =	vst v63  }
0xe9: {  	s10 =	simm.s32 $0x3C80  }
0xea: {  	[tilespmem:s10], [sflag:$0x1] =	stream.indirect_vreg.gather [hbm4b:s7+s3], $0x80, v5, vm0, $0xb8;
	[tilespmem:$0x18480] =	vst v63  }
0xeb: {  	v5 =	vld [tilespmem:$0x1F0];
	_ =	sdelay $0x4  }
0xec: {  	v6 =	vshll.u32 v5, $0x3  }
0xed: {  	v5 =	vand.u32 $0x7, v5;
	v6 =	vand.u32 $0xFFFFFFC0, v6  }
0xee: {  	v5 =	vor.u32 v5, v6  }
0xef: {  	v6 =	vperm.xlane v5, v2;
	_ =	sdelay $0x1  }
0xf0: {  	v6 =	vadd.s32 v3, v6;
	_ =	sdelay $0x3  }
0xf1: {  	s16 =	simm.s32 $0x4480  }
0xf2: {  	[tilespmem:s16], [sflag:$0x1] =	stream.indirect_vreg.gather [hbm4b:s1+s3], $0x80, v6, vm0, $0xb8;
	[tilespmem:$0x18480] =	vst v63  }
0xf3: {  	s17 =	simm.s32 $0x4C80;
	v5 =	vperm.xlane v5, v4  }
0xf4: {  	[tilespmem:s17], [sflag:$0x1] =	stream.indirect_vreg.gather [hbm4b:s5+s3], $0x80, v6, vm0, $0xb8;
	[tilespmem:$0x18480] =	vst v63  }
0xf5: {  	s10 =	simm.s32 $0x5480;
	v5 =	vadd.s32 v3, v5  }
0xf6: {  	[tilespmem:s10], [sflag:$0x1] =	stream.indirect_vreg.gather [hbm4b:s6+s3], $0x80, v6, vm0, $0xb8;
	[tilespmem:$0x18480] =	vst v63  }
0xf7: {  	s16 =	simm.s32 $0x5C80  }
0xf8: {  	[tilespmem:s16], [sflag:$0x1] =	stream.indirect_vreg.gather [hbm4b:s7+s3], $0x80, v6, vm0, $0xb8;
	[tilespmem:$0x18480] =	vst v63  }
0xf9: {  	s17 =	simm.s32 $0x6480  }
0xfa: {  	[tilespmem:s17], [sflag:$0x1] =	stream.indirect_vreg.gather [hbm4b:s1+s3], $0x80, v5, vm0, $0xb8;
	[tilespmem:$0x18480] =	vst v63  }
0xfb: {  	s18 =	simm.s32 $0x6C80  }
0xfc: {  	[tilespmem:s18], [sflag:$0x1] =	stream.indirect_vreg.gather [hbm4b:s5+s3], $0x80, v5, vm0, $0xb8;
	[tilespmem:$0x18480] =	vst v63  }
0xfd: {  	s19 =	simm.s32 $0x7480  }
0xfe: {  	[tilespmem:s19], [sflag:$0x1] =	stream.indirect_vreg.gather [hbm4b:s6+s3], $0x80, v5, vm0, $0xb8;
	[tilespmem:$0x18480] =	vst v63  }
0xff: {  	s20 =	simm.s32 $0x7C80  }
0x100: {  	[tilespmem:s20], [sflag:$0x1] =	stream.indirect_vreg.gather [hbm4b:s7+s3], $0x80, v5, vm0, $0xb8;
	[tilespmem:$0x18480] =	vst v63  }
0x101: {  	v5 =	vld [tilespmem:$0x200];
	_ =	sdelay $0x4  }
0x102: {  	v6 =	vshll.u32 v5, $0x3  }
0x103: {  	v5 =	vand.u32 $0x7, v5;
	v6 =	vand.u32 $0xFFFFFFC0, v6  }
0x104: {  	v5 =	vor.u32 v5, v6  }
0x105: {  	v6 =	vperm.xlane v5, v2;
	_ =	sdelay $0x1  }
0x106: {  	v6 =	vadd.s32 v3, v6;
	_ =	sdelay $0x3  }
0x107: {  	s21 =	simm.s32 $0x8480  }
0x108: {  	[tilespmem:s21], [sflag:$0x1] =	stream.indirect_vreg.gather [hbm4b:s1+s3], $0x80, v6, vm0, $0xb8;
	[tilespmem:$0x18480] =	vst v63  }
0x109: {  	s22 =	simm.s32 $0x8C80;
	v5 =	vperm.xlane v5, v4  }
0x10a: {  	[tilespmem:s22], [sflag:$0x1] =	stream.indirect_vreg.gather [hbm4b:s5+s3], $0x80, v6, vm0, $0xb8;
	[tilespmem:$0x18480] =	vst v63  }
0x10b: {  	s20 =	simm.s32 $0x9480;
	v5 =	vadd.s32 v3, v5  }
0x10c: {  	[tilespmem:s20], [sflag:$0x1] =	stream.indirect_vreg.gather [hbm4b:s6+s3], $0x80, v6, vm0, $0xb8;
	[tilespmem:$0x18480] =	vst v63  }
0x10d: {  	s21 =	simm.s32 $0x9C80  }
0x10e: {  	[tilespmem:s21], [sflag:$0x1] =	stream.indirect_vreg.gather [hbm4b:s7+s3], $0x80, v6, vm0, $0xb8;
	[tilespmem:$0x18480] =	vst v63  }
0x10f: {  	s22 =	simm.s32 $0xA480  }
0x110: {  	[tilespmem:s22], [sflag:$0x1] =	stream.indirect_vreg.gather [hbm4b:s1+s3], $0x80, v5, vm0, $0xb8;
	[tilespmem:$0x18480] =	vst v63  }
0x111: {  	s23 =	simm.s32 $0xAC80  }
0x112: {  	[tilespmem:s23], [sflag:$0x1] =	stream.indirect_vreg.gather [hbm4b:s5+s3], $0x80, v5, vm0, $0xb8;
	[tilespmem:$0x18480] =	vst v63  }
0x113: {  	s24 =	simm.s32 $0xB480  }
0x114: {  	[tilespmem:s24], [sflag:$0x1] =	stream.indirect_vreg.gather [hbm4b:s6+s3], $0x80, v5, vm0, $0xb8;
	[tilespmem:$0x18480] =	vst v63  }
0x115: {  	s28 =	simm.s32 $0xBC80  }
0x116: {  	[tilespmem:s28], [sflag:$0x1] =	stream.indirect_vreg.gather [hbm4b:s7+s3], $0x80, v5, vm0, $0xb8;
	[tilespmem:$0x18480] =	vst v63  }
0x117: {  	_ =	swait.ge [sflag:s13], $0xC000  }
0x118: {  	[sflag:s13] =	ssyncset.done $0x0  }
0x119: {  	s28 =	rddreg [dreg:$0x5];
	[sflag:s13] =	ssyncadd.s32 $0xFFFF4000  }
0x11a: {  	[hbm4b:s28+s3] =	stream.linear.scatter [tilespmem:s25], [sflag:$0x4], $0xC000, $0x38;
	[tilespmem:$0x18480] =	vst v63  }
0x11b: {  	_ =	swait.ge [sflag:s14], $0xC000  }
0x11c: {  	[sflag:s14] =	ssyncset.done $0x0  }
0x11d: {  	[sflag:s14] =	ssyncadd.s32 $0xFFFF4000  }
0x11e: {  	v5 =	vld [tilespmem:$0x210];
	_ =	sdelay $0x4  }
0x11f: {  	v6 =	vshll.u32 v5, $0x3  }
0x120: {  	v5 =	vand.u32 $0x7, v5;
	v6 =	vand.u32 $0xFFFFFFC0, v6  }
0x121: {  	v5 =	vor.u32 v5, v6  }
0x122: {  	v6 =	vperm.xlane v5, v2;
	_ =	sdelay $0x1  }
0x123: {  	v6 =	vadd.s32 v3, v6;
	_ =	sdelay $0x4  }
0x124: {  	[tilespmem:s25], [sflag:$0x2] =	stream.indirect_vreg.gather [hbm4b:s1+s3], $0x80, v6, vm0, $0xb8;
	[tilespmem:$0x18480] =	vst v63  }
0x125: {  	s28 =	simm.s32 $0xCC80;
	v5 =	vperm.xlane v5, v4  }
0x126: {  	[tilespmem:s28], [sflag:$0x2] =	stream.indirect_vreg.gather [hbm4b:s5+s3], $0x80, v6, vm0, $0xb8;
	[tilespmem:$0x18480] =	vst v63  }
0x127: {  	v5 =	vadd.s32 v3, v5;
	s28 =	simm.s32 $0xD480  }
0x128: {  	[tilespmem:s28], [sflag:$0x2] =	stream.indirect_vreg.gather [hbm4b:s6+s3], $0x80, v6, vm0, $0xb8;
	[tilespmem:$0x18480] =	vst v63  }
0x129: {  	s15 =	simm.s32 $0xDC80  }
0x12a: {  	[tilespmem:s15], [sflag:$0x2] =	stream.indirect_vreg.gather [hbm4b:s7+s3], $0x80, v6, vm0, $0xb8;
	[tilespmem:$0x18480] =	vst v63  }
0x12b: {  	s15 =	simm.s32 $0xE480  }
0x12c: {  	[tilespmem:s15], [sflag:$0x2] =	stream.indirect_vreg.gather [hbm4b:s1+s3], $0x80, v5, vm0, $0xb8;
	[tilespmem:$0x18480] =	vst v63  }
0x12d: {  	s15 =	simm.s32 $0xEC80  }
0x12e: {  	[tilespmem:s15], [sflag:$0x2] =	stream.indirect_vreg.gather [hbm4b:s5+s3], $0x80, v5, vm0, $0xb8;
	[tilespmem:$0x18480] =	vst v63  }
0x12f: {  	s15 =	simm.s32 $0xF480  }
0x130: {  	[tilespmem:s15], [sflag:$0x2] =	stream.indirect_vreg.gather [hbm4b:s6+s3], $0x80, v5, vm0, $0xb8;
	[tilespmem:$0x18480] =	vst v63  }
0x131: {  	s29 =	simm.s32 $0xFC80  }
0x132: {  	[tilespmem:s29], [sflag:$0x2] =	stream.indirect_vreg.gather [hbm4b:s7+s3], $0x80, v5, vm0, $0xb8;
	[tilespmem:$0x18480] =	vst v63  }
0x133: {  	v5 =	vld [tilespmem:$0x220];
	_ =	sdelay $0x4  }
0x134: {  	v6 =	vshll.u32 v5, $0x3  }
0x135: {  	v5 =	vand.u32 $0x7, v5;
	v6 =	vand.u32 $0xFFFFFFC0, v6  }
0x136: {  	v5 =	vor.u32 v5, v6  }
0x137: {  	v6 =	vperm.xlane v5, v2;
	_ =	sdelay $0x1  }
0x138: {  	v6 =	vadd.s32 v3, v6;
	_ =	sdelay $0x3  }
0x139: {  	s30 =	simm.s32 $0x10480  }
0x13a: {  	[tilespmem:s30], [sflag:$0x2] =	stream.indirect_vreg.gather [hbm4b:s1+s3], $0x80, v6, vm0, $0xb8;
	[tilespmem:$0x18480] =	vst v63  }
0x13b: {  	s31 =	simm.s32 $0x10C80;
	v5 =	vperm.xlane v5, v4  }
0x13c: {  	[tilespmem:s31], [sflag:$0x2] =	stream.indirect_vreg.gather [hbm4b:s5+s3], $0x80, v6, vm0, $0xb8;
	[tilespmem:$0x18480] =	vst v63  }
0x13d: {  	s29 =	simm.s32 $0x11480;
	v5 =	vadd.s32 v3, v5  }
0x13e: {  	[tilespmem:s29], [sflag:$0x2] =	stream.indirect_vreg.gather [hbm4b:s6+s3], $0x80, v6, vm0, $0xb8;
	[tilespmem:$0x18480] =	vst v63  }
0x13f: {  	s30 =	simm.s32 $0x11C80  }
0x140: {  	[tilespmem:s30], [sflag:$0x2] =	stream.indirect_vreg.gather [hbm4b:s7+s3], $0x80, v6, vm0, $0xb8;
	[tilespmem:$0x18480] =	vst v63  }
0x141: {  	s31 =	simm.s32 $0x12480  }
0x142: {  	[tilespmem:s31], [sflag:$0x2] =	stream.indirect_vreg.gather [hbm4b:s1+s3], $0x80, v5, vm0, $0xb8;
	[tilespmem:$0x18480] =	vst v63  }
0x143: {  	s15 =	simm.s32 $0x12C80  }
0x144: {  	[tilespmem:s15], [sflag:$0x2] =	stream.indirect_vreg.gather [hbm4b:s5+s3], $0x80, v5, vm0, $0xb8;
	[tilespmem:$0x18480] =	vst v63  }
0x145: {  	s15 =	simm.s32 $0x13480  }
0x146: {  	[tilespmem:s15], [sflag:$0x2] =	stream.indirect_vreg.gather [hbm4b:s6+s3], $0x80, v5, vm0, $0xb8;
	[tilespmem:$0x18480] =	vst v63  }
0x147: {  	s15 =	simm.s32 $0x13C80  }
0x148: {  	[tilespmem:s15], [sflag:$0x2] =	stream.indirect_vreg.gather [hbm4b:s7+s3], $0x80, v5, vm0, $0xb8;
	[tilespmem:$0x18480] =	vst v63  }
0x149: {  	v5 =	vld [tilespmem:$0x230];
	_ =	sdelay $0x4  }
0x14a: {  	v6 =	vshll.u32 v5, $0x3  }
0x14b: {  	v5 =	vand.u32 $0x7, v5;
	v6 =	vand.u32 $0xFFFFFFC0, v6  }
0x14c: {  	v5 =	vor.u32 v5, v6  }
0x14d: {  	v6 =	vperm.xlane v5, v2;
	_ =	sdelay $0x1  }
0x14e: {  	v6 =	vadd.s32 v3, v6;
	_ =	sdelay $0x3  }
0x14f: {  	s15 =	simm.s32 $0x14480  }
0x150: {  	[tilespmem:s15], [sflag:$0x2] =	stream.indirect_vreg.gather [hbm4b:s1+s3], $0x80, v6, vm0, $0xb8;
	[tilespmem:$0x18480] =	vst v63  }
0x151: {  	v5 =	vperm.xlane v5, v4;
	s15 =	simm.s32 $0x14C80  }
0x152: {  	[tilespmem:s15], [sflag:$0x2] =	stream.indirect_vreg.gather [hbm4b:s5+s3], $0x80, v6, vm0, $0xb8;
	[tilespmem:$0x18480] =	vst v63  }
0x153: {  	v5 =	vadd.s32 v3, v5;
	s15 =	simm.s32 $0x15480  }
0x154: {  	[tilespmem:s15], [sflag:$0x2] =	stream.indirect_vreg.gather [hbm4b:s6+s3], $0x80, v6, vm0, $0xb8;
	[tilespmem:$0x18480] =	vst v63  }
0x155: {  	s15 =	simm.s32 $0x15C80  }
0x156: {  	[tilespmem:s15], [sflag:$0x2] =	stream.indirect_vreg.gather [hbm4b:s7+s3], $0x80, v6, vm0, $0xb8;
	[tilespmem:$0x18480] =	vst v63  }
0x157: {  	s15 =	simm.s32 $0x16480  }
0x158: {  	[tilespmem:s15], [sflag:$0x2] =	stream.indirect_vreg.gather [hbm4b:s1+s3], $0x80, v5, vm0, $0xb8;
	[tilespmem:$0x18480] =	vst v63  }
0x159: {  	s15 =	simm.s32 $0x16C80  }
0x15a: {  	[tilespmem:s15], [sflag:$0x2] =	stream.indirect_vreg.gather [hbm4b:s5+s3], $0x80, v5, vm0, $0xb8;
	[tilespmem:$0x18480] =	vst v63  }
0x15b: {  	s15 =	simm.s32 $0x17480  }
0x15c: {  	[tilespmem:s15], [sflag:$0x2] =	stream.indirect_vreg.gather [hbm4b:s6+s3], $0x80, v5, vm0, $0xb8;
	[tilespmem:$0x18480] =	vst v63  }
0x15d: {  	s15 =	simm.s32 $0x17C80  }
0x15e: {  	[tilespmem:s15], [sflag:$0x2] =	stream.indirect_vreg.gather [hbm4b:s7+s3], $0x80, v5, vm0, $0xb8;
	[tilespmem:$0x18480] =	vst v63  }
0x15f: {  	_ =	swait.ge [sflag:s11], $0xC000  }
0x160: {  	[sflag:s11] =	ssyncset.done $0x0  }
0x161: {  	s15 =	rddreg [dreg:$0x6];
	[sflag:s11] =	ssyncadd.s32 $0xFFFF4000  }
0x162: {  	[hbm4b:s15+s3] =	stream.linear.scatter [tilespmem:s26], [sflag:$0x3], $0xC000, $0x38;
	[tilespmem:$0x18480] =	vst v63  }
0x163: {  	_ =	swait.ge [sflag:s12], $0xC000  }
0x164: {  	[sflag:s12] =	ssyncset.done $0x0  }
0x165: {  	[sflag:s12] =	ssyncadd.s32 $0xFFFF4000  }
0x166: {  	v5 =	vld [tilespmem:$0x240];
	_ =	sdelay $0x4  }
0x167: {  	v6 =	vshll.u32 v5, $0x3  }
0x168: {  	v5 =	vand.u32 $0x7, v5;
	v6 =	vand.u32 $0xFFFFFFC0, v6  }
0x169: {  	v5 =	vor.u32 v5, v6  }
0x16a: {  	v6 =	vperm.xlane v5, v2;
	_ =	sdelay $0x1  }
0x16b: {  	v6 =	vadd.s32 v3, v6;
	_ =	sdelay $0x4  }
0x16c: {  	[tilespmem:s26], [sflag:$0x1] =	stream.indirect_vreg.gather [hbm4b:s1+s3], $0x80, v6, vm0, $0xb8;
	[tilespmem:$0x18480] =	vst v63  }
0x16d: {  	s15 =	simm.s32 $0xC80;
	v5 =	vperm.xlane v5, v4  }
0x16e: {  	[tilespmem:s15], [sflag:$0x1] =	stream.indirect_vreg.gather [hbm4b:s5+s3], $0x80, v6, vm0, $0xb8;
	[tilespmem:$0x18480] =	vst v63  }
0x16f: {  	v5 =	vadd.s32 v3, v5  }
0x170: {  	[tilespmem:s0], [sflag:$0x1] =	stream.indirect_vreg.gather [hbm4b:s6+s3], $0x80, v6, vm0, $0xb8;
	[tilespmem:$0x18480] =	vst v63  }
0x171: {  	_ = 	snop  }
0x172: {  	[tilespmem:s2], [sflag:$0x1] =	stream.indirect_vreg.gather [hbm4b:s7+s3], $0x80, v6, vm0, $0xb8;
	[tilespmem:$0x18480] =	vst v63  }
0x173: {  	_ = 	snop  }
0x174: {  	[tilespmem:s4], [sflag:$0x1] =	stream.indirect_vreg.gather [hbm4b:s1+s3], $0x80, v5, vm0, $0xb8;
	[tilespmem:$0x18480] =	vst v63  }
0x175: {  	_ = 	snop  }
0x176: {  	[tilespmem:s8], [sflag:$0x1] =	stream.indirect_vreg.gather [hbm4b:s5+s3], $0x80, v5, vm0, $0xb8;
	[tilespmem:$0x18480] =	vst v63  }
0x177: {  	_ = 	snop  }
0x178: {  	[tilespmem:s9], [sflag:$0x1] =	stream.indirect_vreg.gather [hbm4b:s6+s3], $0x80, v5, vm0, $0xb8;
	[tilespmem:$0x18480] =	vst v63  }
0x179: {  	s15 =	simm.s32 $0x3C80  }
0x17a: {  	[tilespmem:s15], [sflag:$0x1] =	stream.indirect_vreg.gather [hbm4b:s7+s3], $0x80, v5, vm0, $0xb8;
	[tilespmem:$0x18480] =	vst v63  }
0x17b: {  	v5 =	vld [tilespmem:$0x250];
	_ =	sdelay $0x4  }
0x17c: {  	v6 =	vshll.u32 v5, $0x3  }
0x17d: {  	v5 =	vand.u32 $0x7, v5;
	v6 =	vand.u32 $0xFFFFFFC0, v6  }
0x17e: {  	v5 =	vor.u32 v5, v6  }
0x17f: {  	v6 =	vperm.xlane v5, v2;
	_ =	sdelay $0x1  }
0x180: {  	v6 =	vadd.s32 v3, v6;
	_ =	sdelay $0x3  }
0x181: {  	s15 =	simm.s32 $0x4480  }
0x182: {  	[tilespmem:s15], [sflag:$0x1] =	stream.indirect_vreg.gather [hbm4b:s1+s3], $0x80, v6, vm0, $0xb8;
	[tilespmem:$0x18480] =	vst v63  }
0x183: {  	v5 =	vperm.xlane v5, v4;
	s15 =	simm.s32 $0x4C80  }
0x184: {  	[tilespmem:s15], [sflag:$0x1] =	stream.indirect_vreg.gather [hbm4b:s5+s3], $0x80, v6, vm0, $0xb8;
	[tilespmem:$0x18480] =	vst v63  }
0x185: {  	v5 =	vadd.s32 v3, v5  }
0x186: {  	[tilespmem:s10], [sflag:$0x1] =	stream.indirect_vreg.gather [hbm4b:s6+s3], $0x80, v6, vm0, $0xb8;
	[tilespmem:$0x18480] =	vst v63  }
0x187: {  	_ = 	snop  }
0x188: {  	[tilespmem:s16], [sflag:$0x1] =	stream.indirect_vreg.gather [hbm4b:s7+s3], $0x80, v6, vm0, $0xb8;
	[tilespmem:$0x18480] =	vst v63  }
0x189: {  	_ = 	snop  }
0x18a: {  	[tilespmem:s17], [sflag:$0x1] =	stream.indirect_vreg.gather [hbm4b:s1+s3], $0x80, v5, vm0, $0xb8;
	[tilespmem:$0x18480] =	vst v63  }
0x18b: {  	_ = 	snop  }
0x18c: {  	[tilespmem:s18], [sflag:$0x1] =	stream.indirect_vreg.gather [hbm4b:s5+s3], $0x80, v5, vm0, $0xb8;
	[tilespmem:$0x18480] =	vst v63  }
0x18d: {  	_ = 	snop  }
0x18e: {  	[tilespmem:s19], [sflag:$0x1] =	stream.indirect_vreg.gather [hbm4b:s6+s3], $0x80, v5, vm0, $0xb8;
	[tilespmem:$0x18480] =	vst v63  }
0x18f: {  	s15 =	simm.s32 $0x7C80  }
0x190: {  	[tilespmem:s15], [sflag:$0x1] =	stream.indirect_vreg.gather [hbm4b:s7+s3], $0x80, v5, vm0, $0xb8;
	[tilespmem:$0x18480] =	vst v63  }
0x191: {  	v5 =	vld [tilespmem:$0x260];
	_ =	sdelay $0x4  }
0x192: {  	v6 =	vshll.u32 v5, $0x3  }
0x193: {  	v5 =	vand.u32 $0x7, v5;
	v6 =	vand.u32 $0xFFFFFFC0, v6  }
0x194: {  	v5 =	vor.u32 v5, v6  }
0x195: {  	v6 =	vperm.xlane v5, v2;
	_ =	sdelay $0x1  }
0x196: {  	v6 =	vadd.s32 v3, v6;
	_ =	sdelay $0x3  }
0x197: {  	s15 =	simm.s32 $0x8480  }
0x198: {  	[tilespmem:s15], [sflag:$0x1] =	stream.indirect_vreg.gather [hbm4b:s1+s3], $0x80, v6, vm0, $0xb8;
	[tilespmem:$0x18480] =	vst v63  }
0x199: {  	v5 =	vperm.xlane v5, v4;
	s15 =	simm.s32 $0x8C80  }
0x19a: {  	[tilespmem:s15], [sflag:$0x1] =	stream.indirect_vreg.gather [hbm4b:s5+s3], $0x80, v6, vm0, $0xb8;
	[tilespmem:$0x18480] =	vst v63  }
0x19b: {  	v5 =	vadd.s32 v3, v5  }
0x19c: {  	[tilespmem:s20], [sflag:$0x1] =	stream.indirect_vreg.gather [hbm4b:s6+s3], $0x80, v6, vm0, $0xb8;
	[tilespmem:$0x18480] =	vst v63  }
0x19d: {  	_ = 	snop  }
0x19e: {  	[tilespmem:s21], [sflag:$0x1] =	stream.indirect_vreg.gather [hbm4b:s7+s3], $0x80, v6, vm0, $0xb8;
	[tilespmem:$0x18480] =	vst v63  }
0x19f: {  	_ = 	snop  }
0x1a0: {  	[tilespmem:s22], [sflag:$0x1] =	stream.indirect_vreg.gather [hbm4b:s1+s3], $0x80, v5, vm0, $0xb8;
	[tilespmem:$0x18480] =	vst v63  }
0x1a1: {  	_ = 	snop  }
0x1a2: {  	[tilespmem:s23], [sflag:$0x1] =	stream.indirect_vreg.gather [hbm4b:s5+s3], $0x80, v5, vm0, $0xb8;
	[tilespmem:$0x18480] =	vst v63  }
0x1a3: {  	_ = 	snop  }
0x1a4: {  	[tilespmem:s24], [sflag:$0x1] =	stream.indirect_vreg.gather [hbm4b:s6+s3], $0x80, v5, vm0, $0xb8;
	[tilespmem:$0x18480] =	vst v63  }
0x1a5: {  	s15 =	simm.s32 $0xBC80  }
0x1a6: {  	[tilespmem:s15], [sflag:$0x1] =	stream.indirect_vreg.gather [hbm4b:s7+s3], $0x80, v5, vm0, $0xb8;
	[tilespmem:$0x18480] =	vst v63  }
0x1a7: {  	_ =	swait.ge [sflag:s13], $0xC000  }
0x1a8: {  	[sflag:s13] =	ssyncset.done $0x0  }
0x1a9: {  	s2 =	rddreg [dreg:$0x7];
	[sflag:s13] =	ssyncadd.s32 $0xFFFF4000  }
0x1aa: {  	[hbm4b:s2+s3] =	stream.linear.scatter [tilespmem:s25], [sflag:$0x4], $0xC000, $0x38;
	[tilespmem:$0x18480] =	vst v63  }
0x1ab: {  	_ =	swait.ge [sflag:s14], $0xC000  }
0x1ac: {  	[sflag:s14] =	ssyncset.done $0x0  }
0x1ad: {  	[sflag:s14] =	ssyncadd.s32 $0xFFFF4000  }
0x1ae: {  	v5 =	vld [tilespmem:$0x270];
	_ =	sdelay $0x4  }
0x1af: {  	v6 =	vshll.u32 v5, $0x3  }
0x1b0: {  	v5 =	vand.u32 $0x7, v5;
	v6 =	vand.u32 $0xFFFFFFC0, v6  }
0x1b1: {  	v5 =	vor.u32 v5, v6  }
0x1b2: {  	v6 =	vperm.xlane v5, v2;
	_ =	sdelay $0x1  }
0x1b3: {  	v6 =	vadd.s32 v3, v6;
	_ =	sdelay $0x4  }
0x1b4: {  	[tilespmem:s25], [sflag:$0x2] =	stream.indirect_vreg.gather [hbm4b:s1+s3], $0x80, v6, vm0, $0xb8;
	[tilespmem:$0x18480] =	vst v63  }
0x1b5: {  	s15 =	simm.s32 $0xCC80;
	v5 =	vperm.xlane v5, v4  }
0x1b6: {  	[tilespmem:s15], [sflag:$0x2] =	stream.indirect_vreg.gather [hbm4b:s5+s3], $0x80, v6, vm0, $0xb8;
	[tilespmem:$0x18480] =	vst v63  }
0x1b7: {  	s28 =	simm.s32 $0xD480;
	v5 =	vadd.s32 v3, v5  }
0x1b8: {  	[tilespmem:s28], [sflag:$0x2] =	stream.indirect_vreg.gather [hbm4b:s6+s3], $0x80, v6, vm0, $0xb8;
	[tilespmem:$0x18480] =	vst v63  }
0x1b9: {  	s15 =	simm.s32 $0xDC80  }
0x1ba: {  	[tilespmem:s15], [sflag:$0x2] =	stream.indirect_vreg.gather [hbm4b:s7+s3], $0x80, v6, vm0, $0xb8;
	[tilespmem:$0x18480] =	vst v63  }
0x1bb: {  	s15 =	simm.s32 $0xE480  }
0x1bc: {  	[tilespmem:s15], [sflag:$0x2] =	stream.indirect_vreg.gather [hbm4b:s1+s3], $0x80, v5, vm0, $0xb8;
	[tilespmem:$0x18480] =	vst v63  }
0x1bd: {  	s15 =	simm.s32 $0xEC80  }
0x1be: {  	[tilespmem:s15], [sflag:$0x2] =	stream.indirect_vreg.gather [hbm4b:s5+s3], $0x80, v5, vm0, $0xb8;
	[tilespmem:$0x18480] =	vst v63  }
0x1bf: {  	s15 =	simm.s32 $0xF480  }
0x1c0: {  	[tilespmem:s15], [sflag:$0x2] =	stream.indirect_vreg.gather [hbm4b:s6+s3], $0x80, v5, vm0, $0xb8;
	[tilespmem:$0x18480] =	vst v63  }
0x1c1: {  	s15 =	simm.s32 $0xFC80  }
0x1c2: {  	[tilespmem:s15], [sflag:$0x2] =	stream.indirect_vreg.gather [hbm4b:s7+s3], $0x80, v5, vm0, $0xb8;
	[tilespmem:$0x18480] =	vst v63  }
0x1c3: {  	v5 =	vld [tilespmem:$0x280];
	_ =	sdelay $0x4  }
0x1c4: {  	v6 =	vshll.u32 v5, $0x3  }
0x1c5: {  	v5 =	vand.u32 $0x7, v5;
	v6 =	vand.u32 $0xFFFFFFC0, v6  }
0x1c6: {  	v5 =	vor.u32 v5, v6  }
0x1c7: {  	v6 =	vperm.xlane v5, v2;
	_ =	sdelay $0x1  }
0x1c8: {  	v6 =	vadd.s32 v3, v6;
	_ =	sdelay $0x3  }
0x1c9: {  	s15 =	simm.s32 $0x10480  }
0x1ca: {  	[tilespmem:s15], [sflag:$0x2] =	stream.indirect_vreg.gather [hbm4b:s1+s3], $0x80, v6, vm0, $0xb8;
	[tilespmem:$0x18480] =	vst v63  }
0x1cb: {  	v5 =	vperm.xlane v5, v4;
	s15 =	simm.s32 $0x10C80  }
0x1cc: {  	[tilespmem:s15], [sflag:$0x2] =	stream.indirect_vreg.gather [hbm4b:s5+s3], $0x80, v6, vm0, $0xb8;
	[tilespmem:$0x18480] =	vst v63  }
0x1cd: {  	s29 =	simm.s32 $0x11480;
	v5 =	vadd.s32 v3, v5  }
0x1ce: {  	[tilespmem:s29], [sflag:$0x2] =	stream.indirect_vreg.gather [hbm4b:s6+s3], $0x80, v6, vm0, $0xb8;
	[tilespmem:$0x18480] =	vst v63  }
0x1cf: {  	s30 =	simm.s32 $0x11C80  }
0x1d0: {  	[tilespmem:s30], [sflag:$0x2] =	stream.indirect_vreg.gather [hbm4b:s7+s3], $0x80, v6, vm0, $0xb8;
	[tilespmem:$0x18480] =	vst v63  }
0x1d1: {  	s31 =	simm.s32 $0x12480  }
0x1d2: {  	[tilespmem:s31], [sflag:$0x2] =	stream.indirect_vreg.gather [hbm4b:s1+s3], $0x80, v5, vm0, $0xb8;
	[tilespmem:$0x18480] =	vst v63  }
0x1d3: {  	s15 =	simm.s32 $0x12C80  }
0x1d4: {  	[tilespmem:s15], [sflag:$0x2] =	stream.indirect_vreg.gather [hbm4b:s5+s3], $0x80, v5, vm0, $0xb8;
	[tilespmem:$0x18480] =	vst v63  }
0x1d5: {  	s15 =	simm.s32 $0x13480  }
0x1d6: {  	[tilespmem:s15], [sflag:$0x2] =	stream.indirect_vreg.gather [hbm4b:s6+s3], $0x80, v5, vm0, $0xb8;
	[tilespmem:$0x18480] =	vst v63  }
0x1d7: {  	s15 =	simm.s32 $0x13C80  }
0x1d8: {  	[tilespmem:s15], [sflag:$0x2] =	stream.indirect_vreg.gather [hbm4b:s7+s3], $0x80, v5, vm0, $0xb8;
	[tilespmem:$0x18480] =	vst v63  }
0x1d9: {  	v5 =	vld [tilespmem:$0x290];
	_ =	sdelay $0x4  }
0x1da: {  	v6 =	vshll.u32 v5, $0x3  }
0x1db: {  	v5 =	vand.u32 $0x7, v5;
	v6 =	vand.u32 $0xFFFFFFC0, v6  }
0x1dc: {  	v5 =	vor.u32 v5, v6  }
0x1dd: {  	v6 =	vperm.xlane v5, v2;
	_ =	sdelay $0x1  }
0x1de: {  	v6 =	vadd.s32 v3, v6;
	_ =	sdelay $0x3  }
0x1df: {  	s15 =	simm.s32 $0x14480  }
0x1e0: {  	[tilespmem:s15], [sflag:$0x2] =	stream.indirect_vreg.gather [hbm4b:s1+s3], $0x80, v6, vm0, $0xb8;
	[tilespmem:$0x18480] =	vst v63  }
0x1e1: {  	v5 =	vperm.xlane v5, v4;
	s15 =	simm.s32 $0x14C80  }
0x1e2: {  	[tilespmem:s15], [sflag:$0x2] =	stream.indirect_vreg.gather [hbm4b:s5+s3], $0x80, v6, vm0, $0xb8;
	[tilespmem:$0x18480] =	vst v63  }
0x1e3: {  	v5 =	vadd.s32 v3, v5;
	s15 =	simm.s32 $0x15480  }
0x1e4: {  	[tilespmem:s15], [sflag:$0x2] =	stream.indirect_vreg.gather [hbm4b:s6+s3], $0x80, v6, vm0, $0xb8;
	[tilespmem:$0x18480] =	vst v63  }
0x1e5: {  	s15 =	simm.s32 $0x15C80  }
0x1e6: {  	[tilespmem:s15], [sflag:$0x2] =	stream.indirect_vreg.gather [hbm4b:s7+s3], $0x80, v6, vm0, $0xb8;
	[tilespmem:$0x18480] =	vst v63  }
0x1e7: {  	s15 =	simm.s32 $0x16480  }
0x1e8: {  	[tilespmem:s15], [sflag:$0x2] =	stream.indirect_vreg.gather [hbm4b:s1+s3], $0x80, v5, vm0, $0xb8;
	[tilespmem:$0x18480] =	vst v63  }
0x1e9: {  	s15 =	simm.s32 $0x16C80  }
0x1ea: {  	[tilespmem:s15], [sflag:$0x2] =	stream.indirect_vreg.gather [hbm4b:s5+s3], $0x80, v5, vm0, $0xb8;
	[tilespmem:$0x18480] =	vst v63  }
0x1eb: {  	s15 =	simm.s32 $0x17480  }
0x1ec: {  	[tilespmem:s15], [sflag:$0x2] =	stream.indirect_vreg.gather [hbm4b:s6+s3], $0x80, v5, vm0, $0xb8;
	[tilespmem:$0x18480] =	vst v63  }
0x1ed: {  	s15 =	simm.s32 $0x17C80  }
0x1ee: {  	[tilespmem:s15], [sflag:$0x2] =	stream.indirect_vreg.gather [hbm4b:s7+s3], $0x80, v5, vm0, $0xb8;
	[tilespmem:$0x18480] =	vst v63  }
0x1ef: {  	_ =	swait.ge [sflag:s11], $0xC000  }
0x1f0: {  	[sflag:s11] =	ssyncset.done $0x0  }
0x1f1: {  	s15 =	rddreg [dreg:$0x8];
	[sflag:s11] =	ssyncadd.s32 $0xFFFF4000  }
0x1f2: {  	[hbm4b:s15+s3] =	stream.linear.scatter [tilespmem:s26], [sflag:$0x3], $0xC000, $0x38;
	[tilespmem:$0x18480] =	vst v63  }
0x1f3: {  	_ =	swait.ge [sflag:s12], $0xC000  }
0x1f4: {  	[sflag:s12] =	ssyncset.done $0x0  }
0x1f5: {  	[sflag:s12] =	ssyncadd.s32 $0xFFFF4000  }
0x1f6: {  	v5 =	vld [tilespmem:$0x2A0];
	_ =	sdelay $0x4  }
0x1f7: {  	v6 =	vshll.u32 v5, $0x3  }
0x1f8: {  	v5 =	vand.u32 $0x7, v5;
	v6 =	vand.u32 $0xFFFFFFC0, v6  }
0x1f9: {  	v5 =	vor.u32 v5, v6  }
0x1fa: {  	v6 =	vperm.xlane v5, v2;
	_ =	sdelay $0x1  }
0x1fb: {  	v6 =	vadd.s32 v3, v6;
	_ =	sdelay $0x4  }
0x1fc: {  	[tilespmem:s26], [sflag:$0x1] =	stream.indirect_vreg.gather [hbm4b:s1+s3], $0x80, v6, vm0, $0xb8;
	[tilespmem:$0x18480] =	vst v63  }
0x1fd: {  	s15 =	simm.s32 $0xC80;
	v5 =	vperm.xlane v5, v4  }
0x1fe: {  	[tilespmem:s15], [sflag:$0x1] =	stream.indirect_vreg.gather [hbm4b:s5+s3], $0x80, v6, vm0, $0xb8;
	[tilespmem:$0x18480] =	vst v63  }
0x1ff: {  	v5 =	vadd.s32 v3, v5;
	s15 =	simm.s32 $0x1480  }
0x200: {  	[tilespmem:s15], [sflag:$0x1] =	stream.indirect_vreg.gather [hbm4b:s6+s3], $0x80, v6, vm0, $0xb8;
	[tilespmem:$0x18480] =	vst v63  }
0x201: {  	s0 =	simm.s32 $0x1C80  }
0x202: {  	[tilespmem:s0], [sflag:$0x1] =	stream.indirect_vreg.gather [hbm4b:s7+s3], $0x80, v6, vm0, $0xb8;
	[tilespmem:$0x18480] =	vst v63  }
0x203: {  	s4 =	simm.s32 $0x2480  }
0x204: {  	[tilespmem:s4], [sflag:$0x1] =	stream.indirect_vreg.gather [hbm4b:s1+s3], $0x80, v5, vm0, $0xb8;
	[tilespmem:$0x18480] =	vst v63  }
0x205: {  	s8 =	simm.s32 $0x2C80  }
0x206: {  	[tilespmem:s8], [sflag:$0x1] =	stream.indirect_vreg.gather [hbm4b:s5+s3], $0x80, v5, vm0, $0xb8;
	[tilespmem:$0x18480] =	vst v63  }
0x207: {  	s9 =	simm.s32 $0x3480  }
0x208: {  	[tilespmem:s9], [sflag:$0x1] =	stream.indirect_vreg.gather [hbm4b:s6+s3], $0x80, v5, vm0, $0xb8;
	[tilespmem:$0x18480] =	vst v63  }
0x209: {  	s15 =	simm.s32 $0x3C80  }
0x20a: {  	[tilespmem:s15], [sflag:$0x1] =	stream.indirect_vreg.gather [hbm4b:s7+s3], $0x80, v5, vm0, $0xb8;
	[tilespmem:$0x18480] =	vst v63  }
0x20b: {  	v5 =	vld [tilespmem:$0x2B0];
	_ =	sdelay $0x4  }
0x20c: {  	v6 =	vshll.u32 v5, $0x3  }
0x20d: {  	v5 =	vand.u32 $0x7, v5;
	v6 =	vand.u32 $0xFFFFFFC0, v6  }
0x20e: {  	v5 =	vor.u32 v5, v6  }
0x20f: {  	v6 =	vperm.xlane v5, v2;
	_ =	sdelay $0x1  }
0x210: {  	v6 =	vadd.s32 v3, v6;
	_ =	sdelay $0x3  }
0x211: {  	s15 =	simm.s32 $0x4480  }
0x212: {  	[tilespmem:s15], [sflag:$0x1] =	stream.indirect_vreg.gather [hbm4b:s1+s3], $0x80, v6, vm0, $0xb8;
	[tilespmem:$0x18480] =	vst v63  }
0x213: {  	v5 =	vperm.xlane v5, v4;
	s15 =	simm.s32 $0x4C80  }
0x214: {  	[tilespmem:s15], [sflag:$0x1] =	stream.indirect_vreg.gather [hbm4b:s5+s3], $0x80, v6, vm0, $0xb8;
	[tilespmem:$0x18480] =	vst v63  }
0x215: {  	s10 =	simm.s32 $0x5480;
	v5 =	vadd.s32 v3, v5  }
0x216: {  	[tilespmem:s10], [sflag:$0x1] =	stream.indirect_vreg.gather [hbm4b:s6+s3], $0x80, v6, vm0, $0xb8;
	[tilespmem:$0x18480] =	vst v63  }
0x217: {  	s16 =	simm.s32 $0x5C80  }
0x218: {  	[tilespmem:s16], [sflag:$0x1] =	stream.indirect_vreg.gather [hbm4b:s7+s3], $0x80, v6, vm0, $0xb8;
	[tilespmem:$0x18480] =	vst v63  }
0x219: {  	s17 =	simm.s32 $0x6480  }
0x21a: {  	[tilespmem:s17], [sflag:$0x1] =	stream.indirect_vreg.gather [hbm4b:s1+s3], $0x80, v5, vm0, $0xb8;
	[tilespmem:$0x18480] =	vst v63  }
0x21b: {  	s18 =	simm.s32 $0x6C80  }
0x21c: {  	[tilespmem:s18], [sflag:$0x1] =	stream.indirect_vreg.gather [hbm4b:s5+s3], $0x80, v5, vm0, $0xb8;
	[tilespmem:$0x18480] =	vst v63  }
0x21d: {  	s19 =	simm.s32 $0x7480  }
0x21e: {  	[tilespmem:s19], [sflag:$0x1] =	stream.indirect_vreg.gather [hbm4b:s6+s3], $0x80, v5, vm0, $0xb8;
	[tilespmem:$0x18480] =	vst v63  }
0x21f: {  	s15 =	simm.s32 $0x7C80  }
0x220: {  	[tilespmem:s15], [sflag:$0x1] =	stream.indirect_vreg.gather [hbm4b:s7+s3], $0x80, v5, vm0, $0xb8;
	[tilespmem:$0x18480] =	vst v63  }
0x221: {  	v5 =	vld [tilespmem:$0x2C0];
	_ =	sdelay $0x4  }
0x222: {  	v6 =	vshll.u32 v5, $0x3  }
0x223: {  	v5 =	vand.u32 $0x7, v5;
	v6 =	vand.u32 $0xFFFFFFC0, v6  }
0x224: {  	v5 =	vor.u32 v5, v6  }
0x225: {  	v6 =	vperm.xlane v5, v2;
	_ =	sdelay $0x1  }
0x226: {  	v6 =	vadd.s32 v3, v6;
	_ =	sdelay $0x3  }
0x227: {  	s15 =	simm.s32 $0x8480  }
0x228: {  	[tilespmem:s15], [sflag:$0x1] =	stream.indirect_vreg.gather [hbm4b:s1+s3], $0x80, v6, vm0, $0xb8;
	[tilespmem:$0x18480] =	vst v63  }
0x229: {  	v5 =	vperm.xlane v5, v4;
	s15 =	simm.s32 $0x8C80  }
0x22a: {  	[tilespmem:s15], [sflag:$0x1] =	stream.indirect_vreg.gather [hbm4b:s5+s3], $0x80, v6, vm0, $0xb8;
	[tilespmem:$0x18480] =	vst v63  }
0x22b: {  	s20 =	simm.s32 $0x9480;
	v5 =	vadd.s32 v3, v5  }
0x22c: {  	[tilespmem:s20], [sflag:$0x1] =	stream.indirect_vreg.gather [hbm4b:s6+s3], $0x80, v6, vm0, $0xb8;
	[tilespmem:$0x18480] =	vst v63  }
0x22d: {  	s21 =	simm.s32 $0x9C80  }
0x22e: {  	[tilespmem:s21], [sflag:$0x1] =	stream.indirect_vreg.gather [hbm4b:s7+s3], $0x80, v6, vm0, $0xb8;
	[tilespmem:$0x18480] =	vst v63  }
0x22f: {  	s22 =	simm.s32 $0xA480  }
0x230: {  	[tilespmem:s22], [sflag:$0x1] =	stream.indirect_vreg.gather [hbm4b:s1+s3], $0x80, v5, vm0, $0xb8;
	[tilespmem:$0x18480] =	vst v63  }
0x231: {  	s23 =	simm.s32 $0xAC80  }
0x232: {  	[tilespmem:s23], [sflag:$0x1] =	stream.indirect_vreg.gather [hbm4b:s5+s3], $0x80, v5, vm0, $0xb8;
	[tilespmem:$0x18480] =	vst v63  }
0x233: {  	s24 =	simm.s32 $0xB480  }
0x234: {  	[tilespmem:s24], [sflag:$0x1] =	stream.indirect_vreg.gather [hbm4b:s6+s3], $0x80, v5, vm0, $0xb8;
	[tilespmem:$0x18480] =	vst v63  }
0x235: {  	s15 =	simm.s32 $0xBC80  }
0x236: {  	[tilespmem:s15], [sflag:$0x1] =	stream.indirect_vreg.gather [hbm4b:s7+s3], $0x80, v5, vm0, $0xb8;
	[tilespmem:$0x18480] =	vst v63  }
0x237: {  	_ =	swait.ge [sflag:s13], $0xC000  }
0x238: {  	[sflag:s13] =	ssyncset.done $0x0  }
0x239: {  	s15 =	rddreg [dreg:$0x9];
	[sflag:s13] =	ssyncadd.s32 $0xFFFF4000  }
0x23a: {  	[hbm4b:s15+s3] =	stream.linear.scatter [tilespmem:s25], [sflag:$0x4], $0xC000, $0x38;
	[tilespmem:$0x18480] =	vst v63  }
0x23b: {  	_ =	swait.ge [sflag:s14], $0xC000  }
0x23c: {  	[sflag:s14] =	ssyncset.done $0x0  }
0x23d: {  	[sflag:s14] =	ssyncadd.s32 $0xFFFF4000  }
0x23e: {  	v5 =	vld [tilespmem:$0x2D0];
	_ =	sdelay $0x4  }
0x23f: {  	v6 =	vshll.u32 v5, $0x3  }
0x240: {  	v5 =	vand.u32 $0x7, v5;
	v6 =	vand.u32 $0xFFFFFFC0, v6  }
0x241: {  	v5 =	vor.u32 v5, v6  }
0x242: {  	v6 =	vperm.xlane v5, v2;
	_ =	sdelay $0x1  }
0x243: {  	v6 =	vadd.s32 v3, v6;
	_ =	sdelay $0x4  }
0x244: {  	[tilespmem:s25], [sflag:$0x2] =	stream.indirect_vreg.gather [hbm4b:s1+s3], $0x80, v6, vm0, $0xb8;
	[tilespmem:$0x18480] =	vst v63  }
0x245: {  	s15 =	simm.s32 $0xCC80;
	v5 =	vperm.xlane v5, v4  }
0x246: {  	[tilespmem:s15], [sflag:$0x2] =	stream.indirect_vreg.gather [hbm4b:s5+s3], $0x80, v6, vm0, $0xb8;
	[tilespmem:$0x18480] =	vst v63  }
0x247: {  	s28 =	simm.s32 $0xD480;
	v5 =	vadd.s32 v3, v5  }
0x248: {  	[tilespmem:s28], [sflag:$0x2] =	stream.indirect_vreg.gather [hbm4b:s6+s3], $0x80, v6, vm0, $0xb8;
	[tilespmem:$0x18480] =	vst v63  }
0x249: {  	s2 =	simm.s32 $0xDC80  }
0x24a: {  	[tilespmem:s2], [sflag:$0x2] =	stream.indirect_vreg.gather [hbm4b:s7+s3], $0x80, v6, vm0, $0xb8;
	[tilespmem:$0x18480] =	vst v63  }
0x24b: {  	s15 =	simm.s32 $0xE480  }
0x24c: {  	[tilespmem:s15], [sflag:$0x2] =	stream.indirect_vreg.gather [hbm4b:s1+s3], $0x80, v5, vm0, $0xb8;
	[tilespmem:$0x18480] =	vst v63  }
0x24d: {  	s15 =	simm.s32 $0xEC80  }
0x24e: {  	[tilespmem:s15], [sflag:$0x2] =	stream.indirect_vreg.gather [hbm4b:s5+s3], $0x80, v5, vm0, $0xb8;
	[tilespmem:$0x18480] =	vst v63  }
0x24f: {  	s15 =	simm.s32 $0xF480  }
0x250: {  	[tilespmem:s15], [sflag:$0x2] =	stream.indirect_vreg.gather [hbm4b:s6+s3], $0x80, v5, vm0, $0xb8;
	[tilespmem:$0x18480] =	vst v63  }
0x251: {  	s15 =	simm.s32 $0xFC80  }
0x252: {  	[tilespmem:s15], [sflag:$0x2] =	stream.indirect_vreg.gather [hbm4b:s7+s3], $0x80, v5, vm0, $0xb8;
	[tilespmem:$0x18480] =	vst v63  }
0x253: {  	v5 =	vld [tilespmem:$0x2E0];
	_ =	sdelay $0x4  }
0x254: {  	v6 =	vshll.u32 v5, $0x3  }
0x255: {  	v5 =	vand.u32 $0x7, v5;
	v6 =	vand.u32 $0xFFFFFFC0, v6  }
0x256: {  	v5 =	vor.u32 v5, v6  }
0x257: {  	v6 =	vperm.xlane v5, v2;
	_ =	sdelay $0x1  }
0x258: {  	v6 =	vadd.s32 v3, v6;
	_ =	sdelay $0x3  }
0x259: {  	s15 =	simm.s32 $0x10480  }
0x25a: {  	[tilespmem:s15], [sflag:$0x2] =	stream.indirect_vreg.gather [hbm4b:s1+s3], $0x80, v6, vm0, $0xb8;
	[tilespmem:$0x18480] =	vst v63  }
0x25b: {  	v5 =	vperm.xlane v5, v4;
	s15 =	simm.s32 $0x10C80  }
0x25c: {  	[tilespmem:s15], [sflag:$0x2] =	stream.indirect_vreg.gather [hbm4b:s5+s3], $0x80, v6, vm0, $0xb8;
	[tilespmem:$0x18480] =	vst v63  }
0x25d: {  	s29 =	simm.s32 $0x11480;
	v5 =	vadd.s32 v3, v5  }
0x25e: {  	[tilespmem:s29], [sflag:$0x2] =	stream.indirect_vreg.gather [hbm4b:s6+s3], $0x80, v6, vm0, $0xb8;
	[tilespmem:$0x18480] =	vst v63  }
0x25f: {  	s30 =	simm.s32 $0x11C80  }
0x260: {  	[tilespmem:s30], [sflag:$0x2] =	stream.indirect_vreg.gather [hbm4b:s7+s3], $0x80, v6, vm0, $0xb8;
	[tilespmem:$0x18480] =	vst v63  }
0x261: {  	s31 =	simm.s32 $0x12480  }
0x262: {  	[tilespmem:s31], [sflag:$0x2] =	stream.indirect_vreg.gather [hbm4b:s1+s3], $0x80, v5, vm0, $0xb8;
	[tilespmem:$0x18480] =	vst v63  }
0x263: {  	s15 =	simm.s32 $0x12C80  }
0x264: {  	[tilespmem:s15], [sflag:$0x2] =	stream.indirect_vreg.gather [hbm4b:s5+s3], $0x80, v5, vm0, $0xb8;
	[tilespmem:$0x18480] =	vst v63  }
0x265: {  	s15 =	simm.s32 $0x13480  }
0x266: {  	[tilespmem:s15], [sflag:$0x2] =	stream.indirect_vreg.gather [hbm4b:s6+s3], $0x80, v5, vm0, $0xb8;
	[tilespmem:$0x18480] =	vst v63  }
0x267: {  	s15 =	simm.s32 $0x13C80  }
0x268: {  	[tilespmem:s15], [sflag:$0x2] =	stream.indirect_vreg.gather [hbm4b:s7+s3], $0x80, v5, vm0, $0xb8;
	[tilespmem:$0x18480] =	vst v63  }
0x269: {  	v5 =	vld [tilespmem:$0x2F0];
	_ =	sdelay $0x4  }
0x26a: {  	v6 =	vshll.u32 v5, $0x3  }
0x26b: {  	v5 =	vand.u32 $0x7, v5;
	v6 =	vand.u32 $0xFFFFFFC0, v6  }
0x26c: {  	v5 =	vor.u32 v5, v6  }
0x26d: {  	v6 =	vperm.xlane v5, v2;
	_ =	sdelay $0x1  }
0x26e: {  	v6 =	vadd.s32 v3, v6;
	_ =	sdelay $0x3  }
0x26f: {  	s15 =	simm.s32 $0x14480  }
0x270: {  	[tilespmem:s15], [sflag:$0x2] =	stream.indirect_vreg.gather [hbm4b:s1+s3], $0x80, v6, vm0, $0xb8;
	[tilespmem:$0x18480] =	vst v63  }
0x271: {  	v5 =	vperm.xlane v5, v4;
	s15 =	simm.s32 $0x14C80  }
0x272: {  	[tilespmem:s15], [sflag:$0x2] =	stream.indirect_vreg.gather [hbm4b:s5+s3], $0x80, v6, vm0, $0xb8;
	[tilespmem:$0x18480] =	vst v63  }
0x273: {  	v5 =	vadd.s32 v3, v5;
	s15 =	simm.s32 $0x15480  }
0x274: {  	[tilespmem:s15], [sflag:$0x2] =	stream.indirect_vreg.gather [hbm4b:s6+s3], $0x80, v6, vm0, $0xb8;
	[tilespmem:$0x18480] =	vst v63  }
0x275: {  	s15 =	simm.s32 $0x15C80  }
0x276: {  	[tilespmem:s15], [sflag:$0x2] =	stream.indirect_vreg.gather [hbm4b:s7+s3], $0x80, v6, vm0, $0xb8;
	[tilespmem:$0x18480] =	vst v63  }
0x277: {  	s15 =	simm.s32 $0x16480  }
0x278: {  	[tilespmem:s15], [sflag:$0x2] =	stream.indirect_vreg.gather [hbm4b:s1+s3], $0x80, v5, vm0, $0xb8;
	[tilespmem:$0x18480] =	vst v63  }
0x279: {  	s15 =	simm.s32 $0x16C80  }
0x27a: {  	[tilespmem:s15], [sflag:$0x2] =	stream.indirect_vreg.gather [hbm4b:s5+s3], $0x80, v5, vm0, $0xb8;
	[tilespmem:$0x18480] =	vst v63  }
0x27b: {  	s15 =	simm.s32 $0x17480  }
0x27c: {  	[tilespmem:s15], [sflag:$0x2] =	stream.indirect_vreg.gather [hbm4b:s6+s3], $0x80, v5, vm0, $0xb8;
	[tilespmem:$0x18480] =	vst v63  }
0x27d: {  	s15 =	simm.s32 $0x17C80  }
0x27e: {  	[tilespmem:s15], [sflag:$0x2] =	stream.indirect_vreg.gather [hbm4b:s7+s3], $0x80, v5, vm0, $0xb8;
	[tilespmem:$0x18480] =	vst v63  }
0x27f: {  	_ =	swait.ge [sflag:s11], $0xC000  }
0x280: {  	[sflag:s11] =	ssyncset.done $0x0  }
0x281: {  	s15 =	rddreg [dreg:$0xa];
	[sflag:s11] =	ssyncadd.s32 $0xFFFF4000  }
0x282: {  	[hbm4b:s15+s3] =	stream.linear.scatter [tilespmem:s26], [sflag:$0x3], $0xC000, $0x38;
	[tilespmem:$0x18480] =	vst v63  }
0x283: {  	_ =	swait.ge [sflag:s12], $0xC000  }
0x284: {  	[sflag:s12] =	ssyncset.done $0x0  }
0x285: {  	[sflag:s12] =	ssyncadd.s32 $0xFFFF4000  }
0x286: {  	v5 =	vld [tilespmem:$0x300];
	_ =	sdelay $0x4  }
0x287: {  	v6 =	vshll.u32 v5, $0x3  }
0x288: {  	v5 =	vand.u32 $0x7, v5;
	v6 =	vand.u32 $0xFFFFFFC0, v6  }
0x289: {  	v5 =	vor.u32 v5, v6  }
0x28a: {  	v6 =	vperm.xlane v5, v2;
	_ =	sdelay $0x1  }
0x28b: {  	v6 =	vadd.s32 v3, v6;
	_ =	sdelay $0x4  }
0x28c: {  	[tilespmem:s26], [sflag:$0x1] =	stream.indirect_vreg.gather [hbm4b:s1+s3], $0x80, v6, vm0, $0xb8;
	[tilespmem:$0x18480] =	vst v63  }
0x28d: {  	s15 =	simm.s32 $0xC80;
	v5 =	vperm.xlane v5, v4  }
0x28e: {  	[tilespmem:s15], [sflag:$0x1] =	stream.indirect_vreg.gather [hbm4b:s5+s3], $0x80, v6, vm0, $0xb8;
	[tilespmem:$0x18480] =	vst v63  }
0x28f: {  	v5 =	vadd.s32 v3, v5;
	s15 =	simm.s32 $0x1480  }
0x290: {  	[tilespmem:s15], [sflag:$0x1] =	stream.indirect_vreg.gather [hbm4b:s6+s3], $0x80, v6, vm0, $0xb8;
	[tilespmem:$0x18480] =	vst v63  }
0x291: {  	s0 =	simm.s32 $0x1C80  }
0x292: {  	[tilespmem:s0], [sflag:$0x1] =	stream.indirect_vreg.gather [hbm4b:s7+s3], $0x80, v6, vm0, $0xb8;
	[tilespmem:$0x18480] =	vst v63  }
0x293: {  	s4 =	simm.s32 $0x2480  }
0x294: {  	[tilespmem:s4], [sflag:$0x1] =	stream.indirect_vreg.gather [hbm4b:s1+s3], $0x80, v5, vm0, $0xb8;
	[tilespmem:$0x18480] =	vst v63  }
0x295: {  	s8 =	simm.s32 $0x2C80  }
0x296: {  	[tilespmem:s8], [sflag:$0x1] =	stream.indirect_vreg.gather [hbm4b:s5+s3], $0x80, v5, vm0, $0xb8;
	[tilespmem:$0x18480] =	vst v63  }
0x297: {  	s9 =	simm.s32 $0x3480  }
0x298: {  	[tilespmem:s9], [sflag:$0x1] =	stream.indirect_vreg.gather [hbm4b:s6+s3], $0x80, v5, vm0, $0xb8;
	[tilespmem:$0x18480] =	vst v63  }
0x299: {  	s15 =	simm.s32 $0x3C80  }
0x29a: {  	[tilespmem:s15], [sflag:$0x1] =	stream.indirect_vreg.gather [hbm4b:s7+s3], $0x80, v5, vm0, $0xb8;
	[tilespmem:$0x18480] =	vst v63  }
0x29b: {  	v5 =	vld [tilespmem:$0x310];
	_ =	sdelay $0x4  }
0x29c: {  	v6 =	vshll.u32 v5, $0x3  }
0x29d: {  	v5 =	vand.u32 $0x7, v5;
	v6 =	vand.u32 $0xFFFFFFC0, v6  }
0x29e: {  	v5 =	vor.u32 v5, v6  }
0x29f: {  	v6 =	vperm.xlane v5, v2;
	_ =	sdelay $0x1  }
0x2a0: {  	v6 =	vadd.s32 v3, v6;
	_ =	sdelay $0x3  }
0x2a1: {  	s15 =	simm.s32 $0x4480  }
0x2a2: {  	[tilespmem:s15], [sflag:$0x1] =	stream.indirect_vreg.gather [hbm4b:s1+s3], $0x80, v6, vm0, $0xb8;
	[tilespmem:$0x18480] =	vst v63  }
0x2a3: {  	v5 =	vperm.xlane v5, v4;
	s15 =	simm.s32 $0x4C80  }
0x2a4: {  	[tilespmem:s15], [sflag:$0x1] =	stream.indirect_vreg.gather [hbm4b:s5+s3], $0x80, v6, vm0, $0xb8;
	[tilespmem:$0x18480] =	vst v63  }
0x2a5: {  	s10 =	simm.s32 $0x5480;
	v5 =	vadd.s32 v3, v5  }
0x2a6: {  	[tilespmem:s10], [sflag:$0x1] =	stream.indirect_vreg.gather [hbm4b:s6+s3], $0x80, v6, vm0, $0xb8;
	[tilespmem:$0x18480] =	vst v63  }
0x2a7: {  	s16 =	simm.s32 $0x5C80  }
0x2a8: {  	[tilespmem:s16], [sflag:$0x1] =	stream.indirect_vreg.gather [hbm4b:s7+s3], $0x80, v6, vm0, $0xb8;
	[tilespmem:$0x18480] =	vst v63  }
0x2a9: {  	s17 =	simm.s32 $0x6480  }
0x2aa: {  	[tilespmem:s17], [sflag:$0x1] =	stream.indirect_vreg.gather [hbm4b:s1+s3], $0x80, v5, vm0, $0xb8;
	[tilespmem:$0x18480] =	vst v63  }
0x2ab: {  	s18 =	simm.s32 $0x6C80  }
0x2ac: {  	[tilespmem:s18], [sflag:$0x1] =	stream.indirect_vreg.gather [hbm4b:s5+s3], $0x80, v5, vm0, $0xb8;
	[tilespmem:$0x18480] =	vst v63  }
0x2ad: {  	s19 =	simm.s32 $0x7480  }
0x2ae: {  	[tilespmem:s19], [sflag:$0x1] =	stream.indirect_vreg.gather [hbm4b:s6+s3], $0x80, v5, vm0, $0xb8;
	[tilespmem:$0x18480] =	vst v63  }
0x2af: {  	s15 =	simm.s32 $0x7C80  }
0x2b0: {  	[tilespmem:s15], [sflag:$0x1] =	stream.indirect_vreg.gather [hbm4b:s7+s3], $0x80, v5, vm0, $0xb8;
	[tilespmem:$0x18480] =	vst v63  }
0x2b1: {  	v5 =	vld [tilespmem:$0x320];
	_ =	sdelay $0x4  }
0x2b2: {  	v6 =	vshll.u32 v5, $0x3  }
0x2b3: {  	v5 =	vand.u32 $0x7, v5;
	v6 =	vand.u32 $0xFFFFFFC0, v6  }
0x2b4: {  	v5 =	vor.u32 v5, v6  }
0x2b5: {  	v6 =	vperm.xlane v5, v2;
	_ =	sdelay $0x1  }
0x2b6: {  	v6 =	vadd.s32 v3, v6;
	_ =	sdelay $0x3  }
0x2b7: {  	s15 =	simm.s32 $0x8480  }
0x2b8: {  	[tilespmem:s15], [sflag:$0x1] =	stream.indirect_vreg.gather [hbm4b:s1+s3], $0x80, v6, vm0, $0xb8;
	[tilespmem:$0x18480] =	vst v63  }
0x2b9: {  	v5 =	vperm.xlane v5, v4;
	s15 =	simm.s32 $0x8C80  }
0x2ba: {  	[tilespmem:s15], [sflag:$0x1] =	stream.indirect_vreg.gather [hbm4b:s5+s3], $0x80, v6, vm0, $0xb8;
	[tilespmem:$0x18480] =	vst v63  }
0x2bb: {  	s20 =	simm.s32 $0x9480;
	v5 =	vadd.s32 v3, v5  }
0x2bc: {  	[tilespmem:s20], [sflag:$0x1] =	stream.indirect_vreg.gather [hbm4b:s6+s3], $0x80, v6, vm0, $0xb8;
	[tilespmem:$0x18480] =	vst v63  }
0x2bd: {  	s21 =	simm.s32 $0x9C80  }
0x2be: {  	[tilespmem:s21], [sflag:$0x1] =	stream.indirect_vreg.gather [hbm4b:s7+s3], $0x80, v6, vm0, $0xb8;
	[tilespmem:$0x18480] =	vst v63  }
0x2bf: {  	s22 =	simm.s32 $0xA480  }
0x2c0: {  	[tilespmem:s22], [sflag:$0x1] =	stream.indirect_vreg.gather [hbm4b:s1+s3], $0x80, v5, vm0, $0xb8;
	[tilespmem:$0x18480] =	vst v63  }
0x2c1: {  	s23 =	simm.s32 $0xAC80  }
0x2c2: {  	[tilespmem:s23], [sflag:$0x1] =	stream.indirect_vreg.gather [hbm4b:s5+s3], $0x80, v5, vm0, $0xb8;
	[tilespmem:$0x18480] =	vst v63  }
0x2c3: {  	s24 =	simm.s32 $0xB480  }
0x2c4: {  	[tilespmem:s24], [sflag:$0x1] =	stream.indirect_vreg.gather [hbm4b:s6+s3], $0x80, v5, vm0, $0xb8;
	[tilespmem:$0x18480] =	vst v63  }
0x2c5: {  	s15 =	simm.s32 $0xBC80  }
0x2c6: {  	[tilespmem:s15], [sflag:$0x1] =	stream.indirect_vreg.gather [hbm4b:s7+s3], $0x80, v5, vm0, $0xb8;
	[tilespmem:$0x18480] =	vst v63  }
0x2c7: {  	_ =	swait.ge [sflag:s13], $0xC000  }
0x2c8: {  	[sflag:s13] =	ssyncset.done $0x0  }
0x2c9: {  	s15 =	rddreg [dreg:$0xb];
	[sflag:s13] =	ssyncadd.s32 $0xFFFF4000  }
0x2ca: {  	[hbm4b:s15+s3] =	stream.linear.scatter [tilespmem:s25], [sflag:$0x4], $0xC000, $0x38;
	[tilespmem:$0x18480] =	vst v63  }
0x2cb: {  	_ =	swait.ge [sflag:s14], $0xC000  }
0x2cc: {  	[sflag:s14] =	ssyncset.done $0x0  }
0x2cd: {  	[sflag:s14] =	ssyncadd.s32 $0xFFFF4000  }
0x2ce: {  	v5 =	vld [tilespmem:$0x330];
	_ =	sdelay $0x4  }
0x2cf: {  	v6 =	vshll.u32 v5, $0x3  }
0x2d0: {  	v5 =	vand.u32 $0x7, v5;
	v6 =	vand.u32 $0xFFFFFFC0, v6  }
0x2d1: {  	v5 =	vor.u32 v5, v6  }
0x2d2: {  	v6 =	vperm.xlane v5, v2;
	_ =	sdelay $0x1  }
0x2d3: {  	v6 =	vadd.s32 v3, v6;
	_ =	sdelay $0x4  }
0x2d4: {  	[tilespmem:s25], [sflag:$0x2] =	stream.indirect_vreg.gather [hbm4b:s1+s3], $0x80, v6, vm0, $0xb8;
	[tilespmem:$0x18480] =	vst v63  }
0x2d5: {  	s15 =	simm.s32 $0xCC80;
	v5 =	vperm.xlane v5, v4  }
0x2d6: {  	[tilespmem:s15], [sflag:$0x2] =	stream.indirect_vreg.gather [hbm4b:s5+s3], $0x80, v6, vm0, $0xb8;
	[tilespmem:$0x18480] =	vst v63  }
0x2d7: {  	s28 =	simm.s32 $0xD480;
	v5 =	vadd.s32 v3, v5  }
0x2d8: {  	[tilespmem:s28], [sflag:$0x2] =	stream.indirect_vreg.gather [hbm4b:s6+s3], $0x80, v6, vm0, $0xb8;
	[tilespmem:$0x18480] =	vst v63  }
0x2d9: {  	s2 =	simm.s32 $0xDC80  }
0x2da: {  	[tilespmem:s2], [sflag:$0x2] =	stream.indirect_vreg.gather [hbm4b:s7+s3], $0x80, v6, vm0, $0xb8;
	[tilespmem:$0x18480] =	vst v63  }
0x2db: {  	s15 =	simm.s32 $0xE480  }
0x2dc: {  	[tilespmem:s15], [sflag:$0x2] =	stream.indirect_vreg.gather [hbm4b:s1+s3], $0x80, v5, vm0, $0xb8;
	[tilespmem:$0x18480] =	vst v63  }
0x2dd: {  	s15 =	simm.s32 $0xEC80  }
0x2de: {  	[tilespmem:s15], [sflag:$0x2] =	stream.indirect_vreg.gather [hbm4b:s5+s3], $0x80, v5, vm0, $0xb8;
	[tilespmem:$0x18480] =	vst v63  }
0x2df: {  	s15 =	simm.s32 $0xF480  }
0x2e0: {  	[tilespmem:s15], [sflag:$0x2] =	stream.indirect_vreg.gather [hbm4b:s6+s3], $0x80, v5, vm0, $0xb8;
	[tilespmem:$0x18480] =	vst v63  }
0x2e1: {  	s15 =	simm.s32 $0xFC80  }
0x2e2: {  	[tilespmem:s15], [sflag:$0x2] =	stream.indirect_vreg.gather [hbm4b:s7+s3], $0x80, v5, vm0, $0xb8;
	[tilespmem:$0x18480] =	vst v63  }
0x2e3: {  	v5 =	vld [tilespmem:$0x340];
	_ =	sdelay $0x4  }
0x2e4: {  	v6 =	vshll.u32 v5, $0x3  }
0x2e5: {  	v5 =	vand.u32 $0x7, v5;
	v6 =	vand.u32 $0xFFFFFFC0, v6  }
0x2e6: {  	v5 =	vor.u32 v5, v6  }
0x2e7: {  	v6 =	vperm.xlane v5, v2;
	_ =	sdelay $0x1  }
0x2e8: {  	v6 =	vadd.s32 v3, v6;
	_ =	sdelay $0x3  }
0x2e9: {  	s15 =	simm.s32 $0x10480  }
0x2ea: {  	[tilespmem:s15], [sflag:$0x2] =	stream.indirect_vreg.gather [hbm4b:s1+s3], $0x80, v6, vm0, $0xb8;
	[tilespmem:$0x18480] =	vst v63  }
0x2eb: {  	v5 =	vperm.xlane v5, v4;
	s15 =	simm.s32 $0x10C80  }
0x2ec: {  	[tilespmem:s15], [sflag:$0x2] =	stream.indirect_vreg.gather [hbm4b:s5+s3], $0x80, v6, vm0, $0xb8;
	[tilespmem:$0x18480] =	vst v63  }
0x2ed: {  	s29 =	simm.s32 $0x11480;
	v5 =	vadd.s32 v3, v5  }
0x2ee: {  	[tilespmem:s29], [sflag:$0x2] =	stream.indirect_vreg.gather [hbm4b:s6+s3], $0x80, v6, vm0, $0xb8;
	[tilespmem:$0x18480] =	vst v63  }
0x2ef: {  	s30 =	simm.s32 $0x11C80  }
0x2f0: {  	[tilespmem:s30], [sflag:$0x2] =	stream.indirect_vreg.gather [hbm4b:s7+s3], $0x80, v6, vm0, $0xb8;
	[tilespmem:$0x18480] =	vst v63  }
0x2f1: {  	s31 =	simm.s32 $0x12480  }
0x2f2: {  	[tilespmem:s31], [sflag:$0x2] =	stream.indirect_vreg.gather [hbm4b:s1+s3], $0x80, v5, vm0, $0xb8;
	[tilespmem:$0x18480] =	vst v63  }
0x2f3: {  	s15 =	simm.s32 $0x12C80  }
0x2f4: {  	[tilespmem:s15], [sflag:$0x2] =	stream.indirect_vreg.gather [hbm4b:s5+s3], $0x80, v5, vm0, $0xb8;
	[tilespmem:$0x18480] =	vst v63  }
0x2f5: {  	s15 =	simm.s32 $0x13480  }
0x2f6: {  	[tilespmem:s15], [sflag:$0x2] =	stream.indirect_vreg.gather [hbm4b:s6+s3], $0x80, v5, vm0, $0xb8;
	[tilespmem:$0x18480] =	vst v63  }
0x2f7: {  	s15 =	simm.s32 $0x13C80  }
0x2f8: {  	[tilespmem:s15], [sflag:$0x2] =	stream.indirect_vreg.gather [hbm4b:s7+s3], $0x80, v5, vm0, $0xb8;
	[tilespmem:$0x18480] =	vst v63  }
0x2f9: {  	v5 =	vld [tilespmem:$0x350];
	_ =	sdelay $0x4  }
0x2fa: {  	v6 =	vshll.u32 v5, $0x3  }
0x2fb: {  	v5 =	vand.u32 $0x7, v5;
	v6 =	vand.u32 $0xFFFFFFC0, v6  }
0x2fc: {  	v5 =	vor.u32 v5, v6  }
0x2fd: {  	v6 =	vperm.xlane v5, v2;
	_ =	sdelay $0x1  }
0x2fe: {  	v6 =	vadd.s32 v3, v6;
	_ =	sdelay $0x3  }
0x2ff: {  	s15 =	simm.s32 $0x14480  }
0x300: {  	[tilespmem:s15], [sflag:$0x2] =	stream.indirect_vreg.gather [hbm4b:s1+s3], $0x80, v6, vm0, $0xb8;
	[tilespmem:$0x18480] =	vst v63  }
0x301: {  	v5 =	vperm.xlane v5, v4;
	s15 =	simm.s32 $0x14C80  }
0x302: {  	[tilespmem:s15], [sflag:$0x2] =	stream.indirect_vreg.gather [hbm4b:s5+s3], $0x80, v6, vm0, $0xb8;
	[tilespmem:$0x18480] =	vst v63  }
0x303: {  	v5 =	vadd.s32 v3, v5;
	s15 =	simm.s32 $0x15480  }
0x304: {  	[tilespmem:s15], [sflag:$0x2] =	stream.indirect_vreg.gather [hbm4b:s6+s3], $0x80, v6, vm0, $0xb8;
	[tilespmem:$0x18480] =	vst v63  }
0x305: {  	s15 =	simm.s32 $0x15C80  }
0x306: {  	[tilespmem:s15], [sflag:$0x2] =	stream.indirect_vreg.gather [hbm4b:s7+s3], $0x80, v6, vm0, $0xb8;
	[tilespmem:$0x18480] =	vst v63  }
0x307: {  	s15 =	simm.s32 $0x16480  }
0x308: {  	[tilespmem:s15], [sflag:$0x2] =	stream.indirect_vreg.gather [hbm4b:s1+s3], $0x80, v5, vm0, $0xb8;
	[tilespmem:$0x18480] =	vst v63  }
0x309: {  	s15 =	simm.s32 $0x16C80  }
0x30a: {  	[tilespmem:s15], [sflag:$0x2] =	stream.indirect_vreg.gather [hbm4b:s5+s3], $0x80, v5, vm0, $0xb8;
	[tilespmem:$0x18480] =	vst v63  }
0x30b: {  	s15 =	simm.s32 $0x17480  }
0x30c: {  	[tilespmem:s15], [sflag:$0x2] =	stream.indirect_vreg.gather [hbm4b:s6+s3], $0x80, v5, vm0, $0xb8;
	[tilespmem:$0x18480] =	vst v63  }
0x30d: {  	s15 =	simm.s32 $0x17C80  }
0x30e: {  	[tilespmem:s15], [sflag:$0x2] =	stream.indirect_vreg.gather [hbm4b:s7+s3], $0x80, v5, vm0, $0xb8;
	[tilespmem:$0x18480] =	vst v63  }
0x30f: {  	_ =	swait.ge [sflag:s11], $0xC000  }
0x310: {  	[sflag:s11] =	ssyncset.done $0x0  }
0x311: {  	s15 =	rddreg [dreg:$0xc];
	[sflag:s11] =	ssyncadd.s32 $0xFFFF4000  }
0x312: {  	[hbm4b:s15+s3] =	stream.linear.scatter [tilespmem:s26], [sflag:$0x3], $0xC000, $0x38;
	[tilespmem:$0x18480] =	vst v63  }
0x313: {  	_ =	swait.ge [sflag:s12], $0xC000  }
0x314: {  	[sflag:s12] =	ssyncset.done $0x0  }
0x315: {  	[sflag:s12] =	ssyncadd.s32 $0xFFFF4000  }
0x316: {  	v5 =	vld [tilespmem:$0x360];
	_ =	sdelay $0x4  }
0x317: {  	v6 =	vshll.u32 v5, $0x3  }
0x318: {  	v5 =	vand.u32 $0x7, v5;
	v6 =	vand.u32 $0xFFFFFFC0, v6  }
0x319: {  	v5 =	vor.u32 v5, v6  }
0x31a: {  	v6 =	vperm.xlane v5, v2;
	_ =	sdelay $0x1  }
0x31b: {  	v6 =	vadd.s32 v3, v6;
	_ =	sdelay $0x4  }
0x31c: {  	[tilespmem:s26], [sflag:$0x1] =	stream.indirect_vreg.gather [hbm4b:s1+s3], $0x80, v6, vm0, $0xb8;
	[tilespmem:$0x18480] =	vst v63  }
0x31d: {  	s15 =	simm.s32 $0xC80;
	v5 =	vperm.xlane v5, v4  }
0x31e: {  	[tilespmem:s15], [sflag:$0x1] =	stream.indirect_vreg.gather [hbm4b:s5+s3], $0x80, v6, vm0, $0xb8;
	[tilespmem:$0x18480] =	vst v63  }
0x31f: {  	v5 =	vadd.s32 v3, v5;
	s15 =	simm.s32 $0x1480  }
0x320: {  	[tilespmem:s15], [sflag:$0x1] =	stream.indirect_vreg.gather [hbm4b:s6+s3], $0x80, v6, vm0, $0xb8;
	[tilespmem:$0x18480] =	vst v63  }
0x321: {  	s0 =	simm.s32 $0x1C80  }
0x322: {  	[tilespmem:s0], [sflag:$0x1] =	stream.indirect_vreg.gather [hbm4b:s7+s3], $0x80, v6, vm0, $0xb8;
	[tilespmem:$0x18480] =	vst v63  }
0x323: {  	s4 =	simm.s32 $0x2480  }
0x324: {  	[tilespmem:s4], [sflag:$0x1] =	stream.indirect_vreg.gather [hbm4b:s1+s3], $0x80, v5, vm0, $0xb8;
	[tilespmem:$0x18480] =	vst v63  }
0x325: {  	s8 =	simm.s32 $0x2C80  }
0x326: {  	[tilespmem:s8], [sflag:$0x1] =	stream.indirect_vreg.gather [hbm4b:s5+s3], $0x80, v5, vm0, $0xb8;
	[tilespmem:$0x18480] =	vst v63  }
0x327: {  	s9 =	simm.s32 $0x3480  }
0x328: {  	[tilespmem:s9], [sflag:$0x1] =	stream.indirect_vreg.gather [hbm4b:s6+s3], $0x80, v5, vm0, $0xb8;
	[tilespmem:$0x18480] =	vst v63  }
0x329: {  	s15 =	simm.s32 $0x3C80  }
0x32a: {  	[tilespmem:s15], [sflag:$0x1] =	stream.indirect_vreg.gather [hbm4b:s7+s3], $0x80, v5, vm0, $0xb8;
	[tilespmem:$0x18480] =	vst v63  }
0x32b: {  	v5 =	vld [tilespmem:$0x370];
	_ =	sdelay $0x4  }
0x32c: {  	v6 =	vshll.u32 v5, $0x3  }
0x32d: {  	v5 =	vand.u32 $0x7, v5;
	v6 =	vand.u32 $0xFFFFFFC0, v6  }
0x32e: {  	v5 =	vor.u32 v5, v6  }
0x32f: {  	v6 =	vperm.xlane v5, v2;
	_ =	sdelay $0x1  }
0x330: {  	v6 =	vadd.s32 v3, v6;
	_ =	sdelay $0x3  }
0x331: {  	s15 =	simm.s32 $0x4480  }
0x332: {  	[tilespmem:s15], [sflag:$0x1] =	stream.indirect_vreg.gather [hbm4b:s1+s3], $0x80, v6, vm0, $0xb8;
	[tilespmem:$0x18480] =	vst v63  }
0x333: {  	v5 =	vperm.xlane v5, v4;
	s15 =	simm.s32 $0x4C80  }
0x334: {  	[tilespmem:s15], [sflag:$0x1] =	stream.indirect_vreg.gather [hbm4b:s5+s3], $0x80, v6, vm0, $0xb8;
	[tilespmem:$0x18480] =	vst v63  }
0x335: {  	s10 =	simm.s32 $0x5480;
	v5 =	vadd.s32 v3, v5  }
0x336: {  	[tilespmem:s10], [sflag:$0x1] =	stream.indirect_vreg.gather [hbm4b:s6+s3], $0x80, v6, vm0, $0xb8;
	[tilespmem:$0x18480] =	vst v63  }
0x337: {  	s16 =	simm.s32 $0x5C80  }
0x338: {  	[tilespmem:s16], [sflag:$0x1] =	stream.indirect_vreg.gather [hbm4b:s7+s3], $0x80, v6, vm0, $0xb8;
	[tilespmem:$0x18480] =	vst v63  }
0x339: {  	s17 =	simm.s32 $0x6480  }
0x33a: {  	[tilespmem:s17], [sflag:$0x1] =	stream.indirect_vreg.gather [hbm4b:s1+s3], $0x80, v5, vm0, $0xb8;
	[tilespmem:$0x18480] =	vst v63  }
0x33b: {  	s18 =	simm.s32 $0x6C80  }
0x33c: {  	[tilespmem:s18], [sflag:$0x1] =	stream.indirect_vreg.gather [hbm4b:s5+s3], $0x80, v5, vm0, $0xb8;
	[tilespmem:$0x18480] =	vst v63  }
0x33d: {  	s19 =	simm.s32 $0x7480  }
0x33e: {  	[tilespmem:s19], [sflag:$0x1] =	stream.indirect_vreg.gather [hbm4b:s6+s3], $0x80, v5, vm0, $0xb8;
	[tilespmem:$0x18480] =	vst v63  }
0x33f: {  	s15 =	simm.s32 $0x7C80  }
0x340: {  	[tilespmem:s15], [sflag:$0x1] =	stream.indirect_vreg.gather [hbm4b:s7+s3], $0x80, v5, vm0, $0xb8;
	[tilespmem:$0x18480] =	vst v63  }
0x341: {  	v5 =	vld [tilespmem:$0x380];
	_ =	sdelay $0x4  }
0x342: {  	v6 =	vshll.u32 v5, $0x3  }
0x343: {  	v5 =	vand.u32 $0x7, v5;
	v6 =	vand.u32 $0xFFFFFFC0, v6  }
0x344: {  	v5 =	vor.u32 v5, v6  }
0x345: {  	v6 =	vperm.xlane v5, v2;
	_ =	sdelay $0x1  }
0x346: {  	v6 =	vadd.s32 v3, v6;
	_ =	sdelay $0x3  }
0x347: {  	s15 =	simm.s32 $0x8480  }
0x348: {  	[tilespmem:s15], [sflag:$0x1] =	stream.indirect_vreg.gather [hbm4b:s1+s3], $0x80, v6, vm0, $0xb8;
	[tilespmem:$0x18480] =	vst v63  }
0x349: {  	v5 =	vperm.xlane v5, v4;
	s15 =	simm.s32 $0x8C80  }
0x34a: {  	[tilespmem:s15], [sflag:$0x1] =	stream.indirect_vreg.gather [hbm4b:s5+s3], $0x80, v6, vm0, $0xb8;
	[tilespmem:$0x18480] =	vst v63  }
0x34b: {  	s20 =	simm.s32 $0x9480;
	v5 =	vadd.s32 v3, v5  }
0x34c: {  	[tilespmem:s20], [sflag:$0x1] =	stream.indirect_vreg.gather [hbm4b:s6+s3], $0x80, v6, vm0, $0xb8;
	[tilespmem:$0x18480] =	vst v63  }
0x34d: {  	s21 =	simm.s32 $0x9C80  }
0x34e: {  	[tilespmem:s21], [sflag:$0x1] =	stream.indirect_vreg.gather [hbm4b:s7+s3], $0x80, v6, vm0, $0xb8;
	[tilespmem:$0x18480] =	vst v63  }
0x34f: {  	s22 =	simm.s32 $0xA480  }
0x350: {  	[tilespmem:s22], [sflag:$0x1] =	stream.indirect_vreg.gather [hbm4b:s1+s3], $0x80, v5, vm0, $0xb8;
	[tilespmem:$0x18480] =	vst v63  }
0x351: {  	s23 =	simm.s32 $0xAC80  }
0x352: {  	[tilespmem:s23], [sflag:$0x1] =	stream.indirect_vreg.gather [hbm4b:s5+s3], $0x80, v5, vm0, $0xb8;
	[tilespmem:$0x18480] =	vst v63  }
0x353: {  	s24 =	simm.s32 $0xB480  }
0x354: {  	[tilespmem:s24], [sflag:$0x1] =	stream.indirect_vreg.gather [hbm4b:s6+s3], $0x80, v5, vm0, $0xb8;
	[tilespmem:$0x18480] =	vst v63  }
0x355: {  	s15 =	simm.s32 $0xBC80  }
0x356: {  	[tilespmem:s15], [sflag:$0x1] =	stream.indirect_vreg.gather [hbm4b:s7+s3], $0x80, v5, vm0, $0xb8;
	[tilespmem:$0x18480] =	vst v63  }
0x357: {  	_ =	swait.ge [sflag:s13], $0xC000  }
0x358: {  	[sflag:s13] =	ssyncset.done $0x0  }
0x359: {  	s0 =	rddreg [dreg:$0xd];
	[sflag:s13] =	ssyncadd.s32 $0xFFFF4000  }
0x35a: {  	[hbm4b:s0+s3] =	stream.linear.scatter [tilespmem:s25], [sflag:$0x4], $0xC000, $0x38;
	[tilespmem:$0x18480] =	vst v63  }
0x35b: {  	_ =	swait.ge [sflag:s14], $0xC000  }
0x35c: {  	[sflag:s14] =	ssyncset.done $0x0  }
0x35d: {  	[sflag:s14] =	ssyncadd.s32 $0xFFFF4000  }
0x35e: {  	v5 =	vld [tilespmem:$0x390];
	_ =	sdelay $0x4  }
0x35f: {  	v6 =	vshll.u32 v5, $0x3  }
0x360: {  	v5 =	vand.u32 $0x7, v5;
	v6 =	vand.u32 $0xFFFFFFC0, v6  }
0x361: {  	v5 =	vor.u32 v5, v6  }
0x362: {  	v6 =	vperm.xlane v5, v2;
	_ =	sdelay $0x1  }
0x363: {  	v6 =	vadd.s32 v3, v6;
	_ =	sdelay $0x4  }
0x364: {  	[tilespmem:s25], [sflag:$0x2] =	stream.indirect_vreg.gather [hbm4b:s1+s3], $0x80, v6, vm0, $0xb8;
	[tilespmem:$0x18480] =	vst v63  }
0x365: {  	s15 =	simm.s32 $0xCC80;
	v5 =	vperm.xlane v5, v4  }
0x366: {  	[tilespmem:s15], [sflag:$0x2] =	stream.indirect_vreg.gather [hbm4b:s5+s3], $0x80, v6, vm0, $0xb8;
	[tilespmem:$0x18480] =	vst v63  }
0x367: {  	s28 =	simm.s32 $0xD480;
	v5 =	vadd.s32 v3, v5  }
0x368: {  	[tilespmem:s28], [sflag:$0x2] =	stream.indirect_vreg.gather [hbm4b:s6+s3], $0x80, v6, vm0, $0xb8;
	[tilespmem:$0x18480] =	vst v63  }
0x369: {  	s2 =	simm.s32 $0xDC80  }
0x36a: {  	[tilespmem:s2], [sflag:$0x2] =	stream.indirect_vreg.gather [hbm4b:s7+s3], $0x80, v6, vm0, $0xb8;
	[tilespmem:$0x18480] =	vst v63  }
0x36b: {  	s2 =	simm.s32 $0xE480  }
0x36c: {  	[tilespmem:s2], [sflag:$0x2] =	stream.indirect_vreg.gather [hbm4b:s1+s3], $0x80, v5, vm0, $0xb8;
	[tilespmem:$0x18480] =	vst v63  }
0x36d: {  	s15 =	simm.s32 $0xEC80  }
0x36e: {  	[tilespmem:s15], [sflag:$0x2] =	stream.indirect_vreg.gather [hbm4b:s5+s3], $0x80, v5, vm0, $0xb8;
	[tilespmem:$0x18480] =	vst v63  }
0x36f: {  	s2 =	simm.s32 $0xF480  }
0x370: {  	[tilespmem:s2], [sflag:$0x2] =	stream.indirect_vreg.gather [hbm4b:s6+s3], $0x80, v5, vm0, $0xb8;
	[tilespmem:$0x18480] =	vst v63  }
0x371: {  	s15 =	simm.s32 $0xFC80  }
0x372: {  	[tilespmem:s15], [sflag:$0x2] =	stream.indirect_vreg.gather [hbm4b:s7+s3], $0x80, v5, vm0, $0xb8;
	[tilespmem:$0x18480] =	vst v63  }
0x373: {  	v5 =	vld [tilespmem:$0x3A0];
	_ =	sdelay $0x4  }
0x374: {  	v6 =	vshll.u32 v5, $0x3  }
0x375: {  	v5 =	vand.u32 $0x7, v5;
	v6 =	vand.u32 $0xFFFFFFC0, v6  }
0x376: {  	v5 =	vor.u32 v5, v6  }
0x377: {  	v6 =	vperm.xlane v5, v2;
	_ =	sdelay $0x1  }
0x378: {  	v6 =	vadd.s32 v3, v6;
	_ =	sdelay $0x3  }
0x379: {  	s2 =	simm.s32 $0x10480  }
0x37a: {  	[tilespmem:s2], [sflag:$0x2] =	stream.indirect_vreg.gather [hbm4b:s1+s3], $0x80, v6, vm0, $0xb8;
	[tilespmem:$0x18480] =	vst v63  }
0x37b: {  	s15 =	simm.s32 $0x10C80;
	v5 =	vperm.xlane v5, v4  }
0x37c: {  	[tilespmem:s15], [sflag:$0x2] =	stream.indirect_vreg.gather [hbm4b:s5+s3], $0x80, v6, vm0, $0xb8;
	[tilespmem:$0x18480] =	vst v63  }
0x37d: {  	s29 =	simm.s32 $0x11480;
	v5 =	vadd.s32 v3, v5  }
0x37e: {  	[tilespmem:s29], [sflag:$0x2] =	stream.indirect_vreg.gather [hbm4b:s6+s3], $0x80, v6, vm0, $0xb8;
	[tilespmem:$0x18480] =	vst v63  }
0x37f: {  	s30 =	simm.s32 $0x11C80  }
0x380: {  	[tilespmem:s30], [sflag:$0x2] =	stream.indirect_vreg.gather [hbm4b:s7+s3], $0x80, v6, vm0, $0xb8;
	[tilespmem:$0x18480] =	vst v63  }
0x381: {  	s31 =	simm.s32 $0x12480  }
0x382: {  	[tilespmem:s31], [sflag:$0x2] =	stream.indirect_vreg.gather [hbm4b:s1+s3], $0x80, v5, vm0, $0xb8;
	[tilespmem:$0x18480] =	vst v63  }
0x383: {  	s29 =	simm.s32 $0x12C80  }
0x384: {  	[tilespmem:s29], [sflag:$0x2] =	stream.indirect_vreg.gather [hbm4b:s5+s3], $0x80, v5, vm0, $0xb8;
	[tilespmem:$0x18480] =	vst v63  }
0x385: {  	s30 =	simm.s32 $0x13480  }
0x386: {  	[tilespmem:s30], [sflag:$0x2] =	stream.indirect_vreg.gather [hbm4b:s6+s3], $0x80, v5, vm0, $0xb8;
	[tilespmem:$0x18480] =	vst v63  }
0x387: {  	s31 =	simm.s32 $0x13C80  }
0x388: {  	[tilespmem:s31], [sflag:$0x2] =	stream.indirect_vreg.gather [hbm4b:s7+s3], $0x80, v5, vm0, $0xb8;
	[tilespmem:$0x18480] =	vst v63  }
0x389: {  	v5 =	vld [tilespmem:$0x3B0];
	_ =	sdelay $0x4  }
0x38a: {  	v6 =	vshll.u32 v5, $0x3  }
0x38b: {  	v5 =	vand.u32 $0x7, v5;
	v6 =	vand.u32 $0xFFFFFFC0, v6  }
0x38c: {  	v5 =	vor.u32 v5, v6  }
0x38d: {  	v6 =	vperm.xlane v5, v2;
	_ =	sdelay $0x1  }
0x38e: {  	v6 =	vadd.s32 v3, v6;
	_ =	sdelay $0x3  }
0x38f: {  	s2 =	simm.s32 $0x14480  }
0x390: {  	[tilespmem:s2], [sflag:$0x2] =	stream.indirect_vreg.gather [hbm4b:s1+s3], $0x80, v6, vm0, $0xb8;
	[tilespmem:$0x18480] =	vst v63  }
0x391: {  	s15 =	simm.s32 $0x14C80;
	v5 =	vperm.xlane v5, v4  }
0x392: {  	[tilespmem:s15], [sflag:$0x2] =	stream.indirect_vreg.gather [hbm4b:s5+s3], $0x80, v6, vm0, $0xb8;
	[tilespmem:$0x18480] =	vst v63  }
0x393: {  	s29 =	simm.s32 $0x15480;
	v5 =	vadd.s32 v3, v5  }
0x394: {  	[tilespmem:s29], [sflag:$0x2] =	stream.indirect_vreg.gather [hbm4b:s6+s3], $0x80, v6, vm0, $0xb8;
	[tilespmem:$0x18480] =	vst v63  }
0x395: {  	s30 =	simm.s32 $0x15C80  }
0x396: {  	[tilespmem:s30], [sflag:$0x2] =	stream.indirect_vreg.gather [hbm4b:s7+s3], $0x80, v6, vm0, $0xb8;
	[tilespmem:$0x18480] =	vst v63  }
0x397: {  	s31 =	simm.s32 $0x16480  }
0x398: {  	[tilespmem:s31], [sflag:$0x2] =	stream.indirect_vreg.gather [hbm4b:s1+s3], $0x80, v5, vm0, $0xb8;
	[tilespmem:$0x18480] =	vst v63  }
0x399: {  	s2 =	simm.s32 $0x16C80  }
0x39a: {  	[tilespmem:s2], [sflag:$0x2] =	stream.indirect_vreg.gather [hbm4b:s5+s3], $0x80, v5, vm0, $0xb8;
	[tilespmem:$0x18480] =	vst v63  }
0x39b: {  	s15 =	simm.s32 $0x17480  }
0x39c: {  	[tilespmem:s15], [sflag:$0x2] =	stream.indirect_vreg.gather [hbm4b:s6+s3], $0x80, v5, vm0, $0xb8;
	[tilespmem:$0x18480] =	vst v63  }
0x39d: {  	s29 =	simm.s32 $0x17C80  }
0x39e: {  	[tilespmem:s29], [sflag:$0x2] =	stream.indirect_vreg.gather [hbm4b:s7+s3], $0x80, v5, vm0, $0xb8;
	[tilespmem:$0x18480] =	vst v63  }
0x39f: {  	_ =	swait.ge [sflag:s11], $0xC000  }
0x3a0: {  	[sflag:s11] =	ssyncset.done $0x0  }
0x3a1: {  	s30 =	rddreg [dreg:$0xe];
	[sflag:s11] =	ssyncadd.s32 $0xFFFF4000  }
0x3a2: {  	[hbm4b:s30+s3] =	stream.linear.scatter [tilespmem:s26], [sflag:$0x3], $0xC000, $0x38;
	[tilespmem:$0x18480] =	vst v63  }
0x3a3: {  	_ =	swait.ge [sflag:s12], $0xC000  }
0x3a4: {  	[sflag:s12] =	ssyncset.done $0x0  }
0x3a5: {  	[sflag:s12] =	ssyncadd.s32 $0xFFFF4000  }
0x3a6: {  	v5 =	vld [tilespmem:$0x3C0];
	_ =	sdelay $0x4  }
0x3a7: {  	v6 =	vshll.u32 v5, $0x3  }
0x3a8: {  	v5 =	vand.u32 $0x7, v5;
	v6 =	vand.u32 $0xFFFFFFC0, v6  }
0x3a9: {  	v5 =	vor.u32 v5, v6  }
0x3aa: {  	v6 =	vperm.xlane v5, v2;
	_ =	sdelay $0x1  }
0x3ab: {  	v6 =	vadd.s32 v3, v6;
	_ =	sdelay $0x4  }
0x3ac: {  	[tilespmem:s26], [sflag:$0x1] =	stream.indirect_vreg.gather [hbm4b:s1+s3], $0x80, v6, vm0, $0xb8;
	[tilespmem:$0x18480] =	vst v63  }
0x3ad: {  	s31 =	simm.s32 $0xC80;
	v5 =	vperm.xlane v5, v4  }
0x3ae: {  	[tilespmem:s31], [sflag:$0x1] =	stream.indirect_vreg.gather [hbm4b:s5+s3], $0x80, v6, vm0, $0xb8;
	[tilespmem:$0x18480] =	vst v63  }
0x3af: {  	s2 =	simm.s32 $0x1480;
	v5 =	vadd.s32 v3, v5  }
0x3b0: {  	[tilespmem:s2], [sflag:$0x1] =	stream.indirect_vreg.gather [hbm4b:s6+s3], $0x80, v6, vm0, $0xb8;
	[tilespmem:$0x18480] =	vst v63  }
0x3b1: {  	s15 =	simm.s32 $0x1C80  }
0x3b2: {  	[tilespmem:s15], [sflag:$0x1] =	stream.indirect_vreg.gather [hbm4b:s7+s3], $0x80, v6, vm0, $0xb8;
	[tilespmem:$0x18480] =	vst v63  }
0x3b3: {  	s4 =	simm.s32 $0x2480  }
0x3b4: {  	[tilespmem:s4], [sflag:$0x1] =	stream.indirect_vreg.gather [hbm4b:s1+s3], $0x80, v5, vm0, $0xb8;
	[tilespmem:$0x18480] =	vst v63  }
0x3b5: {  	s8 =	simm.s32 $0x2C80  }
0x3b6: {  	[tilespmem:s8], [sflag:$0x1] =	stream.indirect_vreg.gather [hbm4b:s5+s3], $0x80, v5, vm0, $0xb8;
	[tilespmem:$0x18480] =	vst v63  }
0x3b7: {  	s9 =	simm.s32 $0x3480  }
0x3b8: {  	[tilespmem:s9], [sflag:$0x1] =	stream.indirect_vreg.gather [hbm4b:s6+s3], $0x80, v5, vm0, $0xb8;
	[tilespmem:$0x18480] =	vst v63  }
0x3b9: {  	s29 =	simm.s32 $0x3C80  }
0x3ba: {  	[tilespmem:s29], [sflag:$0x1] =	stream.indirect_vreg.gather [hbm4b:s7+s3], $0x80, v5, vm0, $0xb8;
	[tilespmem:$0x18480] =	vst v63  }
0x3bb: {  	v5 =	vld [tilespmem:$0x3D0];
	_ =	sdelay $0x4  }
0x3bc: {  	v6 =	vshll.u32 v5, $0x3  }
0x3bd: {  	v5 =	vand.u32 $0x7, v5;
	v6 =	vand.u32 $0xFFFFFFC0, v6  }
0x3be: {  	v5 =	vor.u32 v5, v6  }
0x3bf: {  	v6 =	vperm.xlane v5, v2;
	_ =	sdelay $0x1  }
0x3c0: {  	v6 =	vadd.s32 v3, v6;
	_ =	sdelay $0x3  }
0x3c1: {  	s30 =	simm.s32 $0x4480  }
0x3c2: {  	[tilespmem:s30], [sflag:$0x1] =	stream.indirect_vreg.gather [hbm4b:s1+s3], $0x80, v6, vm0, $0xb8;
	[tilespmem:$0x18480] =	vst v63  }
0x3c3: {  	s31 =	simm.s32 $0x4C80;
	v5 =	vperm.xlane v5, v4  }
0x3c4: {  	[tilespmem:s31], [sflag:$0x1] =	stream.indirect_vreg.gather [hbm4b:s5+s3], $0x80, v6, vm0, $0xb8;
	[tilespmem:$0x18480] =	vst v63  }
0x3c5: {  	s10 =	simm.s32 $0x5480;
	v5 =	vadd.s32 v3, v5  }
0x3c6: {  	[tilespmem:s10], [sflag:$0x1] =	stream.indirect_vreg.gather [hbm4b:s6+s3], $0x80, v6, vm0, $0xb8;
	[tilespmem:$0x18480] =	vst v63  }
0x3c7: {  	s16 =	simm.s32 $0x5C80  }
0x3c8: {  	[tilespmem:s16], [sflag:$0x1] =	stream.indirect_vreg.gather [hbm4b:s7+s3], $0x80, v6, vm0, $0xb8;
	[tilespmem:$0x18480] =	vst v63  }
0x3c9: {  	s17 =	simm.s32 $0x6480  }
0x3ca: {  	[tilespmem:s17], [sflag:$0x1] =	stream.indirect_vreg.gather [hbm4b:s1+s3], $0x80, v5, vm0, $0xb8;
	[tilespmem:$0x18480] =	vst v63  }
0x3cb: {  	s18 =	simm.s32 $0x6C80  }
0x3cc: {  	[tilespmem:s18], [sflag:$0x1] =	stream.indirect_vreg.gather [hbm4b:s5+s3], $0x80, v5, vm0, $0xb8;
	[tilespmem:$0x18480] =	vst v63  }
0x3cd: {  	s19 =	simm.s32 $0x7480  }
0x3ce: {  	[tilespmem:s19], [sflag:$0x1] =	stream.indirect_vreg.gather [hbm4b:s6+s3], $0x80, v5, vm0, $0xb8;
	[tilespmem:$0x18480] =	vst v63  }
0x3cf: {  	s29 =	simm.s32 $0x7C80  }
0x3d0: {  	[tilespmem:s29], [sflag:$0x1] =	stream.indirect_vreg.gather [hbm4b:s7+s3], $0x80, v5, vm0, $0xb8;
	[tilespmem:$0x18480] =	vst v63  }
0x3d1: {  	v5 =	vld [tilespmem:$0x3E0];
	_ =	sdelay $0x4  }
0x3d2: {  	v6 =	vshll.u32 v5, $0x3  }
0x3d3: {  	v5 =	vand.u32 $0x7, v5;
	v6 =	vand.u32 $0xFFFFFFC0, v6  }
0x3d4: {  	v5 =	vor.u32 v5, v6  }
0x3d5: {  	v6 =	vperm.xlane v5, v2;
	_ =	sdelay $0x1  }
0x3d6: {  	v6 =	vadd.s32 v3, v6;
	_ =	sdelay $0x3  }
0x3d7: {  	s30 =	simm.s32 $0x8480  }
0x3d8: {  	[tilespmem:s30], [sflag:$0x1] =	stream.indirect_vreg.gather [hbm4b:s1+s3], $0x80, v6, vm0, $0xb8;
	[tilespmem:$0x18480] =	vst v63  }
0x3d9: {  	s31 =	simm.s32 $0x8C80;
	v5 =	vperm.xlane v5, v4  }
0x3da: {  	[tilespmem:s31], [sflag:$0x1] =	stream.indirect_vreg.gather [hbm4b:s5+s3], $0x80, v6, vm0, $0xb8;
	[tilespmem:$0x18480] =	vst v63  }
0x3db: {  	s20 =	simm.s32 $0x9480;
	v5 =	vadd.s32 v3, v5  }
0x3dc: {  	[tilespmem:s20], [sflag:$0x1] =	stream.indirect_vreg.gather [hbm4b:s6+s3], $0x80, v6, vm0, $0xb8;
	[tilespmem:$0x18480] =	vst v63  }
0x3dd: {  	s21 =	simm.s32 $0x9C80  }
0x3de: {  	[tilespmem:s21], [sflag:$0x1] =	stream.indirect_vreg.gather [hbm4b:s7+s3], $0x80, v6, vm0, $0xb8;
	[tilespmem:$0x18480] =	vst v63  }
0x3df: {  	s22 =	simm.s32 $0xA480  }
0x3e0: {  	[tilespmem:s22], [sflag:$0x1] =	stream.indirect_vreg.gather [hbm4b:s1+s3], $0x80, v5, vm0, $0xb8;
	[tilespmem:$0x18480] =	vst v63  }
0x3e1: {  	s23 =	simm.s32 $0xAC80  }
0x3e2: {  	[tilespmem:s23], [sflag:$0x1] =	stream.indirect_vreg.gather [hbm4b:s5+s3], $0x80, v5, vm0, $0xb8;
	[tilespmem:$0x18480] =	vst v63  }
0x3e3: {  	s24 =	simm.s32 $0xB480  }
0x3e4: {  	[tilespmem:s24], [sflag:$0x1] =	stream.indirect_vreg.gather [hbm4b:s6+s3], $0x80, v5, vm0, $0xb8;
	[tilespmem:$0x18480] =	vst v63  }
0x3e5: {  	s29 =	simm.s32 $0xBC80  }
0x3e6: {  	[tilespmem:s29], [sflag:$0x1] =	stream.indirect_vreg.gather [hbm4b:s7+s3], $0x80, v5, vm0, $0xb8;
	[tilespmem:$0x18480] =	vst v63  }
0x3e7: {  	_ =	swait.ge [sflag:s13], $0xC000  }
0x3e8: {  	[sflag:s13] =	ssyncset.done $0x0  }
0x3e9: {  	s30 =	rddreg [dreg:$0xf];
	[sflag:s13] =	ssyncadd.s32 $0xFFFF4000  }
0x3ea: {  	[hbm4b:s30+s3] =	stream.linear.scatter [tilespmem:s25], [sflag:$0x4], $0xC000, $0x38;
	[tilespmem:$0x18480] =	vst v63  }
0x3eb: {  	_ =	swait.ge [sflag:s14], $0xC000  }
0x3ec: {  	[sflag:s14] =	ssyncset.done $0x0  }
0x3ed: {  	[sflag:s14] =	ssyncadd.s32 $0xFFFF4000  }
0x3ee: {  	v5 =	vld [tilespmem:$0x3F0];
	_ =	sdelay $0x4  }
0x3ef: {  	v6 =	vshll.u32 v5, $0x3  }
0x3f0: {  	v5 =	vand.u32 $0x7, v5;
	v6 =	vand.u32 $0xFFFFFFC0, v6  }
0x3f1: {  	v5 =	vor.u32 v5, v6  }
0x3f2: {  	v6 =	vperm.xlane v5, v2;
	_ =	sdelay $0x1  }
0x3f3: {  	v6 =	vadd.s32 v3, v6;
	_ =	sdelay $0x4  }
0x3f4: {  	[tilespmem:s25], [sflag:$0x2] =	stream.indirect_vreg.gather [hbm4b:s1+s3], $0x80, v6, vm0, $0xb8;
	[tilespmem:$0x18480] =	vst v63  }
0x3f5: {  	s31 =	simm.s32 $0xCC80;
	v5 =	vperm.xlane v5, v4  }
0x3f6: {  	[tilespmem:s31], [sflag:$0x2] =	stream.indirect_vreg.gather [hbm4b:s5+s3], $0x80, v6, vm0, $0xb8;
	[tilespmem:$0x18480] =	vst v63  }
0x3f7: {  	s28 =	simm.s32 $0xD480;
	v5 =	vadd.s32 v3, v5  }
0x3f8: {  	[tilespmem:s28], [sflag:$0x2] =	stream.indirect_vreg.gather [hbm4b:s6+s3], $0x80, v6, vm0, $0xb8;
	[tilespmem:$0x18480] =	vst v63  }
0x3f9: {  	s29 =	simm.s32 $0xDC80  }
0x3fa: {  	[tilespmem:s29], [sflag:$0x2] =	stream.indirect_vreg.gather [hbm4b:s7+s3], $0x80, v6, vm0, $0xb8;
	[tilespmem:$0x18480] =	vst v63  }
0x3fb: {  	s30 =	simm.s32 $0xE480  }
0x3fc: {  	[tilespmem:s30], [sflag:$0x2] =	stream.indirect_vreg.gather [hbm4b:s1+s3], $0x80, v5, vm0, $0xb8;
	[tilespmem:$0x18480] =	vst v63  }
0x3fd: {  	s31 =	simm.s32 $0xEC80  }
0x3fe: {  	[tilespmem:s31], [sflag:$0x2] =	stream.indirect_vreg.gather [hbm4b:s5+s3], $0x80, v5, vm0, $0xb8;
	[tilespmem:$0x18480] =	vst v63  }
0x3ff: {  	s15 =	simm.s32 $0xF480  }
0x400: {  	[tilespmem:s15], [sflag:$0x2] =	stream.indirect_vreg.gather [hbm4b:s6+s3], $0x80, v5, vm0, $0xb8;
	[tilespmem:$0x18480] =	vst v63  }
0x401: {  	s15 =	simm.s32 $0xFC80  }
0x402: {  	[tilespmem:s15], [sflag:$0x2] =	stream.indirect_vreg.gather [hbm4b:s7+s3], $0x80, v5, vm0, $0xb8;
	[tilespmem:$0x18480] =	vst v63  }
0x403: {  	v5 =	vld [tilespmem:$0x400];
	_ =	sdelay $0x4  }
0x404: {  	v6 =	vshll.u32 v5, $0x3  }
0x405: {  	v5 =	vand.u32 $0x7, v5;
	v6 =	vand.u32 $0xFFFFFFC0, v6  }
0x406: {  	v5 =	vor.u32 v5, v6  }
0x407: {  	v6 =	vperm.xlane v5, v2;
	_ =	sdelay $0x1  }
0x408: {  	v6 =	vadd.s32 v3, v6;
	_ =	sdelay $0x3  }
0x409: {  	s15 =	simm.s32 $0x10480  }
0x40a: {  	[tilespmem:s15], [sflag:$0x2] =	stream.indirect_vreg.gather [hbm4b:s1+s3], $0x80, v6, vm0, $0xb8;
	[tilespmem:$0x18480] =	vst v63  }
0x40b: {  	v5 =	vperm.xlane v5, v4;
	s15 =	simm.s32 $0x10C80  }
0x40c: {  	[tilespmem:s15], [sflag:$0x2] =	stream.indirect_vreg.gather [hbm4b:s5+s3], $0x80, v6, vm0, $0xb8;
	[tilespmem:$0x18480] =	vst v63  }
0x40d: {  	v5 =	vadd.s32 v3, v5;
	s15 =	simm.s32 $0x11480  }
0x40e: {  	[tilespmem:s15], [sflag:$0x2] =	stream.indirect_vreg.gather [hbm4b:s6+s3], $0x80, v6, vm0, $0xb8;
	[tilespmem:$0x18480] =	vst v63  }
0x40f: {  	s15 =	simm.s32 $0x11C80  }
0x410: {  	[tilespmem:s15], [sflag:$0x2] =	stream.indirect_vreg.gather [hbm4b:s7+s3], $0x80, v6, vm0, $0xb8;
	[tilespmem:$0x18480] =	vst v63  }
0x411: {  	s15 =	simm.s32 $0x12480  }
0x412: {  	[tilespmem:s15], [sflag:$0x2] =	stream.indirect_vreg.gather [hbm4b:s1+s3], $0x80, v5, vm0, $0xb8;
	[tilespmem:$0x18480] =	vst v63  }
0x413: {  	s15 =	simm.s32 $0x12C80  }
0x414: {  	[tilespmem:s15], [sflag:$0x2] =	stream.indirect_vreg.gather [hbm4b:s5+s3], $0x80, v5, vm0, $0xb8;
	[tilespmem:$0x18480] =	vst v63  }
0x415: {  	s15 =	simm.s32 $0x13480  }
0x416: {  	[tilespmem:s15], [sflag:$0x2] =	stream.indirect_vreg.gather [hbm4b:s6+s3], $0x80, v5, vm0, $0xb8;
	[tilespmem:$0x18480] =	vst v63  }
0x417: {  	s15 =	simm.s32 $0x13C80  }
0x418: {  	[tilespmem:s15], [sflag:$0x2] =	stream.indirect_vreg.gather [hbm4b:s7+s3], $0x80, v5, vm0, $0xb8;
	[tilespmem:$0x18480] =	vst v63  }
0x419: {  	v5 =	vld [tilespmem:$0x410];
	_ =	sdelay $0x4  }
0x41a: {  	v6 =	vshll.u32 v5, $0x3  }
0x41b: {  	v5 =	vand.u32 $0x7, v5;
	v6 =	vand.u32 $0xFFFFFFC0, v6  }
0x41c: {  	v5 =	vor.u32 v5, v6  }
0x41d: {  	v6 =	vperm.xlane v5, v2;
	_ =	sdelay $0x1  }
0x41e: {  	v6 =	vadd.s32 v3, v6;
	_ =	sdelay $0x3  }
0x41f: {  	s15 =	simm.s32 $0x14480  }
0x420: {  	[tilespmem:s15], [sflag:$0x2] =	stream.indirect_vreg.gather [hbm4b:s1+s3], $0x80, v6, vm0, $0xb8;
	[tilespmem:$0x18480] =	vst v63  }
0x421: {  	v5 =	vperm.xlane v5, v4;
	s15 =	simm.s32 $0x14C80  }
0x422: {  	[tilespmem:s15], [sflag:$0x2] =	stream.indirect_vreg.gather [hbm4b:s5+s3], $0x80, v6, vm0, $0xb8;
	[tilespmem:$0x18480] =	vst v63  }
0x423: {  	v5 =	vadd.s32 v3, v5;
	s15 =	simm.s32 $0x15480  }
0x424: {  	[tilespmem:s15], [sflag:$0x2] =	stream.indirect_vreg.gather [hbm4b:s6+s3], $0x80, v6, vm0, $0xb8;
	[tilespmem:$0x18480] =	vst v63  }
0x425: {  	s15 =	simm.s32 $0x15C80  }
0x426: {  	[tilespmem:s15], [sflag:$0x2] =	stream.indirect_vreg.gather [hbm4b:s7+s3], $0x80, v6, vm0, $0xb8;
	[tilespmem:$0x18480] =	vst v63  }
0x427: {  	s15 =	simm.s32 $0x16480  }
0x428: {  	[tilespmem:s15], [sflag:$0x2] =	stream.indirect_vreg.gather [hbm4b:s1+s3], $0x80, v5, vm0, $0xb8;
	[tilespmem:$0x18480] =	vst v63  }
0x429: {  	s15 =	simm.s32 $0x16C80  }
0x42a: {  	[tilespmem:s15], [sflag:$0x2] =	stream.indirect_vreg.gather [hbm4b:s5+s3], $0x80, v5, vm0, $0xb8;
	[tilespmem:$0x18480] =	vst v63  }
0x42b: {  	s15 =	simm.s32 $0x17480  }
0x42c: {  	[tilespmem:s15], [sflag:$0x2] =	stream.indirect_vreg.gather [hbm4b:s6+s3], $0x80, v5, vm0, $0xb8;
	[tilespmem:$0x18480] =	vst v63  }
0x42d: {  	s15 =	simm.s32 $0x17C80  }
0x42e: {  	[tilespmem:s15], [sflag:$0x2] =	stream.indirect_vreg.gather [hbm4b:s7+s3], $0x80, v5, vm0, $0xb8;
	[tilespmem:$0x18480] =	vst v63  }
0x42f: {  	_ =	swait.ge [sflag:s11], $0xC000  }
0x430: {  	[sflag:s11] =	ssyncset.done $0x0  }
0x431: {  	s15 =	rddreg [dreg:$0x10];
	[sflag:s11] =	ssyncadd.s32 $0xFFFF4000  }
0x432: {  	[hbm4b:s15+s3] =	stream.linear.scatter [tilespmem:s26], [sflag:$0x3], $0xC000, $0x38;
	[tilespmem:$0x18480] =	vst v63  }
0x433: {  	_ =	swait.ge [sflag:s12], $0xC000  }
0x434: {  	[sflag:s12] =	ssyncset.done $0x0  }
0x435: {  	[sflag:s12] =	ssyncadd.s32 $0xFFFF4000  }
0x436: {  	v5 =	vld [tilespmem:$0x420];
	_ =	sdelay $0x4  }
0x437: {  	v6 =	vshll.u32 v5, $0x3  }
0x438: {  	v5 =	vand.u32 $0x7, v5;
	v6 =	vand.u32 $0xFFFFFFC0, v6  }
0x439: {  	v5 =	vor.u32 v5, v6  }
0x43a: {  	v6 =	vperm.xlane v5, v2;
	_ =	sdelay $0x1  }
0x43b: {  	v6 =	vadd.s32 v3, v6;
	_ =	sdelay $0x4  }
0x43c: {  	[tilespmem:s26], [sflag:$0x1] =	stream.indirect_vreg.gather [hbm4b:s1+s3], $0x80, v6, vm0, $0xb8;
	[tilespmem:$0x18480] =	vst v63  }
0x43d: {  	s15 =	simm.s32 $0xC80;
	v5 =	vperm.xlane v5, v4  }
0x43e: {  	[tilespmem:s15], [sflag:$0x1] =	stream.indirect_vreg.gather [hbm4b:s5+s3], $0x80, v6, vm0, $0xb8;
	[tilespmem:$0x18480] =	vst v63  }
0x43f: {  	s0 =	simm.s32 $0x1480;
	v5 =	vadd.s32 v3, v5  }
0x440: {  	[tilespmem:s0], [sflag:$0x1] =	stream.indirect_vreg.gather [hbm4b:s6+s3], $0x80, v6, vm0, $0xb8;
	[tilespmem:$0x18480] =	vst v63  }
0x441: {  	s2 =	simm.s32 $0x1C80  }
0x442: {  	[tilespmem:s2], [sflag:$0x1] =	stream.indirect_vreg.gather [hbm4b:s7+s3], $0x80, v6, vm0, $0xb8;
	[tilespmem:$0x18480] =	vst v63  }
0x443: {  	s4 =	simm.s32 $0x2480  }
0x444: {  	[tilespmem:s4], [sflag:$0x1] =	stream.indirect_vreg.gather [hbm4b:s1+s3], $0x80, v5, vm0, $0xb8;
	[tilespmem:$0x18480] =	vst v63  }
0x445: {  	s8 =	simm.s32 $0x2C80  }
0x446: {  	[tilespmem:s8], [sflag:$0x1] =	stream.indirect_vreg.gather [hbm4b:s5+s3], $0x80, v5, vm0, $0xb8;
	[tilespmem:$0x18480] =	vst v63  }
0x447: {  	s9 =	simm.s32 $0x3480  }
0x448: {  	[tilespmem:s9], [sflag:$0x1] =	stream.indirect_vreg.gather [hbm4b:s6+s3], $0x80, v5, vm0, $0xb8;
	[tilespmem:$0x18480] =	vst v63  }
0x449: {  	s8 =	simm.s32 $0x3C80  }
0x44a: {  	[tilespmem:s8], [sflag:$0x1] =	stream.indirect_vreg.gather [hbm4b:s7+s3], $0x80, v5, vm0, $0xb8;
	[tilespmem:$0x18480] =	vst v63  }
0x44b: {  	v5 =	vld [tilespmem:$0x430];
	_ =	sdelay $0x4  }
0x44c: {  	v6 =	vshll.u32 v5, $0x3  }
0x44d: {  	v5 =	vand.u32 $0x7, v5;
	v6 =	vand.u32 $0xFFFFFFC0, v6  }
0x44e: {  	v5 =	vor.u32 v5, v6  }
0x44f: {  	v6 =	vperm.xlane v5, v2;
	_ =	sdelay $0x1  }
0x450: {  	v6 =	vadd.s32 v3, v6;
	_ =	sdelay $0x3  }
0x451: {  	s9 =	simm.s32 $0x4480  }
0x452: {  	[tilespmem:s9], [sflag:$0x1] =	stream.indirect_vreg.gather [hbm4b:s1+s3], $0x80, v6, vm0, $0xb8;
	[tilespmem:$0x18480] =	vst v63  }
0x453: {  	s15 =	simm.s32 $0x4C80;
	v5 =	vperm.xlane v5, v4  }
0x454: {  	[tilespmem:s15], [sflag:$0x1] =	stream.indirect_vreg.gather [hbm4b:s5+s3], $0x80, v6, vm0, $0xb8;
	[tilespmem:$0x18480] =	vst v63  }
0x455: {  	s10 =	simm.s32 $0x5480;
	v5 =	vadd.s32 v3, v5  }
0x456: {  	[tilespmem:s10], [sflag:$0x1] =	stream.indirect_vreg.gather [hbm4b:s6+s3], $0x80, v6, vm0, $0xb8;
	[tilespmem:$0x18480] =	vst v63  }
0x457: {  	s16 =	simm.s32 $0x5C80  }
0x458: {  	[tilespmem:s16], [sflag:$0x1] =	stream.indirect_vreg.gather [hbm4b:s7+s3], $0x80, v6, vm0, $0xb8;
	[tilespmem:$0x18480] =	vst v63  }
0x459: {  	s17 =	simm.s32 $0x6480  }
0x45a: {  	[tilespmem:s17], [sflag:$0x1] =	stream.indirect_vreg.gather [hbm4b:s1+s3], $0x80, v5, vm0, $0xb8;
	[tilespmem:$0x18480] =	vst v63  }
0x45b: {  	s18 =	simm.s32 $0x6C80  }
0x45c: {  	[tilespmem:s18], [sflag:$0x1] =	stream.indirect_vreg.gather [hbm4b:s5+s3], $0x80, v5, vm0, $0xb8;
	[tilespmem:$0x18480] =	vst v63  }
0x45d: {  	s19 =	simm.s32 $0x7480  }
0x45e: {  	[tilespmem:s19], [sflag:$0x1] =	stream.indirect_vreg.gather [hbm4b:s6+s3], $0x80, v5, vm0, $0xb8;
	[tilespmem:$0x18480] =	vst v63  }
0x45f: {  	s17 =	simm.s32 $0x7C80  }
0x460: {  	[tilespmem:s17], [sflag:$0x1] =	stream.indirect_vreg.gather [hbm4b:s7+s3], $0x80, v5, vm0, $0xb8;
	[tilespmem:$0x18480] =	vst v63  }
0x461: {  	v5 =	vld [tilespmem:$0x440];
	_ =	sdelay $0x4  }
0x462: {  	v6 =	vshll.u32 v5, $0x3  }
0x463: {  	v5 =	vand.u32 $0x7, v5;
	v6 =	vand.u32 $0xFFFFFFC0, v6  }
0x464: {  	v5 =	vor.u32 v5, v6  }
0x465: {  	v6 =	vperm.xlane v5, v2;
	_ =	sdelay $0x1  }
0x466: {  	v6 =	vadd.s32 v3, v6;
	_ =	sdelay $0x3  }
0x467: {  	s18 =	simm.s32 $0x8480  }
0x468: {  	[tilespmem:s18], [sflag:$0x1] =	stream.indirect_vreg.gather [hbm4b:s1+s3], $0x80, v6, vm0, $0xb8;
	[tilespmem:$0x18480] =	vst v63  }
0x469: {  	s19 =	simm.s32 $0x8C80;
	v5 =	vperm.xlane v5, v4  }
0x46a: {  	[tilespmem:s19], [sflag:$0x1] =	stream.indirect_vreg.gather [hbm4b:s5+s3], $0x80, v6, vm0, $0xb8;
	[tilespmem:$0x18480] =	vst v63  }
0x46b: {  	s20 =	simm.s32 $0x9480;
	v5 =	vadd.s32 v3, v5  }
0x46c: {  	[tilespmem:s20], [sflag:$0x1] =	stream.indirect_vreg.gather [hbm4b:s6+s3], $0x80, v6, vm0, $0xb8;
	[tilespmem:$0x18480] =	vst v63  }
0x46d: {  	s21 =	simm.s32 $0x9C80  }
0x46e: {  	[tilespmem:s21], [sflag:$0x1] =	stream.indirect_vreg.gather [hbm4b:s7+s3], $0x80, v6, vm0, $0xb8;
	[tilespmem:$0x18480] =	vst v63  }
0x46f: {  	s22 =	simm.s32 $0xA480  }
0x470: {  	[tilespmem:s22], [sflag:$0x1] =	stream.indirect_vreg.gather [hbm4b:s1+s3], $0x80, v5, vm0, $0xb8;
	[tilespmem:$0x18480] =	vst v63  }
0x471: {  	s23 =	simm.s32 $0xAC80  }
0x472: {  	[tilespmem:s23], [sflag:$0x1] =	stream.indirect_vreg.gather [hbm4b:s5+s3], $0x80, v5, vm0, $0xb8;
	[tilespmem:$0x18480] =	vst v63  }
0x473: {  	s24 =	simm.s32 $0xB480  }
0x474: {  	[tilespmem:s24], [sflag:$0x1] =	stream.indirect_vreg.gather [hbm4b:s6+s3], $0x80, v5, vm0, $0xb8;
	[tilespmem:$0x18480] =	vst v63  }
0x475: {  	s22 =	simm.s32 $0xBC80  }
0x476: {  	[tilespmem:s22], [sflag:$0x1] =	stream.indirect_vreg.gather [hbm4b:s7+s3], $0x80, v5, vm0, $0xb8;
	[tilespmem:$0x18480] =	vst v63  }
0x477: {  	_ =	swait.ge [sflag:s13], $0xC000  }
0x478: {  	[sflag:s13] =	ssyncset.done $0x0  }
0x479: {  	s23 =	rddreg [dreg:$0x11];
	[sflag:s13] =	ssyncadd.s32 $0xFFFF4000  }
0x47a: {  	[hbm4b:s23+s3] =	stream.linear.scatter [tilespmem:s25], [sflag:$0x4], $0xC000, $0x38;
	[tilespmem:$0x18480] =	vst v63  }
0x47b: {  	_ =	swait.ge [sflag:s14], $0xC000  }
0x47c: {  	[sflag:s14] =	ssyncset.done $0x0  }
0x47d: {  	[sflag:s14] =	ssyncadd.s32 $0xFFFF4000  }
0x47e: {  	v5 =	vld [tilespmem:$0x450];
	_ =	sdelay $0x4  }
0x47f: {  	v6 =	vshll.u32 v5, $0x3  }
0x480: {  	v5 =	vand.u32 $0x7, v5;
	v6 =	vand.u32 $0xFFFFFFC0, v6  }
0x481: {  	v5 =	vor.u32 v5, v6  }
0x482: {  	v6 =	vperm.xlane v5, v2;
	_ =	sdelay $0x1  }
0x483: {  	v6 =	vadd.s32 v3, v6;
	_ =	sdelay $0x4  }
0x484: {  	[tilespmem:s25], [sflag:$0x2] =	stream.indirect_vreg.gather [hbm4b:s1+s3], $0x80, v6, vm0, $0xb8;
	[tilespmem:$0x18480] =	vst v63  }
0x485: {  	s24 =	simm.s32 $0xCC80;
	v5 =	vperm.xlane v5, v4  }
0x486: {  	[tilespmem:s24], [sflag:$0x2] =	stream.indirect_vreg.gather [hbm4b:s5+s3], $0x80, v6, vm0, $0xb8;
	[tilespmem:$0x18480] =	vst v63  }
0x487: {  	s28 =	simm.s32 $0xD480;
	v5 =	vadd.s32 v3, v5  }
0x488: {  	[tilespmem:s28], [sflag:$0x2] =	stream.indirect_vreg.gather [hbm4b:s6+s3], $0x80, v6, vm0, $0xb8;
	[tilespmem:$0x18480] =	vst v63  }
0x489: {  	s29 =	simm.s32 $0xDC80  }
0x48a: {  	[tilespmem:s29], [sflag:$0x2] =	stream.indirect_vreg.gather [hbm4b:s7+s3], $0x80, v6, vm0, $0xb8;
	[tilespmem:$0x18480] =	vst v63  }
0x48b: {  	s30 =	simm.s32 $0xE480  }
0x48c: {  	[tilespmem:s30], [sflag:$0x2] =	stream.indirect_vreg.gather [hbm4b:s1+s3], $0x80, v5, vm0, $0xb8;
	[tilespmem:$0x18480] =	vst v63  }
0x48d: {  	s31 =	simm.s32 $0xEC80  }
0x48e: {  	[tilespmem:s31], [sflag:$0x2] =	stream.indirect_vreg.gather [hbm4b:s5+s3], $0x80, v5, vm0, $0xb8;
	[tilespmem:$0x18480] =	vst v63  }
0x48f: {  	s30 =	simm.s32 $0xF480  }
0x490: {  	[tilespmem:s30], [sflag:$0x2] =	stream.indirect_vreg.gather [hbm4b:s6+s3], $0x80, v5, vm0, $0xb8;
	[tilespmem:$0x18480] =	vst v63  }
0x491: {  	s31 =	simm.s32 $0xFC80  }
0x492: {  	[tilespmem:s31], [sflag:$0x2] =	stream.indirect_vreg.gather [hbm4b:s7+s3], $0x80, v5, vm0, $0xb8;
	[tilespmem:$0x18480] =	vst v63  }
0x493: {  	v5 =	vld [tilespmem:$0x460];
	_ =	sdelay $0x4  }
0x494: {  	v6 =	vshll.u32 v5, $0x3  }
0x495: {  	v5 =	vand.u32 $0x7, v5;
	v6 =	vand.u32 $0xFFFFFFC0, v6  }
0x496: {  	v5 =	vor.u32 v5, v6  }
0x497: {  	v6 =	vperm.xlane v5, v2;
	_ =	sdelay $0x1  }
0x498: {  	v6 =	vadd.s32 v3, v6;
	_ =	sdelay $0x3  }
0x499: {  	s4 =	simm.s32 $0x10480  }
0x49a: {  	[tilespmem:s4], [sflag:$0x2] =	stream.indirect_vreg.gather [hbm4b:s1+s3], $0x80, v6, vm0, $0xb8;
	[tilespmem:$0x18480] =	vst v63  }
0x49b: {  	s8 =	simm.s32 $0x10C80;
	v5 =	vperm.xlane v5, v4  }
0x49c: {  	[tilespmem:s8], [sflag:$0x2] =	stream.indirect_vreg.gather [hbm4b:s5+s3], $0x80, v6, vm0, $0xb8;
	[tilespmem:$0x18480] =	vst v63  }
0x49d: {  	s9 =	simm.s32 $0x11480;
	v5 =	vadd.s32 v3, v5  }
0x49e: {  	[tilespmem:s9], [sflag:$0x2] =	stream.indirect_vreg.gather [hbm4b:s6+s3], $0x80, v6, vm0, $0xb8;
	[tilespmem:$0x18480] =	vst v63  }
0x49f: {  	s10 =	simm.s32 $0x11C80  }
0x4a0: {  	[tilespmem:s10], [sflag:$0x2] =	stream.indirect_vreg.gather [hbm4b:s7+s3], $0x80, v6, vm0, $0xb8;
	[tilespmem:$0x18480] =	vst v63  }
0x4a1: {  	s15 =	simm.s32 $0x12480  }
0x4a2: {  	[tilespmem:s15], [sflag:$0x2] =	stream.indirect_vreg.gather [hbm4b:s1+s3], $0x80, v5, vm0, $0xb8;
	[tilespmem:$0x18480] =	vst v63  }
0x4a3: {  	s16 =	simm.s32 $0x12C80  }
0x4a4: {  	[tilespmem:s16], [sflag:$0x2] =	stream.indirect_vreg.gather [hbm4b:s5+s3], $0x80, v5, vm0, $0xb8;
	[tilespmem:$0x18480] =	vst v63  }
0x4a5: {  	s17 =	simm.s32 $0x13480  }
0x4a6: {  	[tilespmem:s17], [sflag:$0x2] =	stream.indirect_vreg.gather [hbm4b:s6+s3], $0x80, v5, vm0, $0xb8;
	[tilespmem:$0x18480] =	vst v63  }
0x4a7: {  	s18 =	simm.s32 $0x13C80  }
0x4a8: {  	[tilespmem:s18], [sflag:$0x2] =	stream.indirect_vreg.gather [hbm4b:s7+s3], $0x80, v5, vm0, $0xb8;
	[tilespmem:$0x18480] =	vst v63  }
0x4a9: {  	v5 =	vld [tilespmem:$0x470];
	_ =	sdelay $0x4  }
0x4aa: {  	v6 =	vshll.u32 v5, $0x3  }
0x4ab: {  	v5 =	vand.u32 $0x7, v5;
	v6 =	vand.u32 $0xFFFFFFC0, v6  }
0x4ac: {  	v5 =	vor.u32 v5, v6  }
0x4ad: {  	v6 =	vperm.xlane v5, v2;
	_ =	sdelay $0x1  }
0x4ae: {  	v6 =	vadd.s32 v3, v6;
	_ =	sdelay $0x3  }
0x4af: {  	s19 =	simm.s32 $0x14480  }
0x4b0: {  	[tilespmem:s19], [sflag:$0x2] =	stream.indirect_vreg.gather [hbm4b:s1+s3], $0x80, v6, vm0, $0xb8;
	[tilespmem:$0x18480] =	vst v63  }
0x4b1: {  	s20 =	simm.s32 $0x14C80;
	v5 =	vperm.xlane v5, v4  }
0x4b2: {  	[tilespmem:s20], [sflag:$0x2] =	stream.indirect_vreg.gather [hbm4b:s5+s3], $0x80, v6, vm0, $0xb8;
	[tilespmem:$0x18480] =	vst v63  }
0x4b3: {  	s21 =	simm.s32 $0x15480;
	v5 =	vadd.s32 v3, v5  }
0x4b4: {  	[tilespmem:s21], [sflag:$0x2] =	stream.indirect_vreg.gather [hbm4b:s6+s3], $0x80, v6, vm0, $0xb8;
	[tilespmem:$0x18480] =	vst v63  }
0x4b5: {  	s22 =	simm.s32 $0x15C80  }
0x4b6: {  	[tilespmem:s22], [sflag:$0x2] =	stream.indirect_vreg.gather [hbm4b:s7+s3], $0x80, v6, vm0, $0xb8;
	[tilespmem:$0x18480] =	vst v63  }
0x4b7: {  	s23 =	simm.s32 $0x16480  }
0x4b8: {  	[tilespmem:s23], [sflag:$0x2] =	stream.indirect_vreg.gather [hbm4b:s1+s3], $0x80, v5, vm0, $0xb8;
	[tilespmem:$0x18480] =	vst v63  }
0x4b9: {  	s24 =	simm.s32 $0x16C80  }
0x4ba: {  	[tilespmem:s24], [sflag:$0x2] =	stream.indirect_vreg.gather [hbm4b:s5+s3], $0x80, v5, vm0, $0xb8;
	[tilespmem:$0x18480] =	vst v63  }
0x4bb: {  	s28 =	simm.s32 $0x17480  }
0x4bc: {  	[tilespmem:s28], [sflag:$0x2] =	stream.indirect_vreg.gather [hbm4b:s6+s3], $0x80, v5, vm0, $0xb8;
	[tilespmem:$0x18480] =	vst v63  }
0x4bd: {  	s29 =	simm.s32 $0x17C80  }
0x4be: {  	[tilespmem:s29], [sflag:$0x2] =	stream.indirect_vreg.gather [hbm4b:s7+s3], $0x80, v5, vm0, $0xb8;
	[tilespmem:$0x18480] =	vst v63  }
0x4bf: {  	s0 =	rddreg [dreg:$0x15];
	_ =	swait.ge [sflag:s11], $0xC000  }
0x4c0: {  	[sflag:s11] =	ssyncset.done $0x0  }
0x4c1: {  	s30 =	rddreg [dreg:$0x12];
	[sflag:s11] =	ssyncadd.s32 $0xFFFF4000  }
0x4c2: {  	[hbm4b:s30+s3] =	stream.linear.scatter [tilespmem:s26], [sflag:$0x3], $0xC000, $0x38;
	[tilespmem:$0x18480] =	vst v63  }
0x4c3: {  	_ =	swait.ge [sflag:s13], $0xC000  }
0x4c4: {  	[sflag:s13] =	ssyncset.done $0x0  }
0x4c5: {  	s31 =	rddreg [dreg:$0x13];
	[sflag:s13] =	ssyncadd.s32 $0xFFFF4000  }
0x4c6: {  	[hbm4b:s31+s3] =	stream.linear.scatter [tilespmem:s25], [sflag:$0x4], $0xC000, $0x38;
	[tilespmem:$0x18480] =	vst v63  }
0x4c7: {  	p0 =	sne.s32 s0, $0x1;
	_ =	swait.ge [sflag:s12], $0xC000  }
.Ltmp0:
0x4c8: {  	[sflag:s12] =	ssyncset.done $0x0;
	(pc) =	sbr.rel @p0 .LBB2_1-.Ltmp0, $4  }
0x4c9: {  	[sflag:s12] =	ssyncadd.s32 $0xFFFF4000  }
0x4ca: {  	_ =	swait.ge [sflag:s14], $0xC000  }
0x4cb: {  	[sflag:s14] =	ssyncset.done $0x0  }
0x4cc: {  	s0 =	sadd.s32 $0xFFFFFFFF, s0;
	[sflag:s14] =	ssyncadd.s32 $0xFFFF4000  }
0x4cd: {  	_ =	sfence.sel $0x180000  }
0x4ce: {  	[bflag:$0x0] =	sbarrier.arrive $0xFFFF  }
0x4cf: {  	_ =	strace $0x90000047  }
0x4d0: {  	s0 =	stileid.u32;
	[bflag:$0x2] =	sbarrier.arrive $0xFFFF  }
0x4d1: {  	p0 =	sne.s32 s0, $0x0;
	s0 =	rddreg [dreg:$0x3]  }
0x4d2: {  	s0 =	sadd.s32 @!p0 $0x100000, s0  }
0x4d3: {  	[sflag:s0] =	ssyncadd.tile.s32 @!p0 $0x1;
	_ =	shalt  }
.Lfunc_end2:
_tile_overlayer_lowered:
.L_overlay_start_2:
0x4d4: {  	(tag) =	ssettag $0x2  }
0x4d5: {  	s0 =	rddreg [dreg:$0x0];
	s2 =	stileid.u32  }
0x4d6: {  	s1 =	rddreg [dreg:$0x1];
	p0 =	sne.s32 s2, $0x0  }
0x4d7: {  	s3 =	rddreg [dreg:$0x2];
	[bflag:$0x3] =	sbarrier.arrive $0xFFFF;
	s2 =	simm.s32 @!p0 $0x1C05  }
0x4d8: {  	[timem:s3], [sflag:s2] =	dma.local @!p0 [hbm:s0], s1  }
0x4d9: {  	s0 =	simm.s32 @!p0 $0x5  }
0x4da: {  	_ =	swait.ge @!p0 [sflag:s0], s1  }
0x4db: {  	s1 =	ssub.s32 @!p0 $0x0, s1;
	[sflag:s0] =	ssyncset.done @!p0 $0x0  }
0x4dc: {  	[sflag:s0] =	ssyncadd.s32 @!p0 s1  }
0x4dd: {  	[bflag:$0x3] =	sbarrier.arrive $0xFFFF  }
0x4de: {  	_ =	shalt  }

</sc_bundles>
